<compile_context>
chip_gen: v7x
topology: tpu7x:2x2x1
jax: 0.10.2.dev20260603
libtpu: 0.0.44.dev20260713+nightly
codegen_flags: <defaults>
</compile_context>

<pallas_src>
import functools

import jax
import jax.numpy as jnp
from jax import lax
from jax.experimental import pallas as pl
from jax.experimental.pallas import tpu as pltpu
from jax.experimental.pallas import tpu_sc as plsc

D_MODEL = 1024
TOTAL_TOKENS = 32768
NUM_SEGS = 16

_NC = 2
_NS = 16
_NW = _NC * _NS
_TOK_PER_W = TOTAL_TOKENS // _NW
_CHUNK = 32
_NCHUNK = _TOK_PER_W // _CHUNK
_LANES = 16


def _pos_encoding_sc(cs_pad, encoding):
    mesh = plsc.VectorSubcoreMesh(core_axis_name="c", subcore_axis_name="s")

    @functools.partial(
        pl.kernel,
        out_type=jax.ShapeDtypeStruct((TOTAL_TOKENS, D_MODEL), jnp.float32),
        mesh=mesh,
        scratch_types=[
            pltpu.VMEM((32,), jnp.int32),
            pltpu.VMEM((_TOK_PER_W,), jnp.int32),
            pltpu.VMEM((_CHUNK, D_MODEL), jnp.float32),
            pltpu.VMEM((_CHUNK, D_MODEL), jnp.float32),
            pltpu.VMEM((_CHUNK, D_MODEL), jnp.float32),
            pltpu.SemaphoreType.DMA,
            pltpu.SemaphoreType.DMA,
            pltpu.SemaphoreType.DMA,
            pltpu.SemaphoreType.DMA,
            pltpu.SemaphoreType.DMA,
            pltpu.SemaphoreType.DMA,
        ],
    )
    def body(
        cs_hbm, enc_hbm, out_hbm, cs_v, idx_v,
        rows0, rows1, rows2, gs0, gs1, gs2, ws0, ws1, ws2,
    ):
        wid = lax.axis_index("s") * _NC + lax.axis_index("c")
        base = wid * _TOK_PER_W

        pltpu.sync_copy(cs_hbm, cs_v)

        cs_vec = cs_v[pl.ds(0, _LANES)]
        dnums = lax.GatherDimensionNumbers(
            offset_dims=(), collapsed_slice_dims=(0,), start_index_map=(0,)
        )

        def bcast_lane(i):
            return lax.gather(
                cs_vec,
                jnp.full((_LANES, 1), i, jnp.int32),
                dnums,
                (1,),
                mode=lax.GatherScatterMode.PROMISE_IN_BOUNDS,
            )

        bcast = [bcast_lane(i) for i in range(1, NUM_SEGS)]

        def fill_idx(j, _):
            t = lax.iota(jnp.int32, _LANES) + (base + j * _LANES)
            off = jnp.zeros((_LANES,), jnp.int32)
            for b in bcast:
                off = jnp.where(b <= t, b, off)
            idx_v[pl.ds(j * _LANES, _LANES)] = t - off
            return 0

        lax.fori_loop(0, _TOK_PER_W // _LANES, fill_idx, 0)

        rows = (rows0, rows1, rows2)
        gsems = (gs0, gs1, gs2)
        wsems = (ws0, ws1, ws2)
        nbuf = 3
        lag = 2

        def gather(c, b):
            return pltpu.async_copy(
                enc_hbm.at[idx_v.at[pl.ds(c * _CHUNK, _CHUNK)]], rows[b], gsems[b]
            )

        def write(c, b):
            return pltpu.async_copy(
                rows[b], out_hbm.at[pl.ds(base + c * _CHUNK, _CHUNK)], wsems[b]
            )

        gd = [None] * nbuf
        wd = [None] * nbuf
        for c in range(_NCHUNK + lag):
            if c < _NCHUNK:
                b = c % nbuf
                if wd[b] is not None:
                    wd[b].wait()
                gd[b] = gather(c, b)
            if c >= lag:
                cc = c - lag
                b2 = cc % nbuf
                gd[b2].wait()
                wd[b2] = write(cc, b2)
        for c in range(_NCHUNK - nbuf, _NCHUNK):
            wd[c % nbuf].wait()

    return body(cs_pad, encoding)


def kernel(cu_seqlens, encoding):
    cs_pad = jnp.concatenate(
        [
            cu_seqlens.astype(jnp.int32),
            jnp.full((32 - (NUM_SEGS + 1),), TOTAL_TOKENS, jnp.int32),
        ]
    )
    return _pos_encoding_sc(cs_pad, encoding)

# --- scband reference (transcript-rebuilt; emitter-appended) ---
"""Pipeline reference for scband-positional-encoding-27650999451688 (READ-ONLY COPY).

The authoritative reference and input builder live on the scoring server;
editing this copy changes nothing except your own understanding.
"""

import jax, jax.numpy as jnp
import numpy as np

D_MODEL = 1024
MAX_LEN = 32768
BATCH = 16
TOTAL_TOKENS = 32768


def _build_encoding():
    pos = jnp.arange(MAX_LEN, dtype=jnp.float32)[:, None]
    _2i = jnp.arange(0, D_MODEL, 2, dtype=jnp.float32)
    enc = jnp.zeros((MAX_LEN, D_MODEL), dtype=jnp.float32)
    enc = enc.at[:, 0::2].set(jnp.sin(pos / 10000 ** (_2i / D_MODEL)))
    enc = enc.at[:, 1::2].set(jnp.cos(pos / 10000 ** (_2i / D_MODEL)))
    return enc


def setup_inputs(seed: int = 0) -> dict:
    key = jax.random.key(seed)
    cs = jnp.sort(jax.random.randint(key, (BATCH + 1,), 0, TOTAL_TOKENS, dtype=jnp.int32))
    # make it a valid cumulative-seqlen vector: starts at 0, ends at TOTAL_TOKENS
    cs = cs.at[0].set(0)
    cs = cs.at[-1].set(TOTAL_TOKENS)
    return {"cu_seqlens": cs, "encoding": _build_encoding()}


def reference(cu_seqlens, encoding):
    total = TOTAL_TOKENS
    positions = jnp.arange(total, dtype=jnp.int32)
    seg_lens = cu_seqlens[1:] - cu_seqlens[:-1]
    # torch.repeat_interleave(cu_seqlens[:-1], seg_lens)
    offset = jnp.repeat(cu_seqlens[:-1], seg_lens, total_repeat_length=total)
    positions = positions - offset
    return jnp.take(encoding, positions, axis=0)

if __name__ == "__main__":
    import jax
    _d = setup_inputs()
    print(jax.jit(kernel)(*tuple(_d.values())))

</pallas_src>

<mosaic_0001>
#map = affine_map<(d0, d1) -> (0)>
#map1 = affine_map<(d0, d1) -> (0, 0)>
module attributes {stable_mosaic.version = 14 : i64} {
  func.func @body(%arg0: i32, %arg1: i32, %arg2: memref<32xi32, #tpu.memory_space<hbm>>, %arg3: memref<32768x1024xf32, #tpu.memory_space<hbm>>, %arg4: memref<32768x1024xf32, #tpu.memory_space<hbm>>, %arg5: memref<32xi32, #tpu.memory_space<vmem>>, %arg6: memref<1024xi32, #tpu.memory_space<vmem>>, %arg7: memref<32x1024xf32, #tpu.memory_space<vmem>>, %arg8: memref<32x1024xf32, #tpu.memory_space<vmem>>, %arg9: memref<32x1024xf32, #tpu.memory_space<vmem>>, %arg10: memref<!tpu.dma_semaphore, #tpu.memory_space<semaphore_mem>>, %arg11: memref<!tpu.dma_semaphore, #tpu.memory_space<semaphore_mem>>, %arg12: memref<!tpu.dma_semaphore, #tpu.memory_space<semaphore_mem>>, %arg13: memref<!tpu.dma_semaphore, #tpu.memory_space<semaphore_mem>>, %arg14: memref<!tpu.dma_semaphore, #tpu.memory_space<semaphore_mem>>, %arg15: memref<!tpu.dma_semaphore, #tpu.memory_space<semaphore_mem>>) attributes {dimension_semantics = [#tpu.dimension_semantics<core_parallel>, #tpu.dimension_semantics<subcore_parallel>], iteration_bounds = array<i64: 2, 16>, scalar_prefetch = 0 : i64, scratch_operands = 11 : i64, tpu.core_type = #tpu.core_type<sc_vector_subcore>, window_params = [{transform_indices = #map}, {transform_indices = #map1}, {transform_indices = #map1}]} {
    %mul3A = arith.constant 2 : i32
    %mul3A_0 = arith.muli %arg1, %mul3A : i32
    %add3A = arith.addi %mul3A_0, %arg0 : i32
    %mul3A_1 = arith.constant 1024 : i32
    %mul3A_2 = arith.muli %add3A, %mul3A_1 : i32
    "tpu.region"() ({
      %run_scoped3A = tpu.sem_alloc : memref<!tpu.dma_semaphore, #tpu.memory_space<semaphore_mem>>
      tpu.enqueue_dma source(%arg2 : memref<32xi32, #tpu.memory_space<hbm>>) target(%arg5 : memref<32xi32, #tpu.memory_space<vmem>>) target_semaphore(%run_scoped3A : memref<!tpu.dma_semaphore, #tpu.memory_space<semaphore_mem>>)
      tpu.wait_dma2 semaphore(%run_scoped3A : memref<!tpu.dma_semaphore, #tpu.memory_space<semaphore_mem>>) src(%arg2 : memref<32xi32, #tpu.memory_space<hbm>>) dst(%arg5 : memref<32xi32, #tpu.memory_space<vmem>>)
      tpu.yield
    }) : () -> ()
    %get3A = arith.constant 0 : index
    %get3A_3 = tpu.vector_load %arg5[%get3A] {strides = array<i32>} : memref<32xi32, #tpu.memory_space<vmem>>, vector<16xi32>,
    %get3A_4 = vector.shape_cast %get3A_3 : vector<16xi32> to vector<16xi32>
    %broadcast_in_dim3A = arith.constant 1 : i32
    %broadcast_in_dim3A_5 = vector.broadcast %broadcast_in_dim3A : i32 to vector<16x1xi32>
    %gather3A = vector.shape_cast %broadcast_in_dim3A_5 : vector<16x1xi32> to vector<16xi32>
    %gather3A_6 = tpu.dynamic_gather %get3A_4[%gather3A] in [0] : vector<16xi32>, vector<16xi32> -> vector<16xi32>
    %broadcast_in_dim3A_7 = arith.constant 2 : i32
    %broadcast_in_dim3A_8 = vector.broadcast %broadcast_in_dim3A_7 : i32 to vector<16x1xi32>
    %gather3A_9 = vector.shape_cast %broadcast_in_dim3A_8 : vector<16x1xi32> to vector<16xi32>
    %gather3A_10 = tpu.dynamic_gather %get3A_4[%gather3A_9] in [0] : vector<16xi32>, vector<16xi32> -> vector<16xi32>
    %broadcast_in_dim3A_11 = arith.constant 3 : i32
    %broadcast_in_dim3A_12 = vector.broadcast %broadcast_in_dim3A_11 : i32 to vector<16x1xi32>
    %gather3A_13 = vector.shape_cast %broadcast_in_dim3A_12 : vector<16x1xi32> to vector<16xi32>
    %gather3A_14 = tpu.dynamic_gather %get3A_4[%gather3A_13] in [0] : vector<16xi32>, vector<16xi32> -> vector<16xi32>
    %broadcast_in_dim3A_15 = arith.constant 4 : i32
    %broadcast_in_dim3A_16 = vector.broadcast %broadcast_in_dim3A_15 : i32 to vector<16x1xi32>
    %gather3A_17 = vector.shape_cast %broadcast_in_dim3A_16 : vector<16x1xi32> to vector<16xi32>
    %gather3A_18 = tpu.dynamic_gather %get3A_4[%gather3A_17] in [0] : vector<16xi32>, vector<16xi32> -> vector<16xi32>
    %broadcast_in_dim3A_19 = arith.constant 5 : i32
    %broadcast_in_dim3A_20 = vector.broadcast %broadcast_in_dim3A_19 : i32 to vector<16x1xi32>
    %gather3A_21 = vector.shape_cast %broadcast_in_dim3A_20 : vector<16x1xi32> to vector<16xi32>
    %gather3A_22 = tpu.dynamic_gather %get3A_4[%gather3A_21] in [0] : vector<16xi32>, vector<16xi32> -> vector<16xi32>
    %broadcast_in_dim3A_23 = arith.constant 6 : i32
    %broadcast_in_dim3A_24 = vector.broadcast %broadcast_in_dim3A_23 : i32 to vector<16x1xi32>
    %gather3A_25 = vector.shape_cast %broadcast_in_dim3A_24 : vector<16x1xi32> to vector<16xi32>
    %gather3A_26 = tpu.dynamic_gather %get3A_4[%gather3A_25] in [0] : vector<16xi32>, vector<16xi32> -> vector<16xi32>
    %broadcast_in_dim3A_27 = arith.constant 7 : i32
    %broadcast_in_dim3A_28 = vector.broadcast %broadcast_in_dim3A_27 : i32 to vector<16x1xi32>
    %gather3A_29 = vector.shape_cast %broadcast_in_dim3A_28 : vector<16x1xi32> to vector<16xi32>
    %gather3A_30 = tpu.dynamic_gather %get3A_4[%gather3A_29] in [0] : vector<16xi32>, vector<16xi32> -> vector<16xi32>
    %broadcast_in_dim3A_31 = arith.constant 8 : i32
    %broadcast_in_dim3A_32 = vector.broadcast %broadcast_in_dim3A_31 : i32 to vector<16x1xi32>
    %gather3A_33 = vector.shape_cast %broadcast_in_dim3A_32 : vector<16x1xi32> to vector<16xi32>
    %gather3A_34 = tpu.dynamic_gather %get3A_4[%gather3A_33] in [0] : vector<16xi32>, vector<16xi32> -> vector<16xi32>
    %broadcast_in_dim3A_35 = arith.constant 9 : i32
    %broadcast_in_dim3A_36 = vector.broadcast %broadcast_in_dim3A_35 : i32 to vector<16x1xi32>
    %gather3A_37 = vector.shape_cast %broadcast_in_dim3A_36 : vector<16x1xi32> to vector<16xi32>
    %gather3A_38 = tpu.dynamic_gather %get3A_4[%gather3A_37] in [0] : vector<16xi32>, vector<16xi32> -> vector<16xi32>
    %broadcast_in_dim3A_39 = arith.constant 10 : i32
    %broadcast_in_dim3A_40 = vector.broadcast %broadcast_in_dim3A_39 : i32 to vector<16x1xi32>
    %gather3A_41 = vector.shape_cast %broadcast_in_dim3A_40 : vector<16x1xi32> to vector<16xi32>
    %gather3A_42 = tpu.dynamic_gather %get3A_4[%gather3A_41] in [0] : vector<16xi32>, vector<16xi32> -> vector<16xi32>
    %broadcast_in_dim3A_43 = arith.constant 11 : i32
    %broadcast_in_dim3A_44 = vector.broadcast %broadcast_in_dim3A_43 : i32 to vector<16x1xi32>
    %gather3A_45 = vector.shape_cast %broadcast_in_dim3A_44 : vector<16x1xi32> to vector<16xi32>
    %gather3A_46 = tpu.dynamic_gather %get3A_4[%gather3A_45] in [0] : vector<16xi32>, vector<16xi32> -> vector<16xi32>
    %broadcast_in_dim3A_47 = arith.constant 12 : i32
    %broadcast_in_dim3A_48 = vector.broadcast %broadcast_in_dim3A_47 : i32 to vector<16x1xi32>
    %gather3A_49 = vector.shape_cast %broadcast_in_dim3A_48 : vector<16x1xi32> to vector<16xi32>
    %gather3A_50 = tpu.dynamic_gather %get3A_4[%gather3A_49] in [0] : vector<16xi32>, vector<16xi32> -> vector<16xi32>
    %broadcast_in_dim3A_51 = arith.constant 13 : i32
    %broadcast_in_dim3A_52 = vector.broadcast %broadcast_in_dim3A_51 : i32 to vector<16x1xi32>
    %gather3A_53 = vector.shape_cast %broadcast_in_dim3A_52 : vector<16x1xi32> to vector<16xi32>
    %gather3A_54 = tpu.dynamic_gather %get3A_4[%gather3A_53] in [0] : vector<16xi32>, vector<16xi32> -> vector<16xi32>
    %broadcast_in_dim3A_55 = arith.constant 14 : i32
    %broadcast_in_dim3A_56 = vector.broadcast %broadcast_in_dim3A_55 : i32 to vector<16x1xi32>
    %gather3A_57 = vector.shape_cast %broadcast_in_dim3A_56 : vector<16x1xi32> to vector<16xi32>
    %gather3A_58 = tpu.dynamic_gather %get3A_4[%gather3A_57] in [0] : vector<16xi32>, vector<16xi32> -> vector<16xi32>
    %broadcast_in_dim3A_59 = arith.constant 15 : i32
    %broadcast_in_dim3A_60 = vector.broadcast %broadcast_in_dim3A_59 : i32 to vector<16x1xi32>
    %gather3A_61 = vector.shape_cast %broadcast_in_dim3A_60 : vector<16x1xi32> to vector<16xi32>
    %gather3A_62 = tpu.dynamic_gather %get3A_4[%gather3A_61] in [0] : vector<16xi32>, vector<16xi32> -> vector<16xi32>
    %scan3A = arith.constant 0 : i32
    %scan3A_63 = arith.constant 0 : i32
    %scan3A_64 = arith.constant 64 : i32
    %scan3A_65 = arith.addi %scan3A_63, %scan3A_64 : i32
    %scan3A_66 = arith.constant 1 : i32
    %scan3A_67 = scf.for %scan3A_707 = %scan3A_63 to %scan3A_65 step %scan3A_66 iter_args(%scan3A_708 = %scan3A) -> (i32)  : i32 {
      %iota3A = tpu.iota {dimensions = array<i32: 0>} : vector<16xi32>
      %mul3A_709 = arith.constant 16 : i32
      %mul3A_710 = arith.muli %scan3A_707, %mul3A_709 : i32
      %add3A_711 = arith.addi %mul3A_2, %mul3A_710 : i32
      %add3A_712 = vector.broadcast %add3A_711 : i32 to vector<16xi32>
      %add3A_713 = arith.addi %iota3A, %add3A_712 : vector<16xi32>
      %broadcast_in_dim3A_714 = arith.constant 0 : i32
      %broadcast_in_dim3A_715 = vector.broadcast %broadcast_in_dim3A_714 : i32 to vector<16xi32>
      %le3A = arith.cmpi sle, %gather3A_6, %add3A_713 : vector<16xi32>
      %select_n3A = arith.select %le3A, %gather3A_6, %broadcast_in_dim3A_715 : vector<16xi1>, vector<16xi32>
      %le3A_716 = arith.cmpi sle, %gather3A_10, %add3A_713 : vector<16xi32>
      %select_n3A_717 = arith.select %le3A_716, %gather3A_10, %select_n3A : vector<16xi1>, vector<16xi32>
      %le3A_718 = arith.cmpi sle, %gather3A_14, %add3A_713 : vector<16xi32>
      %select_n3A_719 = arith.select %le3A_718, %gather3A_14, %select_n3A_717 : vector<16xi1>, vector<16xi32>
      %le3A_720 = arith.cmpi sle, %gather3A_18, %add3A_713 : vector<16xi32>
      %select_n3A_721 = arith.select %le3A_720, %gather3A_18, %select_n3A_719 : vector<16xi1>, vector<16xi32>
      %le3A_722 = arith.cmpi sle, %gather3A_22, %add3A_713 : vector<16xi32>
      %select_n3A_723 = arith.select %le3A_722, %gather3A_22, %select_n3A_721 : vector<16xi1>, vector<16xi32>
      %le3A_724 = arith.cmpi sle, %gather3A_26, %add3A_713 : vector<16xi32>
      %select_n3A_725 = arith.select %le3A_724, %gather3A_26, %select_n3A_723 : vector<16xi1>, vector<16xi32>
      %le3A_726 = arith.cmpi sle, %gather3A_30, %add3A_713 : vector<16xi32>
      %select_n3A_727 = arith.select %le3A_726, %gather3A_30, %select_n3A_725 : vector<16xi1>, vector<16xi32>
      %le3A_728 = arith.cmpi sle, %gather3A_34, %add3A_713 : vector<16xi32>
      %select_n3A_729 = arith.select %le3A_728, %gather3A_34, %select_n3A_727 : vector<16xi1>, vector<16xi32>
      %le3A_730 = arith.cmpi sle, %gather3A_38, %add3A_713 : vector<16xi32>
      %select_n3A_731 = arith.select %le3A_730, %gather3A_38, %select_n3A_729 : vector<16xi1>, vector<16xi32>
      %le3A_732 = arith.cmpi sle, %gather3A_42, %add3A_713 : vector<16xi32>
      %select_n3A_733 = arith.select %le3A_732, %gather3A_42, %select_n3A_731 : vector<16xi1>, vector<16xi32>
      %le3A_734 = arith.cmpi sle, %gather3A_46, %add3A_713 : vector<16xi32>
      %select_n3A_735 = arith.select %le3A_734, %gather3A_46, %select_n3A_733 : vector<16xi1>, vector<16xi32>
      %le3A_736 = arith.cmpi sle, %gather3A_50, %add3A_713 : vector<16xi32>
      %select_n3A_737 = arith.select %le3A_736, %gather3A_50, %select_n3A_735 : vector<16xi1>, vector<16xi32>
      %le3A_738 = arith.cmpi sle, %gather3A_54, %add3A_713 : vector<16xi32>
      %select_n3A_739 = arith.select %le3A_738, %gather3A_54, %select_n3A_737 : vector<16xi1>, vector<16xi32>
      %le3A_740 = arith.cmpi sle, %gather3A_58, %add3A_713 : vector<16xi32>
      %select_n3A_741 = arith.select %le3A_740, %gather3A_58, %select_n3A_739 : vector<16xi1>, vector<16xi32>
      %le3A_742 = arith.cmpi sle, %gather3A_62, %add3A_713 : vector<16xi32>
      %select_n3A_743 = arith.select %le3A_742, %gather3A_62, %select_n3A_741 : vector<16xi1>, vector<16xi32>
      %sub3A = arith.subi %add3A_713, %select_n3A_743 : vector<16xi32>
      %mul3A_744 = arith.constant 16 : i32
      %mul3A_745 = arith.muli %scan3A_707, %mul3A_744 : i32
      %swap3A = arith.index_cast %mul3A_745 : i32 to index
      %swap3A_746 = tpu.vector_load %arg6[%swap3A] {strides = array<i32>} : memref<1024xi32, #tpu.memory_space<vmem>>, vector<16xi32>,
      %swap3A_747 = vector.shape_cast %swap3A_746 : vector<16xi32> to vector<16xi32>
      %swap3A_748 = vector.shape_cast %sub3A : vector<16xi32> to vector<16xi32>
      tpu.vector_store %arg6[%swap3A], %swap3A_748 {strides = array<i32>} : memref<1024xi32, #tpu.memory_space<vmem>>, vector<16xi32>,
      %scan3A_749 = arith.constant 0 : i32
      scf.yield %scan3A_749 : i32
    }
    %scan3A_68 = arith.constant 64 : i32
    %dma_start3A = arith.constant 0 : i32
    %dma_start3A_69 = tpu.memref_slice %arg6[%dma_start3A] : memref<1024xi32, #tpu.memory_space<vmem>> -> memref<32xi32, #tpu.memory_space<vmem>>
    %dma_start3A_70 = arith.constant 0 : i32
    %dma_start3A_71 = arith.constant 0 : i32
    %dma_start3A_72 = tpu.memref_slice %arg3[%dma_start3A_70, %dma_start3A_71] : memref<32768x1024xf32, #tpu.memory_space<hbm>> -> memref<32768x1024xf32, #tpu.memory_space<hbm>>
    tpu.enqueue_indirect_dma source(%dma_start3A_72 : memref<32768x1024xf32, #tpu.memory_space<hbm>>) target(%arg7 : memref<32x1024xf32, #tpu.memory_space<vmem>>) offsets(%dma_start3A_69 : memref<32xi32, #tpu.memory_space<vmem>>) semaphore(%arg10 : memref<!tpu.dma_semaphore, #tpu.memory_space<semaphore_mem>>)
    %dma_start3A_73 = arith.constant 32 : i32
    %dma_start3A_74 = tpu.memref_slice %arg6[%dma_start3A_73] : memref<1024xi32, #tpu.memory_space<vmem>> -> memref<32xi32, #tpu.memory_space<vmem>>
    %dma_start3A_75 = arith.constant 0 : i32
    %dma_start3A_76 = arith.constant 0 : i32
    %dma_start3A_77 = tpu.memref_slice %arg3[%dma_start3A_75, %dma_start3A_76] : memref<32768x1024xf32, #tpu.memory_space<hbm>> -> memref<32768x1024xf32, #tpu.memory_space<hbm>>
    tpu.enqueue_indirect_dma source(%dma_start3A_77 : memref<32768x1024xf32, #tpu.memory_space<hbm>>) target(%arg8 : memref<32x1024xf32, #tpu.memory_space<vmem>>) offsets(%dma_start3A_74 : memref<32xi32, #tpu.memory_space<vmem>>) semaphore(%arg11 : memref<!tpu.dma_semaphore, #tpu.memory_space<semaphore_mem>>)
    %dma_start3A_78 = arith.constant 64 : i32
    %dma_start3A_79 = tpu.memref_slice %arg6[%dma_start3A_78] : memref<1024xi32, #tpu.memory_space<vmem>> -> memref<32xi32, #tpu.memory_space<vmem>>
    %dma_start3A_80 = arith.constant 0 : i32
    %dma_start3A_81 = arith.constant 0 : i32
    %dma_start3A_82 = tpu.memref_slice %arg3[%dma_start3A_80, %dma_start3A_81] : memref<32768x1024xf32, #tpu.memory_space<hbm>> -> memref<32768x1024xf32, #tpu.memory_space<hbm>>
    tpu.enqueue_indirect_dma source(%dma_start3A_82 : memref<32768x1024xf32, #tpu.memory_space<hbm>>) target(%arg9 : memref<32x1024xf32, #tpu.memory_space<vmem>>) offsets(%dma_start3A_79 : memref<32xi32, #tpu.memory_space<vmem>>) semaphore(%arg12 : memref<!tpu.dma_semaphore, #tpu.memory_space<semaphore_mem>>)
    %dma_wait3A = arith.constant 0 : i32
    %dma_wait3A_83 = tpu.memref_slice %arg6[%dma_wait3A] : memref<1024xi32, #tpu.memory_space<vmem>> -> memref<32xi32, #tpu.memory_space<vmem>>
    %dma_wait3A_84 = arith.constant 0 : i32
    %dma_wait3A_85 = arith.constant 0 : i32
    %dma_wait3A_86 = tpu.memref_slice %arg3[%dma_wait3A_84, %dma_wait3A_85] : memref<32768x1024xf32, #tpu.memory_space<hbm>> -> memref<32768x1024xf32, #tpu.memory_space<hbm>>
    tpu.wait_indirect_dma semaphore(%arg10 : memref<!tpu.dma_semaphore, #tpu.memory_space<semaphore_mem>>) src(%dma_wait3A_86 : memref<32768x1024xf32, #tpu.memory_space<hbm>>) dst(%arg7 : memref<32x1024xf32, #tpu.memory_space<vmem>>)
    %add3A_87 = arith.constant 0 : i32
    %add3A_88 = arith.addi %mul3A_2, %add3A_87 : i32
    %dma_start3A_89 = arith.constant 0 : i32
    %dma_start3A_90 = tpu.memref_slice %arg4[%add3A_88, %dma_start3A_89] : memref<32768x1024xf32, #tpu.memory_space<hbm>> -> memref<32x1024xf32, #tpu.memory_space<hbm>>
    %dma_start3A_91 = arith.constant 0 : i32
    %dma_start3A_92 = tpu.memref_slice %arg4[%add3A_88, %dma_start3A_91] : memref<32768x1024xf32, #tpu.memory_space<hbm>> -> memref<32x1024xf32, #tpu.memory_space<hbm>>
    tpu.enqueue_dma source(%arg7 : memref<32x1024xf32, #tpu.memory_space<vmem>>) target(%dma_start3A_92 : memref<32x1024xf32, #tpu.memory_space<hbm>>) target_semaphore(%arg13 : memref<!tpu.dma_semaphore, #tpu.memory_space<semaphore_mem>>)
    %dma_wait3A_93 = arith.constant 0 : i32
    %dma_wait3A_94 = tpu.memref_slice %arg4[%add3A_88, %dma_wait3A_93] : memref<32768x1024xf32, #tpu.memory_space<hbm>> -> memref<32x1024xf32, #tpu.memory_space<hbm>>
    %dma_wait3A_95 = arith.constant 0 : i32
    %dma_wait3A_96 = tpu.memref_slice %arg4[%add3A_88, %dma_wait3A_95] : memref<32768x1024xf32, #tpu.memory_space<hbm>> -> memref<32x1024xf32, #tpu.memory_space<hbm>>
    tpu.wait_dma2 semaphore(%arg13 : memref<!tpu.dma_semaphore, #tpu.memory_space<semaphore_mem>>) src(%arg7 : memref<32x1024xf32, #tpu.memory_space<vmem>>) dst(%dma_wait3A_96 : memref<32x1024xf32, #tpu.memory_space<hbm>>)
    %dma_start3A_97 = arith.constant 96 : i32
    %dma_start3A_98 = tpu.memref_slice %arg6[%dma_start3A_97] : memref<1024xi32, #tpu.memory_space<vmem>> -> memref<32xi32, #tpu.memory_space<vmem>>
    %dma_start3A_99 = arith.constant 0 : i32
    %dma_start3A_100 = arith.constant 0 : i32
    %dma_start3A_101 = tpu.memref_slice %arg3[%dma_start3A_99, %dma_start3A_100] : memref<32768x1024xf32, #tpu.memory_space<hbm>> -> memref<32768x1024xf32, #tpu.memory_space<hbm>>
    tpu.enqueue_indirect_dma source(%dma_start3A_101 : memref<32768x1024xf32, #tpu.memory_space<hbm>>) target(%arg7 : memref<32x1024xf32, #tpu.memory_space<vmem>>) offsets(%dma_start3A_98 : memref<32xi32, #tpu.memory_space<vmem>>) semaphore(%arg10 : memref<!tpu.dma_semaphore, #tpu.memory_space<semaphore_mem>>)
    %dma_wait3A_102 = arith.constant 32 : i32
    %dma_wait3A_103 = tpu.memref_slice %arg6[%dma_wait3A_102] : memref<1024xi32, #tpu.memory_space<vmem>> -> memref<32xi32, #tpu.memory_space<vmem>>
    %dma_wait3A_104 = arith.constant 0 : i32
    %dma_wait3A_105 = arith.constant 0 : i32
    %dma_wait3A_106 = tpu.memref_slice %arg3[%dma_wait3A_104, %dma_wait3A_105] : memref<32768x1024xf32, #tpu.memory_space<hbm>> -> memref<32768x1024xf32, #tpu.memory_space<hbm>>
    tpu.wait_indirect_dma semaphore(%arg11 : memref<!tpu.dma_semaphore, #tpu.memory_space<semaphore_mem>>) src(%dma_wait3A_106 : memref<32768x1024xf32, #tpu.memory_space<hbm>>) dst(%arg8 : memref<32x1024xf32, #tpu.memory_space<vmem>>)
    %add3A_107 = arith.constant 32 : i32
    %add3A_108 = arith.addi %mul3A_2, %add3A_107 : i32
    %dma_start3A_109 = arith.constant 0 : i32
    %dma_start3A_110 = tpu.memref_slice %arg4[%add3A_108, %dma_start3A_109] : memref<32768x1024xf32, #tpu.memory_space<hbm>> -> memref<32x1024xf32, #tpu.memory_space<hbm>>
    %dma_start3A_111 = arith.constant 0 : i32
    %dma_start3A_112 = tpu.memref_slice %arg4[%add3A_108, %dma_start3A_111] : memref<32768x1024xf32, #tpu.memory_space<hbm>> -> memref<32x1024xf32, #tpu.memory_space<hbm>>
    tpu.enqueue_dma source(%arg8 : memref<32x1024xf32, #tpu.memory_space<vmem>>) target(%dma_start3A_112 : memref<32x1024xf32, #tpu.memory_space<hbm>>) target_semaphore(%arg14 : memref<!tpu.dma_semaphore, #tpu.memory_space<semaphore_mem>>)
    %dma_wait3A_113 = arith.constant 0 : i32
    %dma_wait3A_114 = tpu.memref_slice %arg4[%add3A_108, %dma_wait3A_113] : memref<32768x1024xf32, #tpu.memory_space<hbm>> -> memref<32x1024xf32, #tpu.memory_space<hbm>>
    %dma_wait3A_115 = arith.constant 0 : i32
    %dma_wait3A_116 = tpu.memref_slice %arg4[%add3A_108, %dma_wait3A_115] : memref<32768x1024xf32, #tpu.memory_space<hbm>> -> memref<32x1024xf32, #tpu.memory_space<hbm>>
    tpu.wait_dma2 semaphore(%arg14 : memref<!tpu.dma_semaphore, #tpu.memory_space<semaphore_mem>>) src(%arg8 : memref<32x1024xf32, #tpu.memory_space<vmem>>) dst(%dma_wait3A_116 : memref<32x1024xf32, #tpu.memory_space<hbm>>)
    %dma_start3A_117 = arith.constant 128 : i32
    %dma_start3A_118 = tpu.memref_slice %arg6[%dma_start3A_117] : memref<1024xi32, #tpu.memory_space<vmem>> -> memref<32xi32, #tpu.memory_space<vmem>>
    %dma_start3A_119 = arith.constant 0 : i32
    %dma_start3A_120 = arith.constant 0 : i32
    %dma_start3A_121 = tpu.memref_slice %arg3[%dma_start3A_119, %dma_start3A_120] : memref<32768x1024xf32, #tpu.memory_space<hbm>> -> memref<32768x1024xf32, #tpu.memory_space<hbm>>
    tpu.enqueue_indirect_dma source(%dma_start3A_121 : memref<32768x1024xf32, #tpu.memory_space<hbm>>) target(%arg8 : memref<32x1024xf32, #tpu.memory_space<vmem>>) offsets(%dma_start3A_118 : memref<32xi32, #tpu.memory_space<vmem>>) semaphore(%arg11 : memref<!tpu.dma_semaphore, #tpu.memory_space<semaphore_mem>>)
    %dma_wait3A_122 = arith.constant 64 : i32
    %dma_wait3A_123 = tpu.memref_slice %arg6[%dma_wait3A_122] : memref<1024xi32, #tpu.memory_space<vmem>> -> memref<32xi32, #tpu.memory_space<vmem>>
    %dma_wait3A_124 = arith.constant 0 : i32
    %dma_wait3A_125 = arith.constant 0 : i32
    %dma_wait3A_126 = tpu.memref_slice %arg3[%dma_wait3A_124, %dma_wait3A_125] : memref<32768x1024xf32, #tpu.memory_space<hbm>> -> memref<32768x1024xf32, #tpu.memory_space<hbm>>
    tpu.wait_indirect_dma semaphore(%arg12 : memref<!tpu.dma_semaphore, #tpu.memory_space<semaphore_mem>>) src(%dma_wait3A_126 : memref<32768x1024xf32, #tpu.memory_space<hbm>>) dst(%arg9 : memref<32x1024xf32, #tpu.memory_space<vmem>>)
    %add3A_127 = arith.constant 64 : i32
    %add3A_128 = arith.addi %mul3A_2, %add3A_127 : i32
    %dma_start3A_129 = arith.constant 0 : i32
    %dma_start3A_130 = tpu.memref_slice %arg4[%add3A_128, %dma_start3A_129] : memref<32768x1024xf32, #tpu.memory_space<hbm>> -> memref<32x1024xf32, #tpu.memory_space<hbm>>
    %dma_start3A_131 = arith.constant 0 : i32
    %dma_start3A_132 = tpu.memref_slice %arg4[%add3A_128, %dma_start3A_131] : memref<32768x1024xf32, #tpu.memory_space<hbm>> -> memref<32x1024xf32, #tpu.memory_space<hbm>>
    tpu.enqueue_dma source(%arg9 : memref<32x1024xf32, #tpu.memory_space<vmem>>) target(%dma_start3A_132 : memref<32x1024xf32, #tpu.memory_space<hbm>>) target_semaphore(%arg15 : memref<!tpu.dma_semaphore, #tpu.memory_space<semaphore_mem>>)
    %dma_wait3A_133 = arith.constant 0 : i32
    %dma_wait3A_134 = tpu.memref_slice %arg4[%add3A_128, %dma_wait3A_133] : memref<32768x1024xf32, #tpu.memory_space<hbm>> -> memref<32x1024xf32, #tpu.memory_space<hbm>>
    %dma_wait3A_135 = arith.constant 0 : i32
    %dma_wait3A_136 = tpu.memref_slice %arg4[%add3A_128, %dma_wait3A_135] : memref<32768x1024xf32, #tpu.memory_space<hbm>> -> memref<32x1024xf32, #tpu.memory_space<hbm>>
    tpu.wait_dma2 semaphore(%arg15 : memref<!tpu.dma_semaphore, #tpu.memory_space<semaphore_mem>>) src(%arg9 : memref<32x1024xf32, #tpu.memory_space<vmem>>) dst(%dma_wait3A_136 : memref<32x1024xf32, #tpu.memory_space<hbm>>)
    %dma_start3A_137 = arith.constant 160 : i32
    %dma_start3A_138 = tpu.memref_slice %arg6[%dma_start3A_137] : memref<1024xi32, #tpu.memory_space<vmem>> -> memref<32xi32, #tpu.memory_space<vmem>>
    %dma_start3A_139 = arith.constant 0 : i32
    %dma_start3A_140 = arith.constant 0 : i32
    %dma_start3A_141 = tpu.memref_slice %arg3[%dma_start3A_139, %dma_start3A_140] : memref<32768x1024xf32, #tpu.memory_space<hbm>> -> memref<32768x1024xf32, #tpu.memory_space<hbm>>
    tpu.enqueue_indirect_dma source(%dma_start3A_141 : memref<32768x1024xf32, #tpu.memory_space<hbm>>) target(%arg9 : memref<32x1024xf32, #tpu.memory_space<vmem>>) offsets(%dma_start3A_138 : memref<32xi32, #tpu.memory_space<vmem>>) semaphore(%arg12 : memref<!tpu.dma_semaphore, #tpu.memory_space<semaphore_mem>>)
    %dma_wait3A_142 = arith.constant 96 : i32
    %dma_wait3A_143 = tpu.memref_slice %arg6[%dma_wait3A_142] : memref<1024xi32, #tpu.memory_space<vmem>> -> memref<32xi32, #tpu.memory_space<vmem>>
    %dma_wait3A_144 = arith.constant 0 : i32
    %dma_wait3A_145 = arith.constant 0 : i32
    %dma_wait3A_146 = tpu.memref_slice %arg3[%dma_wait3A_144, %dma_wait3A_145] : memref<32768x1024xf32, #tpu.memory_space<hbm>> -> memref<32768x1024xf32, #tpu.memory_space<hbm>>
    tpu.wait_indirect_dma semaphore(%arg10 : memref<!tpu.dma_semaphore, #tpu.memory_space<semaphore_mem>>) src(%dma_wait3A_146 : memref<32768x1024xf32, #tpu.memory_space<hbm>>) dst(%arg7 : memref<32x1024xf32, #tpu.memory_space<vmem>>)
    %add3A_147 = arith.constant 96 : i32
    %add3A_148 = arith.addi %mul3A_2, %add3A_147 : i32
    %dma_start3A_149 = arith.constant 0 : i32
    %dma_start3A_150 = tpu.memref_slice %arg4[%add3A_148, %dma_start3A_149] : memref<32768x1024xf32, #tpu.memory_space<hbm>> -> memref<32x1024xf32, #tpu.memory_space<hbm>>
    %dma_start3A_151 = arith.constant 0 : i32
    %dma_start3A_152 = tpu.memref_slice %arg4[%add3A_148, %dma_start3A_151] : memref<32768x1024xf32, #tpu.memory_space<hbm>> -> memref<32x1024xf32, #tpu.memory_space<hbm>>
    tpu.enqueue_dma source(%arg7 : memref<32x1024xf32, #tpu.memory_space<vmem>>) target(%dma_start3A_152 : memref<32x1024xf32, #tpu.memory_space<hbm>>) target_semaphore(%arg13 : memref<!tpu.dma_semaphore, #tpu.memory_space<semaphore_mem>>)
    %dma_wait3A_153 = arith.constant 0 : i32
    %dma_wait3A_154 = tpu.memref_slice %arg4[%add3A_148, %dma_wait3A_153] : memref<32768x1024xf32, #tpu.memory_space<hbm>> -> memref<32x1024xf32, #tpu.memory_space<hbm>>
    %dma_wait3A_155 = arith.constant 0 : i32
    %dma_wait3A_156 = tpu.memref_slice %arg4[%add3A_148, %dma_wait3A_155] : memref<32768x1024xf32, #tpu.memory_space<hbm>> -> memref<32x1024xf32, #tpu.memory_space<hbm>>
    tpu.wait_dma2 semaphore(%arg13 : memref<!tpu.dma_semaphore, #tpu.memory_space<semaphore_mem>>) src(%arg7 : memref<32x1024xf32, #tpu.memory_space<vmem>>) dst(%dma_wait3A_156 : memref<32x1024xf32, #tpu.memory_space<hbm>>)
    %dma_start3A_157 = arith.constant 192 : i32
    %dma_start3A_158 = tpu.memref_slice %arg6[%dma_start3A_157] : memref<1024xi32, #tpu.memory_space<vmem>> -> memref<32xi32, #tpu.memory_space<vmem>>
    %dma_start3A_159 = arith.constant 0 : i32
    %dma_start3A_160 = arith.constant 0 : i32
    %dma_start3A_161 = tpu.memref_slice %arg3[%dma_start3A_159, %dma_start3A_160] : memref<32768x1024xf32, #tpu.memory_space<hbm>> -> memref<32768x1024xf32, #tpu.memory_space<hbm>>
    tpu.enqueue_indirect_dma source(%dma_start3A_161 : memref<32768x1024xf32, #tpu.memory_space<hbm>>) target(%arg7 : memref<32x1024xf32, #tpu.memory_space<vmem>>) offsets(%dma_start3A_158 : memref<32xi32, #tpu.memory_space<vmem>>) semaphore(%arg10 : memref<!tpu.dma_semaphore, #tpu.memory_space<semaphore_mem>>)
    %dma_wait3A_162 = arith.constant 128 : i32
    %dma_wait3A_163 = tpu.memref_slice %arg6[%dma_wait3A_162] : memref<1024xi32, #tpu.memory_space<vmem>> -> memref<32xi32, #tpu.memory_space<vmem>>
    %dma_wait3A_164 = arith.constant 0 : i32
    %dma_wait3A_165 = arith.constant 0 : i32
    %dma_wait3A_166 = tpu.memref_slice %arg3[%dma_wait3A_164, %dma_wait3A_165] : memref<32768x1024xf32, #tpu.memory_space<hbm>> -> memref<32768x1024xf32, #tpu.memory_space<hbm>>
    tpu.wait_indirect_dma semaphore(%arg11 : memref<!tpu.dma_semaphore, #tpu.memory_space<semaphore_mem>>) src(%dma_wait3A_166 : memref<32768x1024xf32, #tpu.memory_space<hbm>>) dst(%arg8 : memref<32x1024xf32, #tpu.memory_space<vmem>>)
    %add3A_167 = arith.constant 128 : i32
    %add3A_168 = arith.addi %mul3A_2, %add3A_167 : i32
    %dma_start3A_169 = arith.constant 0 : i32
    %dma_start3A_170 = tpu.memref_slice %arg4[%add3A_168, %dma_start3A_169] : memref<32768x1024xf32, #tpu.memory_space<hbm>> -> memref<32x1024xf32, #tpu.memory_space<hbm>>
    %dma_start3A_171 = arith.constant 0 : i32
    %dma_start3A_172 = tpu.memref_slice %arg4[%add3A_168, %dma_start3A_171] : memref<32768x1024xf32, #tpu.memory_space<hbm>> -> memref<32x1024xf32, #tpu.memory_space<hbm>>
    tpu.enqueue_dma source(%arg8 : memref<32x1024xf32, #tpu.memory_space<vmem>>) target(%dma_start3A_172 : memref<32x1024xf32, #tpu.memory_space<hbm>>) target_semaphore(%arg14 : memref<!tpu.dma_semaphore, #tpu.memory_space<semaphore_mem>>)
    %dma_wait3A_173 = arith.constant 0 : i32
    %dma_wait3A_174 = tpu.memref_slice %arg4[%add3A_168, %dma_wait3A_173] : memref<32768x1024xf32, #tpu.memory_space<hbm>> -> memref<32x1024xf32, #tpu.memory_space<hbm>>
    %dma_wait3A_175 = arith.constant 0 : i32
    %dma_wait3A_176 = tpu.memref_slice %arg4[%add3A_168, %dma_wait3A_175] : memref<32768x1024xf32, #tpu.memory_space<hbm>> -> memref<32x1024xf32, #tpu.memory_space<hbm>>
    tpu.wait_dma2 semaphore(%arg14 : memref<!tpu.dma_semaphore, #tpu.memory_space<semaphore_mem>>) src(%arg8 : memref<32x1024xf32, #tpu.memory_space<vmem>>) dst(%dma_wait3A_176 : memref<32x1024xf32, #tpu.memory_space<hbm>>)
    %dma_start3A_177 = arith.constant 224 : i32
    %dma_start3A_178 = tpu.memref_slice %arg6[%dma_start3A_177] : memref<1024xi32, #tpu.memory_space<vmem>> -> memref<32xi32, #tpu.memory_space<vmem>>
    %dma_start3A_179 = arith.constant 0 : i32
    %dma_start3A_180 = arith.constant 0 : i32
    %dma_start3A_181 = tpu.memref_slice %arg3[%dma_start3A_179, %dma_start3A_180] : memref<32768x1024xf32, #tpu.memory_space<hbm>> -> memref<32768x1024xf32, #tpu.memory_space<hbm>>
    tpu.enqueue_indirect_dma source(%dma_start3A_181 : memref<32768x1024xf32, #tpu.memory_space<hbm>>) target(%arg8 : memref<32x1024xf32, #tpu.memory_space<vmem>>) offsets(%dma_start3A_178 : memref<32xi32, #tpu.memory_space<vmem>>) semaphore(%arg11 : memref<!tpu.dma_semaphore, #tpu.memory_space<semaphore_mem>>)
    %dma_wait3A_182 = arith.constant 160 : i32
    %dma_wait3A_183 = tpu.memref_slice %arg6[%dma_wait3A_182] : memref<1024xi32, #tpu.memory_space<vmem>> -> memref<32xi32, #tpu.memory_space<vmem>>
    %dma_wait3A_184 = arith.constant 0 : i32
    %dma_wait3A_185 = arith.constant 0 : i32
    %dma_wait3A_186 = tpu.memref_slice %arg3[%dma_wait3A_184, %dma_wait3A_185] : memref<32768x1024xf32, #tpu.memory_space<hbm>> -> memref<32768x1024xf32, #tpu.memory_space<hbm>>
    tpu.wait_indirect_dma semaphore(%arg12 : memref<!tpu.dma_semaphore, #tpu.memory_space<semaphore_mem>>) src(%dma_wait3A_186 : memref<32768x1024xf32, #tpu.memory_space<hbm>>) dst(%arg9 : memref<32x1024xf32, #tpu.memory_space<vmem>>)
    %add3A_187 = arith.constant 160 : i32
    %add3A_188 = arith.addi %mul3A_2, %add3A_187 : i32
    %dma_start3A_189 = arith.constant 0 : i32
    %dma_start3A_190 = tpu.memref_slice %arg4[%add3A_188, %dma_start3A_189] : memref<32768x1024xf32, #tpu.memory_space<hbm>> -> memref<32x1024xf32, #tpu.memory_space<hbm>>
    %dma_start3A_191 = arith.constant 0 : i32
    %dma_start3A_192 = tpu.memref_slice %arg4[%add3A_188, %dma_start3A_191] : memref<32768x1024xf32, #tpu.memory_space<hbm>> -> memref<32x1024xf32, #tpu.memory_space<hbm>>
    tpu.enqueue_dma source(%arg9 : memref<32x1024xf32, #tpu.memory_space<vmem>>) target(%dma_start3A_192 : memref<32x1024xf32, #tpu.memory_space<hbm>>) target_semaphore(%arg15 : memref<!tpu.dma_semaphore, #tpu.memory_space<semaphore_mem>>)
    %dma_wait3A_193 = arith.constant 0 : i32
    %dma_wait3A_194 = tpu.memref_slice %arg4[%add3A_188, %dma_wait3A_193] : memref<32768x1024xf32, #tpu.memory_space<hbm>> -> memref<32x1024xf32, #tpu.memory_space<hbm>>
    %dma_wait3A_195 = arith.constant 0 : i32
    %dma_wait3A_196 = tpu.memref_slice %arg4[%add3A_188, %dma_wait3A_195] : memref<32768x1024xf32, #tpu.memory_space<hbm>> -> memref<32x1024xf32, #tpu.memory_space<hbm>>
    tpu.wait_dma2 semaphore(%arg15 : memref<!tpu.dma_semaphore, #tpu.memory_space<semaphore_mem>>) src(%arg9 : memref<32x1024xf32, #tpu.memory_space<vmem>>) dst(%dma_wait3A_196 : memref<32x1024xf32, #tpu.memory_space<hbm>>)
    %dma_start3A_197 = arith.constant 256 : i32
    %dma_start3A_198 = tpu.memref_slice %arg6[%dma_start3A_197] : memref<1024xi32, #tpu.memory_space<vmem>> -> memref<32xi32, #tpu.memory_space<vmem>>
    %dma_start3A_199 = arith.constant 0 : i32
    %dma_start3A_200 = arith.constant 0 : i32
    %dma_start3A_201 = tpu.memref_slice %arg3[%dma_start3A_199, %dma_start3A_200] : memref<32768x1024xf32, #tpu.memory_space<hbm>> -> memref<32768x1024xf32, #tpu.memory_space<hbm>>
    tpu.enqueue_indirect_dma source(%dma_start3A_201 : memref<32768x1024xf32, #tpu.memory_space<hbm>>) target(%arg9 : memref<32x1024xf32, #tpu.memory_space<vmem>>) offsets(%dma_start3A_198 : memref<32xi32, #tpu.memory_space<vmem>>) semaphore(%arg12 : memref<!tpu.dma_semaphore, #tpu.memory_space<semaphore_mem>>)
    %dma_wait3A_202 = arith.constant 192 : i32
    %dma_wait3A_203 = tpu.memref_slice %arg6[%dma_wait3A_202] : memref<1024xi32, #tpu.memory_space<vmem>> -> memref<32xi32, #tpu.memory_space<vmem>>
    %dma_wait3A_204 = arith.constant 0 : i32
    %dma_wait3A_205 = arith.constant 0 : i32
    %dma_wait3A_206 = tpu.memref_slice %arg3[%dma_wait3A_204, %dma_wait3A_205] : memref<32768x1024xf32, #tpu.memory_space<hbm>> -> memref<32768x1024xf32, #tpu.memory_space<hbm>>
    tpu.wait_indirect_dma semaphore(%arg10 : memref<!tpu.dma_semaphore, #tpu.memory_space<semaphore_mem>>) src(%dma_wait3A_206 : memref<32768x1024xf32, #tpu.memory_space<hbm>>) dst(%arg7 : memref<32x1024xf32, #tpu.memory_space<vmem>>)
    %add3A_207 = arith.constant 192 : i32
    %add3A_208 = arith.addi %mul3A_2, %add3A_207 : i32
    %dma_start3A_209 = arith.constant 0 : i32
    %dma_start3A_210 = tpu.memref_slice %arg4[%add3A_208, %dma_start3A_209] : memref<32768x1024xf32, #tpu.memory_space<hbm>> -> memref<32x1024xf32, #tpu.memory_space<hbm>>
    %dma_start3A_211 = arith.constant 0 : i32
    %dma_start3A_212 = tpu.memref_slice %arg4[%add3A_208, %dma_start3A_211] : memref<32768x1024xf32, #tpu.memory_space<hbm>> -> memref<32x1024xf32, #tpu.memory_space<hbm>>
    tpu.enqueue_dma source(%arg7 : memref<32x1024xf32, #tpu.memory_space<vmem>>) target(%dma_start3A_212 : memref<32x1024xf32, #tpu.memory_space<hbm>>) target_semaphore(%arg13 : memref<!tpu.dma_semaphore, #tpu.memory_space<semaphore_mem>>)
    %dma_wait3A_213 = arith.constant 0 : i32
    %dma_wait3A_214 = tpu.memref_slice %arg4[%add3A_208, %dma_wait3A_213] : memref<32768x1024xf32, #tpu.memory_space<hbm>> -> memref<32x1024xf32, #tpu.memory_space<hbm>>
    %dma_wait3A_215 = arith.constant 0 : i32
    %dma_wait3A_216 = tpu.memref_slice %arg4[%add3A_208, %dma_wait3A_215] : memref<32768x1024xf32, #tpu.memory_space<hbm>> -> memref<32x1024xf32, #tpu.memory_space<hbm>>
    tpu.wait_dma2 semaphore(%arg13 : memref<!tpu.dma_semaphore, #tpu.memory_space<semaphore_mem>>) src(%arg7 : memref<32x1024xf32, #tpu.memory_space<vmem>>) dst(%dma_wait3A_216 : memref<32x1024xf32, #tpu.memory_space<hbm>>)
    %dma_start3A_217 = arith.constant 288 : i32
    %dma_start3A_218 = tpu.memref_slice %arg6[%dma_start3A_217] : memref<1024xi32, #tpu.memory_space<vmem>> -> memref<32xi32, #tpu.memory_space<vmem>>
    %dma_start3A_219 = arith.constant 0 : i32
    %dma_start3A_220 = arith.constant 0 : i32
    %dma_start3A_221 = tpu.memref_slice %arg3[%dma_start3A_219, %dma_start3A_220] : memref<32768x1024xf32, #tpu.memory_space<hbm>> -> memref<32768x1024xf32, #tpu.memory_space<hbm>>
    tpu.enqueue_indirect_dma source(%dma_start3A_221 : memref<32768x1024xf32, #tpu.memory_space<hbm>>) target(%arg7 : memref<32x1024xf32, #tpu.memory_space<vmem>>) offsets(%dma_start3A_218 : memref<32xi32, #tpu.memory_space<vmem>>) semaphore(%arg10 : memref<!tpu.dma_semaphore, #tpu.memory_space<semaphore_mem>>)
    %dma_wait3A_222 = arith.constant 224 : i32
    %dma_wait3A_223 = tpu.memref_slice %arg6[%dma_wait3A_222] : memref<1024xi32, #tpu.memory_space<vmem>> -> memref<32xi32, #tpu.memory_space<vmem>>
    %dma_wait3A_224 = arith.constant 0 : i32
    %dma_wait3A_225 = arith.constant 0 : i32
    %dma_wait3A_226 = tpu.memref_slice %arg3[%dma_wait3A_224, %dma_wait3A_225] : memref<32768x1024xf32, #tpu.memory_space<hbm>> -> memref<32768x1024xf32, #tpu.memory_space<hbm>>
    tpu.wait_indirect_dma semaphore(%arg11 : memref<!tpu.dma_semaphore, #tpu.memory_space<semaphore_mem>>) src(%dma_wait3A_226 : memref<32768x1024xf32, #tpu.memory_space<hbm>>) dst(%arg8 : memref<32x1024xf32, #tpu.memory_space<vmem>>)
    %add3A_227 = arith.constant 224 : i32
    %add3A_228 = arith.addi %mul3A_2, %add3A_227 : i32
    %dma_start3A_229 = arith.constant 0 : i32
    %dma_start3A_230 = tpu.memref_slice %arg4[%add3A_228, %dma_start3A_229] : memref<32768x1024xf32, #tpu.memory_space<hbm>> -> memref<32x1024xf32, #tpu.memory_space<hbm>>
    %dma_start3A_231 = arith.constant 0 : i32
    %dma_start3A_232 = tpu.memref_slice %arg4[%add3A_228, %dma_start3A_231] : memref<32768x1024xf32, #tpu.memory_space<hbm>> -> memref<32x1024xf32, #tpu.memory_space<hbm>>
    tpu.enqueue_dma source(%arg8 : memref<32x1024xf32, #tpu.memory_space<vmem>>) target(%dma_start3A_232 : memref<32x1024xf32, #tpu.memory_space<hbm>>) target_semaphore(%arg14 : memref<!tpu.dma_semaphore, #tpu.memory_space<semaphore_mem>>)
    %dma_wait3A_233 = arith.constant 0 : i32
    %dma_wait3A_234 = tpu.memref_slice %arg4[%add3A_228, %dma_wait3A_233] : memref<32768x1024xf32, #tpu.memory_space<hbm>> -> memref<32x1024xf32, #tpu.memory_space<hbm>>
    %dma_wait3A_235 = arith.constant 0 : i32
    %dma_wait3A_236 = tpu.memref_slice %arg4[%add3A_228, %dma_wait3A_235] : memref<32768x1024xf32, #tpu.memory_space<hbm>> -> memref<32x1024xf32, #tpu.memory_space<hbm>>
    tpu.wait_dma2 semaphore(%arg14 : memref<!tpu.dma_semaphore, #tpu.memory_space<semaphore_mem>>) src(%arg8 : memref<32x1024xf32, #tpu.memory_space<vmem>>) dst(%dma_wait3A_236 : memref<32x1024xf32, #tpu.memory_space<hbm>>)
    %dma_start3A_237 = arith.constant 320 : i32
    %dma_start3A_238 = tpu.memref_slice %arg6[%dma_start3A_237] : memref<1024xi32, #tpu.memory_space<vmem>> -> memref<32xi32, #tpu.memory_space<vmem>>
    %dma_start3A_239 = arith.constant 0 : i32
    %dma_start3A_240 = arith.constant 0 : i32
    %dma_start3A_241 = tpu.memref_slice %arg3[%dma_start3A_239, %dma_start3A_240] : memref<32768x1024xf32, #tpu.memory_space<hbm>> -> memref<32768x1024xf32, #tpu.memory_space<hbm>>
    tpu.enqueue_indirect_dma source(%dma_start3A_241 : memref<32768x1024xf32, #tpu.memory_space<hbm>>) target(%arg8 : memref<32x1024xf32, #tpu.memory_space<vmem>>) offsets(%dma_start3A_238 : memref<32xi32, #tpu.memory_space<vmem>>) semaphore(%arg11 : memref<!tpu.dma_semaphore, #tpu.memory_space<semaphore_mem>>)
    %dma_wait3A_242 = arith.constant 256 : i32
    %dma_wait3A_243 = tpu.memref_slice %arg6[%dma_wait3A_242] : memref<1024xi32, #tpu.memory_space<vmem>> -> memref<32xi32, #tpu.memory_space<vmem>>
    %dma_wait3A_244 = arith.constant 0 : i32
    %dma_wait3A_245 = arith.constant 0 : i32
    %dma_wait3A_246 = tpu.memref_slice %arg3[%dma_wait3A_244, %dma_wait3A_245] : memref<32768x1024xf32, #tpu.memory_space<hbm>> -> memref<32768x1024xf32, #tpu.memory_space<hbm>>
    tpu.wait_indirect_dma semaphore(%arg12 : memref<!tpu.dma_semaphore, #tpu.memory_space<semaphore_mem>>) src(%dma_wait3A_246 : memref<32768x1024xf32, #tpu.memory_space<hbm>>) dst(%arg9 : memref<32x1024xf32, #tpu.memory_space<vmem>>)
    %add3A_247 = arith.constant 256 : i32
    %add3A_248 = arith.addi %mul3A_2, %add3A_247 : i32
    %dma_start3A_249 = arith.constant 0 : i32
    %dma_start3A_250 = tpu.memref_slice %arg4[%add3A_248, %dma_start3A_249] : memref<32768x1024xf32, #tpu.memory_space<hbm>> -> memref<32x1024xf32, #tpu.memory_space<hbm>>
    %dma_start3A_251 = arith.constant 0 : i32
    %dma_start3A_252 = tpu.memref_slice %arg4[%add3A_248, %dma_start3A_251] : memref<32768x1024xf32, #tpu.memory_space<hbm>> -> memref<32x1024xf32, #tpu.memory_space<hbm>>
    tpu.enqueue_dma source(%arg9 : memref<32x1024xf32, #tpu.memory_space<vmem>>) target(%dma_start3A_252 : memref<32x1024xf32, #tpu.memory_space<hbm>>) target_semaphore(%arg15 : memref<!tpu.dma_semaphore, #tpu.memory_space<semaphore_mem>>)
    %dma_wait3A_253 = arith.constant 0 : i32
    %dma_wait3A_254 = tpu.memref_slice %arg4[%add3A_248, %dma_wait3A_253] : memref<32768x1024xf32, #tpu.memory_space<hbm>> -> memref<32x1024xf32, #tpu.memory_space<hbm>>
    %dma_wait3A_255 = arith.constant 0 : i32
    %dma_wait3A_256 = tpu.memref_slice %arg4[%add3A_248, %dma_wait3A_255] : memref<32768x1024xf32, #tpu.memory_space<hbm>> -> memref<32x1024xf32, #tpu.memory_space<hbm>>
    tpu.wait_dma2 semaphore(%arg15 : memref<!tpu.dma_semaphore, #tpu.memory_space<semaphore_mem>>) src(%arg9 : memref<32x1024xf32, #tpu.memory_space<vmem>>) dst(%dma_wait3A_256 : memref<32x1024xf32, #tpu.memory_space<hbm>>)
    %dma_start3A_257 = arith.constant 352 : i32
    %dma_start3A_258 = tpu.memref_slice %arg6[%dma_start3A_257] : memref<1024xi32, #tpu.memory_space<vmem>> -> memref<32xi32, #tpu.memory_space<vmem>>
    %dma_start3A_259 = arith.constant 0 : i32
    %dma_start3A_260 = arith.constant 0 : i32
    %dma_start3A_261 = tpu.memref_slice %arg3[%dma_start3A_259, %dma_start3A_260] : memref<32768x1024xf32, #tpu.memory_space<hbm>> -> memref<32768x1024xf32, #tpu.memory_space<hbm>>
    tpu.enqueue_indirect_dma source(%dma_start3A_261 : memref<32768x1024xf32, #tpu.memory_space<hbm>>) target(%arg9 : memref<32x1024xf32, #tpu.memory_space<vmem>>) offsets(%dma_start3A_258 : memref<32xi32, #tpu.memory_space<vmem>>) semaphore(%arg12 : memref<!tpu.dma_semaphore, #tpu.memory_space<semaphore_mem>>)
    %dma_wait3A_262 = arith.constant 288 : i32
    %dma_wait3A_263 = tpu.memref_slice %arg6[%dma_wait3A_262] : memref<1024xi32, #tpu.memory_space<vmem>> -> memref<32xi32, #tpu.memory_space<vmem>>
    %dma_wait3A_264 = arith.constant 0 : i32
    %dma_wait3A_265 = arith.constant 0 : i32
    %dma_wait3A_266 = tpu.memref_slice %arg3[%dma_wait3A_264, %dma_wait3A_265] : memref<32768x1024xf32, #tpu.memory_space<hbm>> -> memref<32768x1024xf32, #tpu.memory_space<hbm>>
    tpu.wait_indirect_dma semaphore(%arg10 : memref<!tpu.dma_semaphore, #tpu.memory_space<semaphore_mem>>) src(%dma_wait3A_266 : memref<32768x1024xf32, #tpu.memory_space<hbm>>) dst(%arg7 : memref<32x1024xf32, #tpu.memory_space<vmem>>)
    %add3A_267 = arith.constant 288 : i32
    %add3A_268 = arith.addi %mul3A_2, %add3A_267 : i32
    %dma_start3A_269 = arith.constant 0 : i32
    %dma_start3A_270 = tpu.memref_slice %arg4[%add3A_268, %dma_start3A_269] : memref<32768x1024xf32, #tpu.memory_space<hbm>> -> memref<32x1024xf32, #tpu.memory_space<hbm>>
    %dma_start3A_271 = arith.constant 0 : i32
    %dma_start3A_272 = tpu.memref_slice %arg4[%add3A_268, %dma_start3A_271] : memref<32768x1024xf32, #tpu.memory_space<hbm>> -> memref<32x1024xf32, #tpu.memory_space<hbm>>
    tpu.enqueue_dma source(%arg7 : memref<32x1024xf32, #tpu.memory_space<vmem>>) target(%dma_start3A_272 : memref<32x1024xf32, #tpu.memory_space<hbm>>) target_semaphore(%arg13 : memref<!tpu.dma_semaphore, #tpu.memory_space<semaphore_mem>>)
    %dma_wait3A_273 = arith.constant 0 : i32
    %dma_wait3A_274 = tpu.memref_slice %arg4[%add3A_268, %dma_wait3A_273] : memref<32768x1024xf32, #tpu.memory_space<hbm>> -> memref<32x1024xf32, #tpu.memory_space<hbm>>
    %dma_wait3A_275 = arith.constant 0 : i32
    %dma_wait3A_276 = tpu.memref_slice %arg4[%add3A_268, %dma_wait3A_275] : memref<32768x1024xf32, #tpu.memory_space<hbm>> -> memref<32x1024xf32, #tpu.memory_space<hbm>>
    tpu.wait_dma2 semaphore(%arg13 : memref<!tpu.dma_semaphore, #tpu.memory_space<semaphore_mem>>) src(%arg7 : memref<32x1024xf32, #tpu.memory_space<vmem>>) dst(%dma_wait3A_276 : memref<32x1024xf32, #tpu.memory_space<hbm>>)
    %dma_start3A_277 = arith.constant 384 : i32
    %dma_start3A_278 = tpu.memref_slice %arg6[%dma_start3A_277] : memref<1024xi32, #tpu.memory_space<vmem>> -> memref<32xi32, #tpu.memory_space<vmem>>
    %dma_start3A_279 = arith.constant 0 : i32
    %dma_start3A_280 = arith.constant 0 : i32
    %dma_start3A_281 = tpu.memref_slice %arg3[%dma_start3A_279, %dma_start3A_280] : memref<32768x1024xf32, #tpu.memory_space<hbm>> -> memref<32768x1024xf32, #tpu.memory_space<hbm>>
    tpu.enqueue_indirect_dma source(%dma_start3A_281 : memref<32768x1024xf32, #tpu.memory_space<hbm>>) target(%arg7 : memref<32x1024xf32, #tpu.memory_space<vmem>>) offsets(%dma_start3A_278 : memref<32xi32, #tpu.memory_space<vmem>>) semaphore(%arg10 : memref<!tpu.dma_semaphore, #tpu.memory_space<semaphore_mem>>)
    %dma_wait3A_282 = arith.constant 320 : i32
    %dma_wait3A_283 = tpu.memref_slice %arg6[%dma_wait3A_282] : memref<1024xi32, #tpu.memory_space<vmem>> -> memref<32xi32, #tpu.memory_space<vmem>>
    %dma_wait3A_284 = arith.constant 0 : i32
    %dma_wait3A_285 = arith.constant 0 : i32
    %dma_wait3A_286 = tpu.memref_slice %arg3[%dma_wait3A_284, %dma_wait3A_285] : memref<32768x1024xf32, #tpu.memory_space<hbm>> -> memref<32768x1024xf32, #tpu.memory_space<hbm>>
    tpu.wait_indirect_dma semaphore(%arg11 : memref<!tpu.dma_semaphore, #tpu.memory_space<semaphore_mem>>) src(%dma_wait3A_286 : memref<32768x1024xf32, #tpu.memory_space<hbm>>) dst(%arg8 : memref<32x1024xf32, #tpu.memory_space<vmem>>)
    %add3A_287 = arith.constant 320 : i32
    %add3A_288 = arith.addi %mul3A_2, %add3A_287 : i32
    %dma_start3A_289 = arith.constant 0 : i32
    %dma_start3A_290 = tpu.memref_slice %arg4[%add3A_288, %dma_start3A_289] : memref<32768x1024xf32, #tpu.memory_space<hbm>> -> memref<32x1024xf32, #tpu.memory_space<hbm>>
    %dma_start3A_291 = arith.constant 0 : i32
    %dma_start3A_292 = tpu.memref_slice %arg4[%add3A_288, %dma_start3A_291] : memref<32768x1024xf32, #tpu.memory_space<hbm>> -> memref<32x1024xf32, #tpu.memory_space<hbm>>
    tpu.enqueue_dma source(%arg8 : memref<32x1024xf32, #tpu.memory_space<vmem>>) target(%dma_start3A_292 : memref<32x1024xf32, #tpu.memory_space<hbm>>) target_semaphore(%arg14 : memref<!tpu.dma_semaphore, #tpu.memory_space<semaphore_mem>>)
    %dma_wait3A_293 = arith.constant 0 : i32
    %dma_wait3A_294 = tpu.memref_slice %arg4[%add3A_288, %dma_wait3A_293] : memref<32768x1024xf32, #tpu.memory_space<hbm>> -> memref<32x1024xf32, #tpu.memory_space<hbm>>
    %dma_wait3A_295 = arith.constant 0 : i32
    %dma_wait3A_296 = tpu.memref_slice %arg4[%add3A_288, %dma_wait3A_295] : memref<32768x1024xf32, #tpu.memory_space<hbm>> -> memref<32x1024xf32, #tpu.memory_space<hbm>>
    tpu.wait_dma2 semaphore(%arg14 : memref<!tpu.dma_semaphore, #tpu.memory_space<semaphore_mem>>) src(%arg8 : memref<32x1024xf32, #tpu.memory_space<vmem>>) dst(%dma_wait3A_296 : memref<32x1024xf32, #tpu.memory_space<hbm>>)
    %dma_start3A_297 = arith.constant 416 : i32
    %dma_start3A_298 = tpu.memref_slice %arg6[%dma_start3A_297] : memref<1024xi32, #tpu.memory_space<vmem>> -> memref<32xi32, #tpu.memory_space<vmem>>
    %dma_start3A_299 = arith.constant 0 : i32
    %dma_start3A_300 = arith.constant 0 : i32
    %dma_start3A_301 = tpu.memref_slice %arg3[%dma_start3A_299, %dma_start3A_300] : memref<32768x1024xf32, #tpu.memory_space<hbm>> -> memref<32768x1024xf32, #tpu.memory_space<hbm>>
    tpu.enqueue_indirect_dma source(%dma_start3A_301 : memref<32768x1024xf32, #tpu.memory_space<hbm>>) target(%arg8 : memref<32x1024xf32, #tpu.memory_space<vmem>>) offsets(%dma_start3A_298 : memref<32xi32, #tpu.memory_space<vmem>>) semaphore(%arg11 : memref<!tpu.dma_semaphore, #tpu.memory_space<semaphore_mem>>)
    %dma_wait3A_302 = arith.constant 352 : i32
    %dma_wait3A_303 = tpu.memref_slice %arg6[%dma_wait3A_302] : memref<1024xi32, #tpu.memory_space<vmem>> -> memref<32xi32, #tpu.memory_space<vmem>>
    %dma_wait3A_304 = arith.constant 0 : i32
    %dma_wait3A_305 = arith.constant 0 : i32
    %dma_wait3A_306 = tpu.memref_slice %arg3[%dma_wait3A_304, %dma_wait3A_305] : memref<32768x1024xf32, #tpu.memory_space<hbm>> -> memref<32768x1024xf32, #tpu.memory_space<hbm>>
    tpu.wait_indirect_dma semaphore(%arg12 : memref<!tpu.dma_semaphore, #tpu.memory_space<semaphore_mem>>) src(%dma_wait3A_306 : memref<32768x1024xf32, #tpu.memory_space<hbm>>) dst(%arg9 : memref<32x1024xf32, #tpu.memory_space<vmem>>)
    %add3A_307 = arith.constant 352 : i32
    %add3A_308 = arith.addi %mul3A_2, %add3A_307 : i32
    %dma_start3A_309 = arith.constant 0 : i32
    %dma_start3A_310 = tpu.memref_slice %arg4[%add3A_308, %dma_start3A_309] : memref<32768x1024xf32, #tpu.memory_space<hbm>> -> memref<32x1024xf32, #tpu.memory_space<hbm>>
    %dma_start3A_311 = arith.constant 0 : i32
    %dma_start3A_312 = tpu.memref_slice %arg4[%add3A_308, %dma_start3A_311] : memref<32768x1024xf32, #tpu.memory_space<hbm>> -> memref<32x1024xf32, #tpu.memory_space<hbm>>
    tpu.enqueue_dma source(%arg9 : memref<32x1024xf32, #tpu.memory_space<vmem>>) target(%dma_start3A_312 : memref<32x1024xf32, #tpu.memory_space<hbm>>) target_semaphore(%arg15 : memref<!tpu.dma_semaphore, #tpu.memory_space<semaphore_mem>>)
    %dma_wait3A_313 = arith.constant 0 : i32
    %dma_wait3A_314 = tpu.memref_slice %arg4[%add3A_308, %dma_wait3A_313] : memref<32768x1024xf32, #tpu.memory_space<hbm>> -> memref<32x1024xf32, #tpu.memory_space<hbm>>
    %dma_wait3A_315 = arith.constant 0 : i32
    %dma_wait3A_316 = tpu.memref_slice %arg4[%add3A_308, %dma_wait3A_315] : memref<32768x1024xf32, #tpu.memory_space<hbm>> -> memref<32x1024xf32, #tpu.memory_space<hbm>>
    tpu.wait_dma2 semaphore(%arg15 : memref<!tpu.dma_semaphore, #tpu.memory_space<semaphore_mem>>) src(%arg9 : memref<32x1024xf32, #tpu.memory_space<vmem>>) dst(%dma_wait3A_316 : memref<32x1024xf32, #tpu.memory_space<hbm>>)
    %dma_start3A_317 = arith.constant 448 : i32
    %dma_start3A_318 = tpu.memref_slice %arg6[%dma_start3A_317] : memref<1024xi32, #tpu.memory_space<vmem>> -> memref<32xi32, #tpu.memory_space<vmem>>
    %dma_start3A_319 = arith.constant 0 : i32
    %dma_start3A_320 = arith.constant 0 : i32
    %dma_start3A_321 = tpu.memref_slice %arg3[%dma_start3A_319, %dma_start3A_320] : memref<32768x1024xf32, #tpu.memory_space<hbm>> -> memref<32768x1024xf32, #tpu.memory_space<hbm>>
    tpu.enqueue_indirect_dma source(%dma_start3A_321 : memref<32768x1024xf32, #tpu.memory_space<hbm>>) target(%arg9 : memref<32x1024xf32, #tpu.memory_space<vmem>>) offsets(%dma_start3A_318 : memref<32xi32, #tpu.memory_space<vmem>>) semaphore(%arg12 : memref<!tpu.dma_semaphore, #tpu.memory_space<semaphore_mem>>)
    %dma_wait3A_322 = arith.constant 384 : i32
    %dma_wait3A_323 = tpu.memref_slice %arg6[%dma_wait3A_322] : memref<1024xi32, #tpu.memory_space<vmem>> -> memref<32xi32, #tpu.memory_space<vmem>>
    %dma_wait3A_324 = arith.constant 0 : i32
    %dma_wait3A_325 = arith.constant 0 : i32
    %dma_wait3A_326 = tpu.memref_slice %arg3[%dma_wait3A_324, %dma_wait3A_325] : memref<32768x1024xf32, #tpu.memory_space<hbm>> -> memref<32768x1024xf32, #tpu.memory_space<hbm>>
    tpu.wait_indirect_dma semaphore(%arg10 : memref<!tpu.dma_semaphore, #tpu.memory_space<semaphore_mem>>) src(%dma_wait3A_326 : memref<32768x1024xf32, #tpu.memory_space<hbm>>) dst(%arg7 : memref<32x1024xf32, #tpu.memory_space<vmem>>)
    %add3A_327 = arith.constant 384 : i32
    %add3A_328 = arith.addi %mul3A_2, %add3A_327 : i32
    %dma_start3A_329 = arith.constant 0 : i32
    %dma_start3A_330 = tpu.memref_slice %arg4[%add3A_328, %dma_start3A_329] : memref<32768x1024xf32, #tpu.memory_space<hbm>> -> memref<32x1024xf32, #tpu.memory_space<hbm>>
    %dma_start3A_331 = arith.constant 0 : i32
    %dma_start3A_332 = tpu.memref_slice %arg4[%add3A_328, %dma_start3A_331] : memref<32768x1024xf32, #tpu.memory_space<hbm>> -> memref<32x1024xf32, #tpu.memory_space<hbm>>
    tpu.enqueue_dma source(%arg7 : memref<32x1024xf32, #tpu.memory_space<vmem>>) target(%dma_start3A_332 : memref<32x1024xf32, #tpu.memory_space<hbm>>) target_semaphore(%arg13 : memref<!tpu.dma_semaphore, #tpu.memory_space<semaphore_mem>>)
    %dma_wait3A_333 = arith.constant 0 : i32
    %dma_wait3A_334 = tpu.memref_slice %arg4[%add3A_328, %dma_wait3A_333] : memref<32768x1024xf32, #tpu.memory_space<hbm>> -> memref<32x1024xf32, #tpu.memory_space<hbm>>
    %dma_wait3A_335 = arith.constant 0 : i32
    %dma_wait3A_336 = tpu.memref_slice %arg4[%add3A_328, %dma_wait3A_335] : memref<32768x1024xf32, #tpu.memory_space<hbm>> -> memref<32x1024xf32, #tpu.memory_space<hbm>>
    tpu.wait_dma2 semaphore(%arg13 : memref<!tpu.dma_semaphore, #tpu.memory_space<semaphore_mem>>) src(%arg7 : memref<32x1024xf32, #tpu.memory_space<vmem>>) dst(%dma_wait3A_336 : memref<32x1024xf32, #tpu.memory_space<hbm>>)
    %dma_start3A_337 = arith.constant 480 : i32
    %dma_start3A_338 = tpu.memref_slice %arg6[%dma_start3A_337] : memref<1024xi32, #tpu.memory_space<vmem>> -> memref<32xi32, #tpu.memory_space<vmem>>
    %dma_start3A_339 = arith.constant 0 : i32
    %dma_start3A_340 = arith.constant 0 : i32
    %dma_start3A_341 = tpu.memref_slice %arg3[%dma_start3A_339, %dma_start3A_340] : memref<32768x1024xf32, #tpu.memory_space<hbm>> -> memref<32768x1024xf32, #tpu.memory_space<hbm>>
    tpu.enqueue_indirect_dma source(%dma_start3A_341 : memref<32768x1024xf32, #tpu.memory_space<hbm>>) target(%arg7 : memref<32x1024xf32, #tpu.memory_space<vmem>>) offsets(%dma_start3A_338 : memref<32xi32, #tpu.memory_space<vmem>>) semaphore(%arg10 : memref<!tpu.dma_semaphore, #tpu.memory_space<semaphore_mem>>)
    %dma_wait3A_342 = arith.constant 416 : i32
    %dma_wait3A_343 = tpu.memref_slice %arg6[%dma_wait3A_342] : memref<1024xi32, #tpu.memory_space<vmem>> -> memref<32xi32, #tpu.memory_space<vmem>>
    %dma_wait3A_344 = arith.constant 0 : i32
    %dma_wait3A_345 = arith.constant 0 : i32
    %dma_wait3A_346 = tpu.memref_slice %arg3[%dma_wait3A_344, %dma_wait3A_345] : memref<32768x1024xf32, #tpu.memory_space<hbm>> -> memref<32768x1024xf32, #tpu.memory_space<hbm>>
    tpu.wait_indirect_dma semaphore(%arg11 : memref<!tpu.dma_semaphore, #tpu.memory_space<semaphore_mem>>) src(%dma_wait3A_346 : memref<32768x1024xf32, #tpu.memory_space<hbm>>) dst(%arg8 : memref<32x1024xf32, #tpu.memory_space<vmem>>)
    %add3A_347 = arith.constant 416 : i32
    %add3A_348 = arith.addi %mul3A_2, %add3A_347 : i32
    %dma_start3A_349 = arith.constant 0 : i32
    %dma_start3A_350 = tpu.memref_slice %arg4[%add3A_348, %dma_start3A_349] : memref<32768x1024xf32, #tpu.memory_space<hbm>> -> memref<32x1024xf32, #tpu.memory_space<hbm>>
    %dma_start3A_351 = arith.constant 0 : i32
    %dma_start3A_352 = tpu.memref_slice %arg4[%add3A_348, %dma_start3A_351] : memref<32768x1024xf32, #tpu.memory_space<hbm>> -> memref<32x1024xf32, #tpu.memory_space<hbm>>
    tpu.enqueue_dma source(%arg8 : memref<32x1024xf32, #tpu.memory_space<vmem>>) target(%dma_start3A_352 : memref<32x1024xf32, #tpu.memory_space<hbm>>) target_semaphore(%arg14 : memref<!tpu.dma_semaphore, #tpu.memory_space<semaphore_mem>>)
    %dma_wait3A_353 = arith.constant 0 : i32
    %dma_wait3A_354 = tpu.memref_slice %arg4[%add3A_348, %dma_wait3A_353] : memref<32768x1024xf32, #tpu.memory_space<hbm>> -> memref<32x1024xf32, #tpu.memory_space<hbm>>
    %dma_wait3A_355 = arith.constant 0 : i32
    %dma_wait3A_356 = tpu.memref_slice %arg4[%add3A_348, %dma_wait3A_355] : memref<32768x1024xf32, #tpu.memory_space<hbm>> -> memref<32x1024xf32, #tpu.memory_space<hbm>>
    tpu.wait_dma2 semaphore(%arg14 : memref<!tpu.dma_semaphore, #tpu.memory_space<semaphore_mem>>) src(%arg8 : memref<32x1024xf32, #tpu.memory_space<vmem>>) dst(%dma_wait3A_356 : memref<32x1024xf32, #tpu.memory_space<hbm>>)
    %dma_start3A_357 = arith.constant 512 : i32
    %dma_start3A_358 = tpu.memref_slice %arg6[%dma_start3A_357] : memref<1024xi32, #tpu.memory_space<vmem>> -> memref<32xi32, #tpu.memory_space<vmem>>
    %dma_start3A_359 = arith.constant 0 : i32
    %dma_start3A_360 = arith.constant 0 : i32
    %dma_start3A_361 = tpu.memref_slice %arg3[%dma_start3A_359, %dma_start3A_360] : memref<32768x1024xf32, #tpu.memory_space<hbm>> -> memref<32768x1024xf32, #tpu.memory_space<hbm>>
    tpu.enqueue_indirect_dma source(%dma_start3A_361 : memref<32768x1024xf32, #tpu.memory_space<hbm>>) target(%arg8 : memref<32x1024xf32, #tpu.memory_space<vmem>>) offsets(%dma_start3A_358 : memref<32xi32, #tpu.memory_space<vmem>>) semaphore(%arg11 : memref<!tpu.dma_semaphore, #tpu.memory_space<semaphore_mem>>)
    %dma_wait3A_362 = arith.constant 448 : i32
    %dma_wait3A_363 = tpu.memref_slice %arg6[%dma_wait3A_362] : memref<1024xi32, #tpu.memory_space<vmem>> -> memref<32xi32, #tpu.memory_space<vmem>>
    %dma_wait3A_364 = arith.constant 0 : i32
    %dma_wait3A_365 = arith.constant 0 : i32
    %dma_wait3A_366 = tpu.memref_slice %arg3[%dma_wait3A_364, %dma_wait3A_365] : memref<32768x1024xf32, #tpu.memory_space<hbm>> -> memref<32768x1024xf32, #tpu.memory_space<hbm>>
    tpu.wait_indirect_dma semaphore(%arg12 : memref<!tpu.dma_semaphore, #tpu.memory_space<semaphore_mem>>) src(%dma_wait3A_366 : memref<32768x1024xf32, #tpu.memory_space<hbm>>) dst(%arg9 : memref<32x1024xf32, #tpu.memory_space<vmem>>)
    %add3A_367 = arith.constant 448 : i32
    %add3A_368 = arith.addi %mul3A_2, %add3A_367 : i32
    %dma_start3A_369 = arith.constant 0 : i32
    %dma_start3A_370 = tpu.memref_slice %arg4[%add3A_368, %dma_start3A_369] : memref<32768x1024xf32, #tpu.memory_space<hbm>> -> memref<32x1024xf32, #tpu.memory_space<hbm>>
    %dma_start3A_371 = arith.constant 0 : i32
    %dma_start3A_372 = tpu.memref_slice %arg4[%add3A_368, %dma_start3A_371] : memref<32768x1024xf32, #tpu.memory_space<hbm>> -> memref<32x1024xf32, #tpu.memory_space<hbm>>
    tpu.enqueue_dma source(%arg9 : memref<32x1024xf32, #tpu.memory_space<vmem>>) target(%dma_start3A_372 : memref<32x1024xf32, #tpu.memory_space<hbm>>) target_semaphore(%arg15 : memref<!tpu.dma_semaphore, #tpu.memory_space<semaphore_mem>>)
    %dma_wait3A_373 = arith.constant 0 : i32
    %dma_wait3A_374 = tpu.memref_slice %arg4[%add3A_368, %dma_wait3A_373] : memref<32768x1024xf32, #tpu.memory_space<hbm>> -> memref<32x1024xf32, #tpu.memory_space<hbm>>
    %dma_wait3A_375 = arith.constant 0 : i32
    %dma_wait3A_376 = tpu.memref_slice %arg4[%add3A_368, %dma_wait3A_375] : memref<32768x1024xf32, #tpu.memory_space<hbm>> -> memref<32x1024xf32, #tpu.memory_space<hbm>>
    tpu.wait_dma2 semaphore(%arg15 : memref<!tpu.dma_semaphore, #tpu.memory_space<semaphore_mem>>) src(%arg9 : memref<32x1024xf32, #tpu.memory_space<vmem>>) dst(%dma_wait3A_376 : memref<32x1024xf32, #tpu.memory_space<hbm>>)
    %dma_start3A_377 = arith.constant 544 : i32
    %dma_start3A_378 = tpu.memref_slice %arg6[%dma_start3A_377] : memref<1024xi32, #tpu.memory_space<vmem>> -> memref<32xi32, #tpu.memory_space<vmem>>
    %dma_start3A_379 = arith.constant 0 : i32
    %dma_start3A_380 = arith.constant 0 : i32
    %dma_start3A_381 = tpu.memref_slice %arg3[%dma_start3A_379, %dma_start3A_380] : memref<32768x1024xf32, #tpu.memory_space<hbm>> -> memref<32768x1024xf32, #tpu.memory_space<hbm>>
    tpu.enqueue_indirect_dma source(%dma_start3A_381 : memref<32768x1024xf32, #tpu.memory_space<hbm>>) target(%arg9 : memref<32x1024xf32, #tpu.memory_space<vmem>>) offsets(%dma_start3A_378 : memref<32xi32, #tpu.memory_space<vmem>>) semaphore(%arg12 : memref<!tpu.dma_semaphore, #tpu.memory_space<semaphore_mem>>)
    %dma_wait3A_382 = arith.constant 480 : i32
    %dma_wait3A_383 = tpu.memref_slice %arg6[%dma_wait3A_382] : memref<1024xi32, #tpu.memory_space<vmem>> -> memref<32xi32, #tpu.memory_space<vmem>>
    %dma_wait3A_384 = arith.constant 0 : i32
    %dma_wait3A_385 = arith.constant 0 : i32
    %dma_wait3A_386 = tpu.memref_slice %arg3[%dma_wait3A_384, %dma_wait3A_385] : memref<32768x1024xf32, #tpu.memory_space<hbm>> -> memref<32768x1024xf32, #tpu.memory_space<hbm>>
    tpu.wait_indirect_dma semaphore(%arg10 : memref<!tpu.dma_semaphore, #tpu.memory_space<semaphore_mem>>) src(%dma_wait3A_386 : memref<32768x1024xf32, #tpu.memory_space<hbm>>) dst(%arg7 : memref<32x1024xf32, #tpu.memory_space<vmem>>)
    %add3A_387 = arith.constant 480 : i32
    %add3A_388 = arith.addi %mul3A_2, %add3A_387 : i32
    %dma_start3A_389 = arith.constant 0 : i32
    %dma_start3A_390 = tpu.memref_slice %arg4[%add3A_388, %dma_start3A_389] : memref<32768x1024xf32, #tpu.memory_space<hbm>> -> memref<32x1024xf32, #tpu.memory_space<hbm>>
    %dma_start3A_391 = arith.constant 0 : i32
    %dma_start3A_392 = tpu.memref_slice %arg4[%add3A_388, %dma_start3A_391] : memref<32768x1024xf32, #tpu.memory_space<hbm>> -> memref<32x1024xf32, #tpu.memory_space<hbm>>
    tpu.enqueue_dma source(%arg7 : memref<32x1024xf32, #tpu.memory_space<vmem>>) target(%dma_start3A_392 : memref<32x1024xf32, #tpu.memory_space<hbm>>) target_semaphore(%arg13 : memref<!tpu.dma_semaphore, #tpu.memory_space<semaphore_mem>>)
    %dma_wait3A_393 = arith.constant 0 : i32
    %dma_wait3A_394 = tpu.memref_slice %arg4[%add3A_388, %dma_wait3A_393] : memref<32768x1024xf32, #tpu.memory_space<hbm>> -> memref<32x1024xf32, #tpu.memory_space<hbm>>
    %dma_wait3A_395 = arith.constant 0 : i32
    %dma_wait3A_396 = tpu.memref_slice %arg4[%add3A_388, %dma_wait3A_395] : memref<32768x1024xf32, #tpu.memory_space<hbm>> -> memref<32x1024xf32, #tpu.memory_space<hbm>>
    tpu.wait_dma2 semaphore(%arg13 : memref<!tpu.dma_semaphore, #tpu.memory_space<semaphore_mem>>) src(%arg7 : memref<32x1024xf32, #tpu.memory_space<vmem>>) dst(%dma_wait3A_396 : memref<32x1024xf32, #tpu.memory_space<hbm>>)
    %dma_start3A_397 = arith.constant 576 : i32
    %dma_start3A_398 = tpu.memref_slice %arg6[%dma_start3A_397] : memref<1024xi32, #tpu.memory_space<vmem>> -> memref<32xi32, #tpu.memory_space<vmem>>
    %dma_start3A_399 = arith.constant 0 : i32
    %dma_start3A_400 = arith.constant 0 : i32
    %dma_start3A_401 = tpu.memref_slice %arg3[%dma_start3A_399, %dma_start3A_400] : memref<32768x1024xf32, #tpu.memory_space<hbm>> -> memref<32768x1024xf32, #tpu.memory_space<hbm>>
    tpu.enqueue_indirect_dma source(%dma_start3A_401 : memref<32768x1024xf32, #tpu.memory_space<hbm>>) target(%arg7 : memref<32x1024xf32, #tpu.memory_space<vmem>>) offsets(%dma_start3A_398 : memref<32xi32, #tpu.memory_space<vmem>>) semaphore(%arg10 : memref<!tpu.dma_semaphore, #tpu.memory_space<semaphore_mem>>)
    %dma_wait3A_402 = arith.constant 512 : i32
    %dma_wait3A_403 = tpu.memref_slice %arg6[%dma_wait3A_402] : memref<1024xi32, #tpu.memory_space<vmem>> -> memref<32xi32, #tpu.memory_space<vmem>>
    %dma_wait3A_404 = arith.constant 0 : i32
    %dma_wait3A_405 = arith.constant 0 : i32
    %dma_wait3A_406 = tpu.memref_slice %arg3[%dma_wait3A_404, %dma_wait3A_405] : memref<32768x1024xf32, #tpu.memory_space<hbm>> -> memref<32768x1024xf32, #tpu.memory_space<hbm>>
    tpu.wait_indirect_dma semaphore(%arg11 : memref<!tpu.dma_semaphore, #tpu.memory_space<semaphore_mem>>) src(%dma_wait3A_406 : memref<32768x1024xf32, #tpu.memory_space<hbm>>) dst(%arg8 : memref<32x1024xf32, #tpu.memory_space<vmem>>)
    %add3A_407 = arith.constant 512 : i32
    %add3A_408 = arith.addi %mul3A_2, %add3A_407 : i32
    %dma_start3A_409 = arith.constant 0 : i32
    %dma_start3A_410 = tpu.memref_slice %arg4[%add3A_408, %dma_start3A_409] : memref<32768x1024xf32, #tpu.memory_space<hbm>> -> memref<32x1024xf32, #tpu.memory_space<hbm>>
    %dma_start3A_411 = arith.constant 0 : i32
    %dma_start3A_412 = tpu.memref_slice %arg4[%add3A_408, %dma_start3A_411] : memref<32768x1024xf32, #tpu.memory_space<hbm>> -> memref<32x1024xf32, #tpu.memory_space<hbm>>
    tpu.enqueue_dma source(%arg8 : memref<32x1024xf32, #tpu.memory_space<vmem>>) target(%dma_start3A_412 : memref<32x1024xf32, #tpu.memory_space<hbm>>) target_semaphore(%arg14 : memref<!tpu.dma_semaphore, #tpu.memory_space<semaphore_mem>>)
    %dma_wait3A_413 = arith.constant 0 : i32
    %dma_wait3A_414 = tpu.memref_slice %arg4[%add3A_408, %dma_wait3A_413] : memref<32768x1024xf32, #tpu.memory_space<hbm>> -> memref<32x1024xf32, #tpu.memory_space<hbm>>
    %dma_wait3A_415 = arith.constant 0 : i32
    %dma_wait3A_416 = tpu.memref_slice %arg4[%add3A_408, %dma_wait3A_415] : memref<32768x1024xf32, #tpu.memory_space<hbm>> -> memref<32x1024xf32, #tpu.memory_space<hbm>>
    tpu.wait_dma2 semaphore(%arg14 : memref<!tpu.dma_semaphore, #tpu.memory_space<semaphore_mem>>) src(%arg8 : memref<32x1024xf32, #tpu.memory_space<vmem>>) dst(%dma_wait3A_416 : memref<32x1024xf32, #tpu.memory_space<hbm>>)
    %dma_start3A_417 = arith.constant 608 : i32
    %dma_start3A_418 = tpu.memref_slice %arg6[%dma_start3A_417] : memref<1024xi32, #tpu.memory_space<vmem>> -> memref<32xi32, #tpu.memory_space<vmem>>
    %dma_start3A_419 = arith.constant 0 : i32
    %dma_start3A_420 = arith.constant 0 : i32
    %dma_start3A_421 = tpu.memref_slice %arg3[%dma_start3A_419, %dma_start3A_420] : memref<32768x1024xf32, #tpu.memory_space<hbm>> -> memref<32768x1024xf32, #tpu.memory_space<hbm>>
    tpu.enqueue_indirect_dma source(%dma_start3A_421 : memref<32768x1024xf32, #tpu.memory_space<hbm>>) target(%arg8 : memref<32x1024xf32, #tpu.memory_space<vmem>>) offsets(%dma_start3A_418 : memref<32xi32, #tpu.memory_space<vmem>>) semaphore(%arg11 : memref<!tpu.dma_semaphore, #tpu.memory_space<semaphore_mem>>)
    %dma_wait3A_422 = arith.constant 544 : i32
    %dma_wait3A_423 = tpu.memref_slice %arg6[%dma_wait3A_422] : memref<1024xi32, #tpu.memory_space<vmem>> -> memref<32xi32, #tpu.memory_space<vmem>>
    %dma_wait3A_424 = arith.constant 0 : i32
    %dma_wait3A_425 = arith.constant 0 : i32
    %dma_wait3A_426 = tpu.memref_slice %arg3[%dma_wait3A_424, %dma_wait3A_425] : memref<32768x1024xf32, #tpu.memory_space<hbm>> -> memref<32768x1024xf32, #tpu.memory_space<hbm>>
    tpu.wait_indirect_dma semaphore(%arg12 : memref<!tpu.dma_semaphore, #tpu.memory_space<semaphore_mem>>) src(%dma_wait3A_426 : memref<32768x1024xf32, #tpu.memory_space<hbm>>) dst(%arg9 : memref<32x1024xf32, #tpu.memory_space<vmem>>)
    %add3A_427 = arith.constant 544 : i32
    %add3A_428 = arith.addi %mul3A_2, %add3A_427 : i32
    %dma_start3A_429 = arith.constant 0 : i32
    %dma_start3A_430 = tpu.memref_slice %arg4[%add3A_428, %dma_start3A_429] : memref<32768x1024xf32, #tpu.memory_space<hbm>> -> memref<32x1024xf32, #tpu.memory_space<hbm>>
    %dma_start3A_431 = arith.constant 0 : i32
    %dma_start3A_432 = tpu.memref_slice %arg4[%add3A_428, %dma_start3A_431] : memref<32768x1024xf32, #tpu.memory_space<hbm>> -> memref<32x1024xf32, #tpu.memory_space<hbm>>
    tpu.enqueue_dma source(%arg9 : memref<32x1024xf32, #tpu.memory_space<vmem>>) target(%dma_start3A_432 : memref<32x1024xf32, #tpu.memory_space<hbm>>) target_semaphore(%arg15 : memref<!tpu.dma_semaphore, #tpu.memory_space<semaphore_mem>>)
    %dma_wait3A_433 = arith.constant 0 : i32
    %dma_wait3A_434 = tpu.memref_slice %arg4[%add3A_428, %dma_wait3A_433] : memref<32768x1024xf32, #tpu.memory_space<hbm>> -> memref<32x1024xf32, #tpu.memory_space<hbm>>
    %dma_wait3A_435 = arith.constant 0 : i32
    %dma_wait3A_436 = tpu.memref_slice %arg4[%add3A_428, %dma_wait3A_435] : memref<32768x1024xf32, #tpu.memory_space<hbm>> -> memref<32x1024xf32, #tpu.memory_space<hbm>>
    tpu.wait_dma2 semaphore(%arg15 : memref<!tpu.dma_semaphore, #tpu.memory_space<semaphore_mem>>) src(%arg9 : memref<32x1024xf32, #tpu.memory_space<vmem>>) dst(%dma_wait3A_436 : memref<32x1024xf32, #tpu.memory_space<hbm>>)
    %dma_start3A_437 = arith.constant 640 : i32
    %dma_start3A_438 = tpu.memref_slice %arg6[%dma_start3A_437] : memref<1024xi32, #tpu.memory_space<vmem>> -> memref<32xi32, #tpu.memory_space<vmem>>
    %dma_start3A_439 = arith.constant 0 : i32
    %dma_start3A_440 = arith.constant 0 : i32
    %dma_start3A_441 = tpu.memref_slice %arg3[%dma_start3A_439, %dma_start3A_440] : memref<32768x1024xf32, #tpu.memory_space<hbm>> -> memref<32768x1024xf32, #tpu.memory_space<hbm>>
    tpu.enqueue_indirect_dma source(%dma_start3A_441 : memref<32768x1024xf32, #tpu.memory_space<hbm>>) target(%arg9 : memref<32x1024xf32, #tpu.memory_space<vmem>>) offsets(%dma_start3A_438 : memref<32xi32, #tpu.memory_space<vmem>>) semaphore(%arg12 : memref<!tpu.dma_semaphore, #tpu.memory_space<semaphore_mem>>)
    %dma_wait3A_442 = arith.constant 576 : i32
    %dma_wait3A_443 = tpu.memref_slice %arg6[%dma_wait3A_442] : memref<1024xi32, #tpu.memory_space<vmem>> -> memref<32xi32, #tpu.memory_space<vmem>>
    %dma_wait3A_444 = arith.constant 0 : i32
    %dma_wait3A_445 = arith.constant 0 : i32
    %dma_wait3A_446 = tpu.memref_slice %arg3[%dma_wait3A_444, %dma_wait3A_445] : memref<32768x1024xf32, #tpu.memory_space<hbm>> -> memref<32768x1024xf32, #tpu.memory_space<hbm>>
    tpu.wait_indirect_dma semaphore(%arg10 : memref<!tpu.dma_semaphore, #tpu.memory_space<semaphore_mem>>) src(%dma_wait3A_446 : memref<32768x1024xf32, #tpu.memory_space<hbm>>) dst(%arg7 : memref<32x1024xf32, #tpu.memory_space<vmem>>)
    %add3A_447 = arith.constant 576 : i32
    %add3A_448 = arith.addi %mul3A_2, %add3A_447 : i32
    %dma_start3A_449 = arith.constant 0 : i32
    %dma_start3A_450 = tpu.memref_slice %arg4[%add3A_448, %dma_start3A_449] : memref<32768x1024xf32, #tpu.memory_space<hbm>> -> memref<32x1024xf32, #tpu.memory_space<hbm>>
    %dma_start3A_451 = arith.constant 0 : i32
    %dma_start3A_452 = tpu.memref_slice %arg4[%add3A_448, %dma_start3A_451] : memref<32768x1024xf32, #tpu.memory_space<hbm>> -> memref<32x1024xf32, #tpu.memory_space<hbm>>
    tpu.enqueue_dma source(%arg7 : memref<32x1024xf32, #tpu.memory_space<vmem>>) target(%dma_start3A_452 : memref<32x1024xf32, #tpu.memory_space<hbm>>) target_semaphore(%arg13 : memref<!tpu.dma_semaphore, #tpu.memory_space<semaphore_mem>>)
    %dma_wait3A_453 = arith.constant 0 : i32
    %dma_wait3A_454 = tpu.memref_slice %arg4[%add3A_448, %dma_wait3A_453] : memref<32768x1024xf32, #tpu.memory_space<hbm>> -> memref<32x1024xf32, #tpu.memory_space<hbm>>
    %dma_wait3A_455 = arith.constant 0 : i32
    %dma_wait3A_456 = tpu.memref_slice %arg4[%add3A_448, %dma_wait3A_455] : memref<32768x1024xf32, #tpu.memory_space<hbm>> -> memref<32x1024xf32, #tpu.memory_space<hbm>>
    tpu.wait_dma2 semaphore(%arg13 : memref<!tpu.dma_semaphore, #tpu.memory_space<semaphore_mem>>) src(%arg7 : memref<32x1024xf32, #tpu.memory_space<vmem>>) dst(%dma_wait3A_456 : memref<32x1024xf32, #tpu.memory_space<hbm>>)
    %dma_start3A_457 = arith.constant 672 : i32
    %dma_start3A_458 = tpu.memref_slice %arg6[%dma_start3A_457] : memref<1024xi32, #tpu.memory_space<vmem>> -> memref<32xi32, #tpu.memory_space<vmem>>
    %dma_start3A_459 = arith.constant 0 : i32
    %dma_start3A_460 = arith.constant 0 : i32
    %dma_start3A_461 = tpu.memref_slice %arg3[%dma_start3A_459, %dma_start3A_460] : memref<32768x1024xf32, #tpu.memory_space<hbm>> -> memref<32768x1024xf32, #tpu.memory_space<hbm>>
    tpu.enqueue_indirect_dma source(%dma_start3A_461 : memref<32768x1024xf32, #tpu.memory_space<hbm>>) target(%arg7 : memref<32x1024xf32, #tpu.memory_space<vmem>>) offsets(%dma_start3A_458 : memref<32xi32, #tpu.memory_space<vmem>>) semaphore(%arg10 : memref<!tpu.dma_semaphore, #tpu.memory_space<semaphore_mem>>)
    %dma_wait3A_462 = arith.constant 608 : i32
    %dma_wait3A_463 = tpu.memref_slice %arg6[%dma_wait3A_462] : memref<1024xi32, #tpu.memory_space<vmem>> -> memref<32xi32, #tpu.memory_space<vmem>>
    %dma_wait3A_464 = arith.constant 0 : i32
    %dma_wait3A_465 = arith.constant 0 : i32
    %dma_wait3A_466 = tpu.memref_slice %arg3[%dma_wait3A_464, %dma_wait3A_465] : memref<32768x1024xf32, #tpu.memory_space<hbm>> -> memref<32768x1024xf32, #tpu.memory_space<hbm>>
    tpu.wait_indirect_dma semaphore(%arg11 : memref<!tpu.dma_semaphore, #tpu.memory_space<semaphore_mem>>) src(%dma_wait3A_466 : memref<32768x1024xf32, #tpu.memory_space<hbm>>) dst(%arg8 : memref<32x1024xf32, #tpu.memory_space<vmem>>)
    %add3A_467 = arith.constant 608 : i32
    %add3A_468 = arith.addi %mul3A_2, %add3A_467 : i32
    %dma_start3A_469 = arith.constant 0 : i32
    %dma_start3A_470 = tpu.memref_slice %arg4[%add3A_468, %dma_start3A_469] : memref<32768x1024xf32, #tpu.memory_space<hbm>> -> memref<32x1024xf32, #tpu.memory_space<hbm>>
    %dma_start3A_471 = arith.constant 0 : i32
    %dma_start3A_472 = tpu.memref_slice %arg4[%add3A_468, %dma_start3A_471] : memref<32768x1024xf32, #tpu.memory_space<hbm>> -> memref<32x1024xf32, #tpu.memory_space<hbm>>
    tpu.enqueue_dma source(%arg8 : memref<32x1024xf32, #tpu.memory_space<vmem>>) target(%dma_start3A_472 : memref<32x1024xf32, #tpu.memory_space<hbm>>) target_semaphore(%arg14 : memref<!tpu.dma_semaphore, #tpu.memory_space<semaphore_mem>>)
    %dma_wait3A_473 = arith.constant 0 : i32
    %dma_wait3A_474 = tpu.memref_slice %arg4[%add3A_468, %dma_wait3A_473] : memref<32768x1024xf32, #tpu.memory_space<hbm>> -> memref<32x1024xf32, #tpu.memory_space<hbm>>
    %dma_wait3A_475 = arith.constant 0 : i32
    %dma_wait3A_476 = tpu.memref_slice %arg4[%add3A_468, %dma_wait3A_475] : memref<32768x1024xf32, #tpu.memory_space<hbm>> -> memref<32x1024xf32, #tpu.memory_space<hbm>>
    tpu.wait_dma2 semaphore(%arg14 : memref<!tpu.dma_semaphore, #tpu.memory_space<semaphore_mem>>) src(%arg8 : memref<32x1024xf32, #tpu.memory_space<vmem>>) dst(%dma_wait3A_476 : memref<32x1024xf32, #tpu.memory_space<hbm>>)
    %dma_start3A_477 = arith.constant 704 : i32
    %dma_start3A_478 = tpu.memref_slice %arg6[%dma_start3A_477] : memref<1024xi32, #tpu.memory_space<vmem>> -> memref<32xi32, #tpu.memory_space<vmem>>
    %dma_start3A_479 = arith.constant 0 : i32
    %dma_start3A_480 = arith.constant 0 : i32
    %dma_start3A_481 = tpu.memref_slice %arg3[%dma_start3A_479, %dma_start3A_480] : memref<32768x1024xf32, #tpu.memory_space<hbm>> -> memref<32768x1024xf32, #tpu.memory_space<hbm>>
    tpu.enqueue_indirect_dma source(%dma_start3A_481 : memref<32768x1024xf32, #tpu.memory_space<hbm>>) target(%arg8 : memref<32x1024xf32, #tpu.memory_space<vmem>>) offsets(%dma_start3A_478 : memref<32xi32, #tpu.memory_space<vmem>>) semaphore(%arg11 : memref<!tpu.dma_semaphore, #tpu.memory_space<semaphore_mem>>)
    %dma_wait3A_482 = arith.constant 640 : i32
    %dma_wait3A_483 = tpu.memref_slice %arg6[%dma_wait3A_482] : memref<1024xi32, #tpu.memory_space<vmem>> -> memref<32xi32, #tpu.memory_space<vmem>>
    %dma_wait3A_484 = arith.constant 0 : i32
    %dma_wait3A_485 = arith.constant 0 : i32
    %dma_wait3A_486 = tpu.memref_slice %arg3[%dma_wait3A_484, %dma_wait3A_485] : memref<32768x1024xf32, #tpu.memory_space<hbm>> -> memref<32768x1024xf32, #tpu.memory_space<hbm>>
    tpu.wait_indirect_dma semaphore(%arg12 : memref<!tpu.dma_semaphore, #tpu.memory_space<semaphore_mem>>) src(%dma_wait3A_486 : memref<32768x1024xf32, #tpu.memory_space<hbm>>) dst(%arg9 : memref<32x1024xf32, #tpu.memory_space<vmem>>)
    %add3A_487 = arith.constant 640 : i32
    %add3A_488 = arith.addi %mul3A_2, %add3A_487 : i32
    %dma_start3A_489 = arith.constant 0 : i32
    %dma_start3A_490 = tpu.memref_slice %arg4[%add3A_488, %dma_start3A_489] : memref<32768x1024xf32, #tpu.memory_space<hbm>> -> memref<32x1024xf32, #tpu.memory_space<hbm>>
    %dma_start3A_491 = arith.constant 0 : i32
    %dma_start3A_492 = tpu.memref_slice %arg4[%add3A_488, %dma_start3A_491] : memref<32768x1024xf32, #tpu.memory_space<hbm>> -> memref<32x1024xf32, #tpu.memory_space<hbm>>
    tpu.enqueue_dma source(%arg9 : memref<32x1024xf32, #tpu.memory_space<vmem>>) target(%dma_start3A_492 : memref<32x1024xf32, #tpu.memory_space<hbm>>) target_semaphore(%arg15 : memref<!tpu.dma_semaphore, #tpu.memory_space<semaphore_mem>>)
    %dma_wait3A_493 = arith.constant 0 : i32
    %dma_wait3A_494 = tpu.memref_slice %arg4[%add3A_488, %dma_wait3A_493] : memref<32768x1024xf32, #tpu.memory_space<hbm>> -> memref<32x1024xf32, #tpu.memory_space<hbm>>
    %dma_wait3A_495 = arith.constant 0 : i32
    %dma_wait3A_496 = tpu.memref_slice %arg4[%add3A_488, %dma_wait3A_495] : memref<32768x1024xf32, #tpu.memory_space<hbm>> -> memref<32x1024xf32, #tpu.memory_space<hbm>>
    tpu.wait_dma2 semaphore(%arg15 : memref<!tpu.dma_semaphore, #tpu.memory_space<semaphore_mem>>) src(%arg9 : memref<32x1024xf32, #tpu.memory_space<vmem>>) dst(%dma_wait3A_496 : memref<32x1024xf32, #tpu.memory_space<hbm>>)
    %dma_start3A_497 = arith.constant 736 : i32
    %dma_start3A_498 = tpu.memref_slice %arg6[%dma_start3A_497] : memref<1024xi32, #tpu.memory_space<vmem>> -> memref<32xi32, #tpu.memory_space<vmem>>
    %dma_start3A_499 = arith.constant 0 : i32
    %dma_start3A_500 = arith.constant 0 : i32
    %dma_start3A_501 = tpu.memref_slice %arg3[%dma_start3A_499, %dma_start3A_500] : memref<32768x1024xf32, #tpu.memory_space<hbm>> -> memref<32768x1024xf32, #tpu.memory_space<hbm>>
    tpu.enqueue_indirect_dma source(%dma_start3A_501 : memref<32768x1024xf32, #tpu.memory_space<hbm>>) target(%arg9 : memref<32x1024xf32, #tpu.memory_space<vmem>>) offsets(%dma_start3A_498 : memref<32xi32, #tpu.memory_space<vmem>>) semaphore(%arg12 : memref<!tpu.dma_semaphore, #tpu.memory_space<semaphore_mem>>)
    %dma_wait3A_502 = arith.constant 672 : i32
    %dma_wait3A_503 = tpu.memref_slice %arg6[%dma_wait3A_502] : memref<1024xi32, #tpu.memory_space<vmem>> -> memref<32xi32, #tpu.memory_space<vmem>>
    %dma_wait3A_504 = arith.constant 0 : i32
    %dma_wait3A_505 = arith.constant 0 : i32
    %dma_wait3A_506 = tpu.memref_slice %arg3[%dma_wait3A_504, %dma_wait3A_505] : memref<32768x1024xf32, #tpu.memory_space<hbm>> -> memref<32768x1024xf32, #tpu.memory_space<hbm>>
    tpu.wait_indirect_dma semaphore(%arg10 : memref<!tpu.dma_semaphore, #tpu.memory_space<semaphore_mem>>) src(%dma_wait3A_506 : memref<32768x1024xf32, #tpu.memory_space<hbm>>) dst(%arg7 : memref<32x1024xf32, #tpu.memory_space<vmem>>)
    %add3A_507 = arith.constant 672 : i32
    %add3A_508 = arith.addi %mul3A_2, %add3A_507 : i32
    %dma_start3A_509 = arith.constant 0 : i32
    %dma_start3A_510 = tpu.memref_slice %arg4[%add3A_508, %dma_start3A_509] : memref<32768x1024xf32, #tpu.memory_space<hbm>> -> memref<32x1024xf32, #tpu.memory_space<hbm>>
    %dma_start3A_511 = arith.constant 0 : i32
    %dma_start3A_512 = tpu.memref_slice %arg4[%add3A_508, %dma_start3A_511] : memref<32768x1024xf32, #tpu.memory_space<hbm>> -> memref<32x1024xf32, #tpu.memory_space<hbm>>
    tpu.enqueue_dma source(%arg7 : memref<32x1024xf32, #tpu.memory_space<vmem>>) target(%dma_start3A_512 : memref<32x1024xf32, #tpu.memory_space<hbm>>) target_semaphore(%arg13 : memref<!tpu.dma_semaphore, #tpu.memory_space<semaphore_mem>>)
    %dma_wait3A_513 = arith.constant 0 : i32
    %dma_wait3A_514 = tpu.memref_slice %arg4[%add3A_508, %dma_wait3A_513] : memref<32768x1024xf32, #tpu.memory_space<hbm>> -> memref<32x1024xf32, #tpu.memory_space<hbm>>
    %dma_wait3A_515 = arith.constant 0 : i32
    %dma_wait3A_516 = tpu.memref_slice %arg4[%add3A_508, %dma_wait3A_515] : memref<32768x1024xf32, #tpu.memory_space<hbm>> -> memref<32x1024xf32, #tpu.memory_space<hbm>>
    tpu.wait_dma2 semaphore(%arg13 : memref<!tpu.dma_semaphore, #tpu.memory_space<semaphore_mem>>) src(%arg7 : memref<32x1024xf32, #tpu.memory_space<vmem>>) dst(%dma_wait3A_516 : memref<32x1024xf32, #tpu.memory_space<hbm>>)
    %dma_start3A_517 = arith.constant 768 : i32
    %dma_start3A_518 = tpu.memref_slice %arg6[%dma_start3A_517] : memref<1024xi32, #tpu.memory_space<vmem>> -> memref<32xi32, #tpu.memory_space<vmem>>
    %dma_start3A_519 = arith.constant 0 : i32
    %dma_start3A_520 = arith.constant 0 : i32
    %dma_start3A_521 = tpu.memref_slice %arg3[%dma_start3A_519, %dma_start3A_520] : memref<32768x1024xf32, #tpu.memory_space<hbm>> -> memref<32768x1024xf32, #tpu.memory_space<hbm>>
    tpu.enqueue_indirect_dma source(%dma_start3A_521 : memref<32768x1024xf32, #tpu.memory_space<hbm>>) target(%arg7 : memref<32x1024xf32, #tpu.memory_space<vmem>>) offsets(%dma_start3A_518 : memref<32xi32, #tpu.memory_space<vmem>>) semaphore(%arg10 : memref<!tpu.dma_semaphore, #tpu.memory_space<semaphore_mem>>)
    %dma_wait3A_522 = arith.constant 704 : i32
    %dma_wait3A_523 = tpu.memref_slice %arg6[%dma_wait3A_522] : memref<1024xi32, #tpu.memory_space<vmem>> -> memref<32xi32, #tpu.memory_space<vmem>>
    %dma_wait3A_524 = arith.constant 0 : i32
    %dma_wait3A_525 = arith.constant 0 : i32
    %dma_wait3A_526 = tpu.memref_slice %arg3[%dma_wait3A_524, %dma_wait3A_525] : memref<32768x1024xf32, #tpu.memory_space<hbm>> -> memref<32768x1024xf32, #tpu.memory_space<hbm>>
    tpu.wait_indirect_dma semaphore(%arg11 : memref<!tpu.dma_semaphore, #tpu.memory_space<semaphore_mem>>) src(%dma_wait3A_526 : memref<32768x1024xf32, #tpu.memory_space<hbm>>) dst(%arg8 : memref<32x1024xf32, #tpu.memory_space<vmem>>)
    %add3A_527 = arith.constant 704 : i32
    %add3A_528 = arith.addi %mul3A_2, %add3A_527 : i32
    %dma_start3A_529 = arith.constant 0 : i32
    %dma_start3A_530 = tpu.memref_slice %arg4[%add3A_528, %dma_start3A_529] : memref<32768x1024xf32, #tpu.memory_space<hbm>> -> memref<32x1024xf32, #tpu.memory_space<hbm>>
    %dma_start3A_531 = arith.constant 0 : i32
    %dma_start3A_532 = tpu.memref_slice %arg4[%add3A_528, %dma_start3A_531] : memref<32768x1024xf32, #tpu.memory_space<hbm>> -> memref<32x1024xf32, #tpu.memory_space<hbm>>
    tpu.enqueue_dma source(%arg8 : memref<32x1024xf32, #tpu.memory_space<vmem>>) target(%dma_start3A_532 : memref<32x1024xf32, #tpu.memory_space<hbm>>) target_semaphore(%arg14 : memref<!tpu.dma_semaphore, #tpu.memory_space<semaphore_mem>>)
    %dma_wait3A_533 = arith.constant 0 : i32
    %dma_wait3A_534 = tpu.memref_slice %arg4[%add3A_528, %dma_wait3A_533] : memref<32768x1024xf32, #tpu.memory_space<hbm>> -> memref<32x1024xf32, #tpu.memory_space<hbm>>
    %dma_wait3A_535 = arith.constant 0 : i32
    %dma_wait3A_536 = tpu.memref_slice %arg4[%add3A_528, %dma_wait3A_535] : memref<32768x1024xf32, #tpu.memory_space<hbm>> -> memref<32x1024xf32, #tpu.memory_space<hbm>>
    tpu.wait_dma2 semaphore(%arg14 : memref<!tpu.dma_semaphore, #tpu.memory_space<semaphore_mem>>) src(%arg8 : memref<32x1024xf32, #tpu.memory_space<vmem>>) dst(%dma_wait3A_536 : memref<32x1024xf32, #tpu.memory_space<hbm>>)
    %dma_start3A_537 = arith.constant 800 : i32
    %dma_start3A_538 = tpu.memref_slice %arg6[%dma_start3A_537] : memref<1024xi32, #tpu.memory_space<vmem>> -> memref<32xi32, #tpu.memory_space<vmem>>
    %dma_start3A_539 = arith.constant 0 : i32
    %dma_start3A_540 = arith.constant 0 : i32
    %dma_start3A_541 = tpu.memref_slice %arg3[%dma_start3A_539, %dma_start3A_540] : memref<32768x1024xf32, #tpu.memory_space<hbm>> -> memref<32768x1024xf32, #tpu.memory_space<hbm>>
    tpu.enqueue_indirect_dma source(%dma_start3A_541 : memref<32768x1024xf32, #tpu.memory_space<hbm>>) target(%arg8 : memref<32x1024xf32, #tpu.memory_space<vmem>>) offsets(%dma_start3A_538 : memref<32xi32, #tpu.memory_space<vmem>>) semaphore(%arg11 : memref<!tpu.dma_semaphore, #tpu.memory_space<semaphore_mem>>)
    %dma_wait3A_542 = arith.constant 736 : i32
    %dma_wait3A_543 = tpu.memref_slice %arg6[%dma_wait3A_542] : memref<1024xi32, #tpu.memory_space<vmem>> -> memref<32xi32, #tpu.memory_space<vmem>>
    %dma_wait3A_544 = arith.constant 0 : i32
    %dma_wait3A_545 = arith.constant 0 : i32
    %dma_wait3A_546 = tpu.memref_slice %arg3[%dma_wait3A_544, %dma_wait3A_545] : memref<32768x1024xf32, #tpu.memory_space<hbm>> -> memref<32768x1024xf32, #tpu.memory_space<hbm>>
    tpu.wait_indirect_dma semaphore(%arg12 : memref<!tpu.dma_semaphore, #tpu.memory_space<semaphore_mem>>) src(%dma_wait3A_546 : memref<32768x1024xf32, #tpu.memory_space<hbm>>) dst(%arg9 : memref<32x1024xf32, #tpu.memory_space<vmem>>)
    %add3A_547 = arith.constant 736 : i32
    %add3A_548 = arith.addi %mul3A_2, %add3A_547 : i32
    %dma_start3A_549 = arith.constant 0 : i32
    %dma_start3A_550 = tpu.memref_slice %arg4[%add3A_548, %dma_start3A_549] : memref<32768x1024xf32, #tpu.memory_space<hbm>> -> memref<32x1024xf32, #tpu.memory_space<hbm>>
    %dma_start3A_551 = arith.constant 0 : i32
    %dma_start3A_552 = tpu.memref_slice %arg4[%add3A_548, %dma_start3A_551] : memref<32768x1024xf32, #tpu.memory_space<hbm>> -> memref<32x1024xf32, #tpu.memory_space<hbm>>
    tpu.enqueue_dma source(%arg9 : memref<32x1024xf32, #tpu.memory_space<vmem>>) target(%dma_start3A_552 : memref<32x1024xf32, #tpu.memory_space<hbm>>) target_semaphore(%arg15 : memref<!tpu.dma_semaphore, #tpu.memory_space<semaphore_mem>>)
    %dma_wait3A_553 = arith.constant 0 : i32
    %dma_wait3A_554 = tpu.memref_slice %arg4[%add3A_548, %dma_wait3A_553] : memref<32768x1024xf32, #tpu.memory_space<hbm>> -> memref<32x1024xf32, #tpu.memory_space<hbm>>
    %dma_wait3A_555 = arith.constant 0 : i32
    %dma_wait3A_556 = tpu.memref_slice %arg4[%add3A_548, %dma_wait3A_555] : memref<32768x1024xf32, #tpu.memory_space<hbm>> -> memref<32x1024xf32, #tpu.memory_space<hbm>>
    tpu.wait_dma2 semaphore(%arg15 : memref<!tpu.dma_semaphore, #tpu.memory_space<semaphore_mem>>) src(%arg9 : memref<32x1024xf32, #tpu.memory_space<vmem>>) dst(%dma_wait3A_556 : memref<32x1024xf32, #tpu.memory_space<hbm>>)
    %dma_start3A_557 = arith.constant 832 : i32
    %dma_start3A_558 = tpu.memref_slice %arg6[%dma_start3A_557] : memref<1024xi32, #tpu.memory_space<vmem>> -> memref<32xi32, #tpu.memory_space<vmem>>
    %dma_start3A_559 = arith.constant 0 : i32
    %dma_start3A_560 = arith.constant 0 : i32
    %dma_start3A_561 = tpu.memref_slice %arg3[%dma_start3A_559, %dma_start3A_560] : memref<32768x1024xf32, #tpu.memory_space<hbm>> -> memref<32768x1024xf32, #tpu.memory_space<hbm>>
    tpu.enqueue_indirect_dma source(%dma_start3A_561 : memref<32768x1024xf32, #tpu.memory_space<hbm>>) target(%arg9 : memref<32x1024xf32, #tpu.memory_space<vmem>>) offsets(%dma_start3A_558 : memref<32xi32, #tpu.memory_space<vmem>>) semaphore(%arg12 : memref<!tpu.dma_semaphore, #tpu.memory_space<semaphore_mem>>)
    %dma_wait3A_562 = arith.constant 768 : i32
    %dma_wait3A_563 = tpu.memref_slice %arg6[%dma_wait3A_562] : memref<1024xi32, #tpu.memory_space<vmem>> -> memref<32xi32, #tpu.memory_space<vmem>>
    %dma_wait3A_564 = arith.constant 0 : i32
    %dma_wait3A_565 = arith.constant 0 : i32
    %dma_wait3A_566 = tpu.memref_slice %arg3[%dma_wait3A_564, %dma_wait3A_565] : memref<32768x1024xf32, #tpu.memory_space<hbm>> -> memref<32768x1024xf32, #tpu.memory_space<hbm>>
    tpu.wait_indirect_dma semaphore(%arg10 : memref<!tpu.dma_semaphore, #tpu.memory_space<semaphore_mem>>) src(%dma_wait3A_566 : memref<32768x1024xf32, #tpu.memory_space<hbm>>) dst(%arg7 : memref<32x1024xf32, #tpu.memory_space<vmem>>)
    %add3A_567 = arith.constant 768 : i32
    %add3A_568 = arith.addi %mul3A_2, %add3A_567 : i32
    %dma_start3A_569 = arith.constant 0 : i32
    %dma_start3A_570 = tpu.memref_slice %arg4[%add3A_568, %dma_start3A_569] : memref<32768x1024xf32, #tpu.memory_space<hbm>> -> memref<32x1024xf32, #tpu.memory_space<hbm>>
    %dma_start3A_571 = arith.constant 0 : i32
    %dma_start3A_572 = tpu.memref_slice %arg4[%add3A_568, %dma_start3A_571] : memref<32768x1024xf32, #tpu.memory_space<hbm>> -> memref<32x1024xf32, #tpu.memory_space<hbm>>
    tpu.enqueue_dma source(%arg7 : memref<32x1024xf32, #tpu.memory_space<vmem>>) target(%dma_start3A_572 : memref<32x1024xf32, #tpu.memory_space<hbm>>) target_semaphore(%arg13 : memref<!tpu.dma_semaphore, #tpu.memory_space<semaphore_mem>>)
    %dma_wait3A_573 = arith.constant 0 : i32
    %dma_wait3A_574 = tpu.memref_slice %arg4[%add3A_568, %dma_wait3A_573] : memref<32768x1024xf32, #tpu.memory_space<hbm>> -> memref<32x1024xf32, #tpu.memory_space<hbm>>
    %dma_wait3A_575 = arith.constant 0 : i32
    %dma_wait3A_576 = tpu.memref_slice %arg4[%add3A_568, %dma_wait3A_575] : memref<32768x1024xf32, #tpu.memory_space<hbm>> -> memref<32x1024xf32, #tpu.memory_space<hbm>>
    tpu.wait_dma2 semaphore(%arg13 : memref<!tpu.dma_semaphore, #tpu.memory_space<semaphore_mem>>) src(%arg7 : memref<32x1024xf32, #tpu.memory_space<vmem>>) dst(%dma_wait3A_576 : memref<32x1024xf32, #tpu.memory_space<hbm>>)
    %dma_start3A_577 = arith.constant 864 : i32
    %dma_start3A_578 = tpu.memref_slice %arg6[%dma_start3A_577] : memref<1024xi32, #tpu.memory_space<vmem>> -> memref<32xi32, #tpu.memory_space<vmem>>
    %dma_start3A_579 = arith.constant 0 : i32
    %dma_start3A_580 = arith.constant 0 : i32
    %dma_start3A_581 = tpu.memref_slice %arg3[%dma_start3A_579, %dma_start3A_580] : memref<32768x1024xf32, #tpu.memory_space<hbm>> -> memref<32768x1024xf32, #tpu.memory_space<hbm>>
    tpu.enqueue_indirect_dma source(%dma_start3A_581 : memref<32768x1024xf32, #tpu.memory_space<hbm>>) target(%arg7 : memref<32x1024xf32, #tpu.memory_space<vmem>>) offsets(%dma_start3A_578 : memref<32xi32, #tpu.memory_space<vmem>>) semaphore(%arg10 : memref<!tpu.dma_semaphore, #tpu.memory_space<semaphore_mem>>)
    %dma_wait3A_582 = arith.constant 800 : i32
    %dma_wait3A_583 = tpu.memref_slice %arg6[%dma_wait3A_582] : memref<1024xi32, #tpu.memory_space<vmem>> -> memref<32xi32, #tpu.memory_space<vmem>>
    %dma_wait3A_584 = arith.constant 0 : i32
    %dma_wait3A_585 = arith.constant 0 : i32
    %dma_wait3A_586 = tpu.memref_slice %arg3[%dma_wait3A_584, %dma_wait3A_585] : memref<32768x1024xf32, #tpu.memory_space<hbm>> -> memref<32768x1024xf32, #tpu.memory_space<hbm>>
    tpu.wait_indirect_dma semaphore(%arg11 : memref<!tpu.dma_semaphore, #tpu.memory_space<semaphore_mem>>) src(%dma_wait3A_586 : memref<32768x1024xf32, #tpu.memory_space<hbm>>) dst(%arg8 : memref<32x1024xf32, #tpu.memory_space<vmem>>)
    %add3A_587 = arith.constant 800 : i32
    %add3A_588 = arith.addi %mul3A_2, %add3A_587 : i32
    %dma_start3A_589 = arith.constant 0 : i32
    %dma_start3A_590 = tpu.memref_slice %arg4[%add3A_588, %dma_start3A_589] : memref<32768x1024xf32, #tpu.memory_space<hbm>> -> memref<32x1024xf32, #tpu.memory_space<hbm>>
    %dma_start3A_591 = arith.constant 0 : i32
    %dma_start3A_592 = tpu.memref_slice %arg4[%add3A_588, %dma_start3A_591] : memref<32768x1024xf32, #tpu.memory_space<hbm>> -> memref<32x1024xf32, #tpu.memory_space<hbm>>
    tpu.enqueue_dma source(%arg8 : memref<32x1024xf32, #tpu.memory_space<vmem>>) target(%dma_start3A_592 : memref<32x1024xf32, #tpu.memory_space<hbm>>) target_semaphore(%arg14 : memref<!tpu.dma_semaphore, #tpu.memory_space<semaphore_mem>>)
    %dma_wait3A_593 = arith.constant 0 : i32
    %dma_wait3A_594 = tpu.memref_slice %arg4[%add3A_588, %dma_wait3A_593] : memref<32768x1024xf32, #tpu.memory_space<hbm>> -> memref<32x1024xf32, #tpu.memory_space<hbm>>
    %dma_wait3A_595 = arith.constant 0 : i32
    %dma_wait3A_596 = tpu.memref_slice %arg4[%add3A_588, %dma_wait3A_595] : memref<32768x1024xf32, #tpu.memory_space<hbm>> -> memref<32x1024xf32, #tpu.memory_space<hbm>>
    tpu.wait_dma2 semaphore(%arg14 : memref<!tpu.dma_semaphore, #tpu.memory_space<semaphore_mem>>) src(%arg8 : memref<32x1024xf32, #tpu.memory_space<vmem>>) dst(%dma_wait3A_596 : memref<32x1024xf32, #tpu.memory_space<hbm>>)
    %dma_start3A_597 = arith.constant 896 : i32
    %dma_start3A_598 = tpu.memref_slice %arg6[%dma_start3A_597] : memref<1024xi32, #tpu.memory_space<vmem>> -> memref<32xi32, #tpu.memory_space<vmem>>
    %dma_start3A_599 = arith.constant 0 : i32
    %dma_start3A_600 = arith.constant 0 : i32
    %dma_start3A_601 = tpu.memref_slice %arg3[%dma_start3A_599, %dma_start3A_600] : memref<32768x1024xf32, #tpu.memory_space<hbm>> -> memref<32768x1024xf32, #tpu.memory_space<hbm>>
    tpu.enqueue_indirect_dma source(%dma_start3A_601 : memref<32768x1024xf32, #tpu.memory_space<hbm>>) target(%arg8 : memref<32x1024xf32, #tpu.memory_space<vmem>>) offsets(%dma_start3A_598 : memref<32xi32, #tpu.memory_space<vmem>>) semaphore(%arg11 : memref<!tpu.dma_semaphore, #tpu.memory_space<semaphore_mem>>)
    %dma_wait3A_602 = arith.constant 832 : i32
    %dma_wait3A_603 = tpu.memref_slice %arg6[%dma_wait3A_602] : memref<1024xi32, #tpu.memory_space<vmem>> -> memref<32xi32, #tpu.memory_space<vmem>>
    %dma_wait3A_604 = arith.constant 0 : i32
    %dma_wait3A_605 = arith.constant 0 : i32
    %dma_wait3A_606 = tpu.memref_slice %arg3[%dma_wait3A_604, %dma_wait3A_605] : memref<32768x1024xf32, #tpu.memory_space<hbm>> -> memref<32768x1024xf32, #tpu.memory_space<hbm>>
    tpu.wait_indirect_dma semaphore(%arg12 : memref<!tpu.dma_semaphore, #tpu.memory_space<semaphore_mem>>) src(%dma_wait3A_606 : memref<32768x1024xf32, #tpu.memory_space<hbm>>) dst(%arg9 : memref<32x1024xf32, #tpu.memory_space<vmem>>)
    %add3A_607 = arith.constant 832 : i32
    %add3A_608 = arith.addi %mul3A_2, %add3A_607 : i32
    %dma_start3A_609 = arith.constant 0 : i32
    %dma_start3A_610 = tpu.memref_slice %arg4[%add3A_608, %dma_start3A_609] : memref<32768x1024xf32, #tpu.memory_space<hbm>> -> memref<32x1024xf32, #tpu.memory_space<hbm>>
    %dma_start3A_611 = arith.constant 0 : i32
    %dma_start3A_612 = tpu.memref_slice %arg4[%add3A_608, %dma_start3A_611] : memref<32768x1024xf32, #tpu.memory_space<hbm>> -> memref<32x1024xf32, #tpu.memory_space<hbm>>
    tpu.enqueue_dma source(%arg9 : memref<32x1024xf32, #tpu.memory_space<vmem>>) target(%dma_start3A_612 : memref<32x1024xf32, #tpu.memory_space<hbm>>) target_semaphore(%arg15 : memref<!tpu.dma_semaphore, #tpu.memory_space<semaphore_mem>>)
    %dma_wait3A_613 = arith.constant 0 : i32
    %dma_wait3A_614 = tpu.memref_slice %arg4[%add3A_608, %dma_wait3A_613] : memref<32768x1024xf32, #tpu.memory_space<hbm>> -> memref<32x1024xf32, #tpu.memory_space<hbm>>
    %dma_wait3A_615 = arith.constant 0 : i32
    %dma_wait3A_616 = tpu.memref_slice %arg4[%add3A_608, %dma_wait3A_615] : memref<32768x1024xf32, #tpu.memory_space<hbm>> -> memref<32x1024xf32, #tpu.memory_space<hbm>>
    tpu.wait_dma2 semaphore(%arg15 : memref<!tpu.dma_semaphore, #tpu.memory_space<semaphore_mem>>) src(%arg9 : memref<32x1024xf32, #tpu.memory_space<vmem>>) dst(%dma_wait3A_616 : memref<32x1024xf32, #tpu.memory_space<hbm>>)
    %dma_start3A_617 = arith.constant 928 : i32
    %dma_start3A_618 = tpu.memref_slice %arg6[%dma_start3A_617] : memref<1024xi32, #tpu.memory_space<vmem>> -> memref<32xi32, #tpu.memory_space<vmem>>
    %dma_start3A_619 = arith.constant 0 : i32
    %dma_start3A_620 = arith.constant 0 : i32
    %dma_start3A_621 = tpu.memref_slice %arg3[%dma_start3A_619, %dma_start3A_620] : memref<32768x1024xf32, #tpu.memory_space<hbm>> -> memref<32768x1024xf32, #tpu.memory_space<hbm>>
    tpu.enqueue_indirect_dma source(%dma_start3A_621 : memref<32768x1024xf32, #tpu.memory_space<hbm>>) target(%arg9 : memref<32x1024xf32, #tpu.memory_space<vmem>>) offsets(%dma_start3A_618 : memref<32xi32, #tpu.memory_space<vmem>>) semaphore(%arg12 : memref<!tpu.dma_semaphore, #tpu.memory_space<semaphore_mem>>)
    %dma_wait3A_622 = arith.constant 864 : i32
    %dma_wait3A_623 = tpu.memref_slice %arg6[%dma_wait3A_622] : memref<1024xi32, #tpu.memory_space<vmem>> -> memref<32xi32, #tpu.memory_space<vmem>>
    %dma_wait3A_624 = arith.constant 0 : i32
    %dma_wait3A_625 = arith.constant 0 : i32
    %dma_wait3A_626 = tpu.memref_slice %arg3[%dma_wait3A_624, %dma_wait3A_625] : memref<32768x1024xf32, #tpu.memory_space<hbm>> -> memref<32768x1024xf32, #tpu.memory_space<hbm>>
    tpu.wait_indirect_dma semaphore(%arg10 : memref<!tpu.dma_semaphore, #tpu.memory_space<semaphore_mem>>) src(%dma_wait3A_626 : memref<32768x1024xf32, #tpu.memory_space<hbm>>) dst(%arg7 : memref<32x1024xf32, #tpu.memory_space<vmem>>)
    %add3A_627 = arith.constant 864 : i32
    %add3A_628 = arith.addi %mul3A_2, %add3A_627 : i32
    %dma_start3A_629 = arith.constant 0 : i32
    %dma_start3A_630 = tpu.memref_slice %arg4[%add3A_628, %dma_start3A_629] : memref<32768x1024xf32, #tpu.memory_space<hbm>> -> memref<32x1024xf32, #tpu.memory_space<hbm>>
    %dma_start3A_631 = arith.constant 0 : i32
    %dma_start3A_632 = tpu.memref_slice %arg4[%add3A_628, %dma_start3A_631] : memref<32768x1024xf32, #tpu.memory_space<hbm>> -> memref<32x1024xf32, #tpu.memory_space<hbm>>
    tpu.enqueue_dma source(%arg7 : memref<32x1024xf32, #tpu.memory_space<vmem>>) target(%dma_start3A_632 : memref<32x1024xf32, #tpu.memory_space<hbm>>) target_semaphore(%arg13 : memref<!tpu.dma_semaphore, #tpu.memory_space<semaphore_mem>>)
    %dma_wait3A_633 = arith.constant 0 : i32
    %dma_wait3A_634 = tpu.memref_slice %arg4[%add3A_628, %dma_wait3A_633] : memref<32768x1024xf32, #tpu.memory_space<hbm>> -> memref<32x1024xf32, #tpu.memory_space<hbm>>
    %dma_wait3A_635 = arith.constant 0 : i32
    %dma_wait3A_636 = tpu.memref_slice %arg4[%add3A_628, %dma_wait3A_635] : memref<32768x1024xf32, #tpu.memory_space<hbm>> -> memref<32x1024xf32, #tpu.memory_space<hbm>>
    tpu.wait_dma2 semaphore(%arg13 : memref<!tpu.dma_semaphore, #tpu.memory_space<semaphore_mem>>) src(%arg7 : memref<32x1024xf32, #tpu.memory_space<vmem>>) dst(%dma_wait3A_636 : memref<32x1024xf32, #tpu.memory_space<hbm>>)
    %dma_start3A_637 = arith.constant 960 : i32
    %dma_start3A_638 = tpu.memref_slice %arg6[%dma_start3A_637] : memref<1024xi32, #tpu.memory_space<vmem>> -> memref<32xi32, #tpu.memory_space<vmem>>
    %dma_start3A_639 = arith.constant 0 : i32
    %dma_start3A_640 = arith.constant 0 : i32
    %dma_start3A_641 = tpu.memref_slice %arg3[%dma_start3A_639, %dma_start3A_640] : memref<32768x1024xf32, #tpu.memory_space<hbm>> -> memref<32768x1024xf32, #tpu.memory_space<hbm>>
    tpu.enqueue_indirect_dma source(%dma_start3A_641 : memref<32768x1024xf32, #tpu.memory_space<hbm>>) target(%arg7 : memref<32x1024xf32, #tpu.memory_space<vmem>>) offsets(%dma_start3A_638 : memref<32xi32, #tpu.memory_space<vmem>>) semaphore(%arg10 : memref<!tpu.dma_semaphore, #tpu.memory_space<semaphore_mem>>)
    %dma_wait3A_642 = arith.constant 896 : i32
    %dma_wait3A_643 = tpu.memref_slice %arg6[%dma_wait3A_642] : memref<1024xi32, #tpu.memory_space<vmem>> -> memref<32xi32, #tpu.memory_space<vmem>>
    %dma_wait3A_644 = arith.constant 0 : i32
    %dma_wait3A_645 = arith.constant 0 : i32
    %dma_wait3A_646 = tpu.memref_slice %arg3[%dma_wait3A_644, %dma_wait3A_645] : memref<32768x1024xf32, #tpu.memory_space<hbm>> -> memref<32768x1024xf32, #tpu.memory_space<hbm>>
    tpu.wait_indirect_dma semaphore(%arg11 : memref<!tpu.dma_semaphore, #tpu.memory_space<semaphore_mem>>) src(%dma_wait3A_646 : memref<32768x1024xf32, #tpu.memory_space<hbm>>) dst(%arg8 : memref<32x1024xf32, #tpu.memory_space<vmem>>)
    %add3A_647 = arith.constant 896 : i32
    %add3A_648 = arith.addi %mul3A_2, %add3A_647 : i32
    %dma_start3A_649 = arith.constant 0 : i32
    %dma_start3A_650 = tpu.memref_slice %arg4[%add3A_648, %dma_start3A_649] : memref<32768x1024xf32, #tpu.memory_space<hbm>> -> memref<32x1024xf32, #tpu.memory_space<hbm>>
    %dma_start3A_651 = arith.constant 0 : i32
    %dma_start3A_652 = tpu.memref_slice %arg4[%add3A_648, %dma_start3A_651] : memref<32768x1024xf32, #tpu.memory_space<hbm>> -> memref<32x1024xf32, #tpu.memory_space<hbm>>
    tpu.enqueue_dma source(%arg8 : memref<32x1024xf32, #tpu.memory_space<vmem>>) target(%dma_start3A_652 : memref<32x1024xf32, #tpu.memory_space<hbm>>) target_semaphore(%arg14 : memref<!tpu.dma_semaphore, #tpu.memory_space<semaphore_mem>>)
    %dma_wait3A_653 = arith.constant 0 : i32
    %dma_wait3A_654 = tpu.memref_slice %arg4[%add3A_648, %dma_wait3A_653] : memref<32768x1024xf32, #tpu.memory_space<hbm>> -> memref<32x1024xf32, #tpu.memory_space<hbm>>
    %dma_wait3A_655 = arith.constant 0 : i32
    %dma_wait3A_656 = tpu.memref_slice %arg4[%add3A_648, %dma_wait3A_655] : memref<32768x1024xf32, #tpu.memory_space<hbm>> -> memref<32x1024xf32, #tpu.memory_space<hbm>>
    tpu.wait_dma2 semaphore(%arg14 : memref<!tpu.dma_semaphore, #tpu.memory_space<semaphore_mem>>) src(%arg8 : memref<32x1024xf32, #tpu.memory_space<vmem>>) dst(%dma_wait3A_656 : memref<32x1024xf32, #tpu.memory_space<hbm>>)
    %dma_start3A_657 = arith.constant 992 : i32
    %dma_start3A_658 = tpu.memref_slice %arg6[%dma_start3A_657] : memref<1024xi32, #tpu.memory_space<vmem>> -> memref<32xi32, #tpu.memory_space<vmem>>
    %dma_start3A_659 = arith.constant 0 : i32
    %dma_start3A_660 = arith.constant 0 : i32
    %dma_start3A_661 = tpu.memref_slice %arg3[%dma_start3A_659, %dma_start3A_660] : memref<32768x1024xf32, #tpu.memory_space<hbm>> -> memref<32768x1024xf32, #tpu.memory_space<hbm>>
    tpu.enqueue_indirect_dma source(%dma_start3A_661 : memref<32768x1024xf32, #tpu.memory_space<hbm>>) target(%arg8 : memref<32x1024xf32, #tpu.memory_space<vmem>>) offsets(%dma_start3A_658 : memref<32xi32, #tpu.memory_space<vmem>>) semaphore(%arg11 : memref<!tpu.dma_semaphore, #tpu.memory_space<semaphore_mem>>)
    %dma_wait3A_662 = arith.constant 928 : i32
    %dma_wait3A_663 = tpu.memref_slice %arg6[%dma_wait3A_662] : memref<1024xi32, #tpu.memory_space<vmem>> -> memref<32xi32, #tpu.memory_space<vmem>>
    %dma_wait3A_664 = arith.constant 0 : i32
    %dma_wait3A_665 = arith.constant 0 : i32
    %dma_wait3A_666 = tpu.memref_slice %arg3[%dma_wait3A_664, %dma_wait3A_665] : memref<32768x1024xf32, #tpu.memory_space<hbm>> -> memref<32768x1024xf32, #tpu.memory_space<hbm>>
    tpu.wait_indirect_dma semaphore(%arg12 : memref<!tpu.dma_semaphore, #tpu.memory_space<semaphore_mem>>) src(%dma_wait3A_666 : memref<32768x1024xf32, #tpu.memory_space<hbm>>) dst(%arg9 : memref<32x1024xf32, #tpu.memory_space<vmem>>)
    %add3A_667 = arith.constant 928 : i32
    %add3A_668 = arith.addi %mul3A_2, %add3A_667 : i32
    %dma_start3A_669 = arith.constant 0 : i32
    %dma_start3A_670 = tpu.memref_slice %arg4[%add3A_668, %dma_start3A_669] : memref<32768x1024xf32, #tpu.memory_space<hbm>> -> memref<32x1024xf32, #tpu.memory_space<hbm>>
    %dma_start3A_671 = arith.constant 0 : i32
    %dma_start3A_672 = tpu.memref_slice %arg4[%add3A_668, %dma_start3A_671] : memref<32768x1024xf32, #tpu.memory_space<hbm>> -> memref<32x1024xf32, #tpu.memory_space<hbm>>
    tpu.enqueue_dma source(%arg9 : memref<32x1024xf32, #tpu.memory_space<vmem>>) target(%dma_start3A_672 : memref<32x1024xf32, #tpu.memory_space<hbm>>) target_semaphore(%arg15 : memref<!tpu.dma_semaphore, #tpu.memory_space<semaphore_mem>>)
    %dma_wait3A_673 = arith.constant 960 : i32
    %dma_wait3A_674 = tpu.memref_slice %arg6[%dma_wait3A_673] : memref<1024xi32, #tpu.memory_space<vmem>> -> memref<32xi32, #tpu.memory_space<vmem>>
    %dma_wait3A_675 = arith.constant 0 : i32
    %dma_wait3A_676 = arith.constant 0 : i32
    %dma_wait3A_677 = tpu.memref_slice %arg3[%dma_wait3A_675, %dma_wait3A_676] : memref<32768x1024xf32, #tpu.memory_space<hbm>> -> memref<32768x1024xf32, #tpu.memory_space<hbm>>
    tpu.wait_indirect_dma semaphore(%arg10 : memref<!tpu.dma_semaphore, #tpu.memory_space<semaphore_mem>>) src(%dma_wait3A_677 : memref<32768x1024xf32, #tpu.memory_space<hbm>>) dst(%arg7 : memref<32x1024xf32, #tpu.memory_space<vmem>>)
    %add3A_678 = arith.constant 960 : i32
    %add3A_679 = arith.addi %mul3A_2, %add3A_678 : i32
    %dma_start3A_680 = arith.constant 0 : i32
    %dma_start3A_681 = tpu.memref_slice %arg4[%add3A_679, %dma_start3A_680] : memref<32768x1024xf32, #tpu.memory_space<hbm>> -> memref<32x1024xf32, #tpu.memory_space<hbm>>
    %dma_start3A_682 = arith.constant 0 : i32
    %dma_start3A_683 = tpu.memref_slice %arg4[%add3A_679, %dma_start3A_682] : memref<32768x1024xf32, #tpu.memory_space<hbm>> -> memref<32x1024xf32, #tpu.memory_space<hbm>>
    tpu.enqueue_dma source(%arg7 : memref<32x1024xf32, #tpu.memory_space<vmem>>) target(%dma_start3A_683 : memref<32x1024xf32, #tpu.memory_space<hbm>>) target_semaphore(%arg13 : memref<!tpu.dma_semaphore, #tpu.memory_space<semaphore_mem>>)
    %dma_wait3A_684 = arith.constant 992 : i32
    %dma_wait3A_685 = tpu.memref_slice %arg6[%dma_wait3A_684] : memref<1024xi32, #tpu.memory_space<vmem>> -> memref<32xi32, #tpu.memory_space<vmem>>
    %dma_wait3A_686 = arith.constant 0 : i32
    %dma_wait3A_687 = arith.constant 0 : i32
    %dma_wait3A_688 = tpu.memref_slice %arg3[%dma_wait3A_686, %dma_wait3A_687] : memref<32768x1024xf32, #tpu.memory_space<hbm>> -> memref<32768x1024xf32, #tpu.memory_space<hbm>>
    tpu.wait_indirect_dma semaphore(%arg11 : memref<!tpu.dma_semaphore, #tpu.memory_space<semaphore_mem>>) src(%dma_wait3A_688 : memref<32768x1024xf32, #tpu.memory_space<hbm>>) dst(%arg8 : memref<32x1024xf32, #tpu.memory_space<vmem>>)
    %add3A_689 = arith.constant 992 : i32
    %add3A_690 = arith.addi %mul3A_2, %add3A_689 : i32
    %dma_start3A_691 = arith.constant 0 : i32
    %dma_start3A_692 = tpu.memref_slice %arg4[%add3A_690, %dma_start3A_691] : memref<32768x1024xf32, #tpu.memory_space<hbm>> -> memref<32x1024xf32, #tpu.memory_space<hbm>>
    %dma_start3A_693 = arith.constant 0 : i32
    %dma_start3A_694 = tpu.memref_slice %arg4[%add3A_690, %dma_start3A_693] : memref<32768x1024xf32, #tpu.memory_space<hbm>> -> memref<32x1024xf32, #tpu.memory_space<hbm>>
    tpu.enqueue_dma source(%arg8 : memref<32x1024xf32, #tpu.memory_space<vmem>>) target(%dma_start3A_694 : memref<32x1024xf32, #tpu.memory_space<hbm>>) target_semaphore(%arg14 : memref<!tpu.dma_semaphore, #tpu.memory_space<semaphore_mem>>)
    %dma_wait3A_695 = arith.constant 0 : i32
    %dma_wait3A_696 = tpu.memref_slice %arg4[%add3A_668, %dma_wait3A_695] : memref<32768x1024xf32, #tpu.memory_space<hbm>> -> memref<32x1024xf32, #tpu.memory_space<hbm>>
    %dma_wait3A_697 = arith.constant 0 : i32
    %dma_wait3A_698 = tpu.memref_slice %arg4[%add3A_668, %dma_wait3A_697] : memref<32768x1024xf32, #tpu.memory_space<hbm>> -> memref<32x1024xf32, #tpu.memory_space<hbm>>
    tpu.wait_dma2 semaphore(%arg15 : memref<!tpu.dma_semaphore, #tpu.memory_space<semaphore_mem>>) src(%arg9 : memref<32x1024xf32, #tpu.memory_space<vmem>>) dst(%dma_wait3A_698 : memref<32x1024xf32, #tpu.memory_space<hbm>>)
    %dma_wait3A_699 = arith.constant 0 : i32
    %dma_wait3A_700 = tpu.memref_slice %arg4[%add3A_679, %dma_wait3A_699] : memref<32768x1024xf32, #tpu.memory_space<hbm>> -> memref<32x1024xf32, #tpu.memory_space<hbm>>
    %dma_wait3A_701 = arith.constant 0 : i32
    %dma_wait3A_702 = tpu.memref_slice %arg4[%add3A_679, %dma_wait3A_701] : memref<32768x1024xf32, #tpu.memory_space<hbm>> -> memref<32x1024xf32, #tpu.memory_space<hbm>>
    tpu.wait_dma2 semaphore(%arg13 : memref<!tpu.dma_semaphore, #tpu.memory_space<semaphore_mem>>) src(%arg7 : memref<32x1024xf32, #tpu.memory_space<vmem>>) dst(%dma_wait3A_702 : memref<32x1024xf32, #tpu.memory_space<hbm>>)
    %dma_wait3A_703 = arith.constant 0 : i32
    %dma_wait3A_704 = tpu.memref_slice %arg4[%add3A_690, %dma_wait3A_703] : memref<32768x1024xf32, #tpu.memory_space<hbm>> -> memref<32x1024xf32, #tpu.memory_space<hbm>>
    %dma_wait3A_705 = arith.constant 0 : i32
    %dma_wait3A_706 = tpu.memref_slice %arg4[%add3A_690, %dma_wait3A_705] : memref<32768x1024xf32, #tpu.memory_space<hbm>> -> memref<32x1024xf32, #tpu.memory_space<hbm>>
    tpu.wait_dma2 semaphore(%arg14 : memref<!tpu.dma_semaphore, #tpu.memory_space<semaphore_mem>>) src(%arg8 : memref<32x1024xf32, #tpu.memory_space<vmem>>) dst(%dma_wait3A_706 : memref<32x1024xf32, #tpu.memory_space<hbm>>)
    return
  }
}

</mosaic_0001>

<sc_bundles>
// kernel: kernel.3.cloned.1.call-start
scs
__scs_entry_jumppad:
0x0: {  	(pc) =	sbr.rel $0x88, $3  }
0x1: {  	(tag) =	ssettag $0x0;
	lr =	simm.s32 $0x1  }
0x2: {  	[smem:$0x3F9F] =	sst lr;
	_ =	strace $0xD0000000  }
0x3: {  	_ = 	snop  }
0x4: {  	_ = 	snop  }
0x5: {  	_ = 	snop  }
0x6: {  	_ = 	snop  }
0x7: {  	_ = 	snop  }
__scs_overlays_trampoline_lowered:
0x8: {  	[smem:$0x3FAE] =	sst s0  }
0x9: {  	[smem:$0x3FAF] =	sst s1  }
0xa: {  	[smem:$0x3FB0] =	sst s2  }
0xb: {  	[smem:$0x3FB1] =	sst s3  }
0xc: {  	[smem:$0x3FB2] =	sst s4  }
0xd: {  	[smem:$0x3FB3] =	sst s5  }
0xe: {  	[smem:$0x3FB4] =	sst s6  }
0xf: {  	[smem:$0x3FB5] =	sst s7  }
0x10: {  	[smem:$0x3FB6] =	sst s8  }
0x11: {  	[smem:$0x3FB7] =	sst s9;
	s0 =	simm.s32 @!p0 $0x0  }
0x12: {  	s1 =	sld [smem:$0x3F9D];
	s0 =	simm.s32 @p0 $0x1  }
0x13: {  	[smem:$0x3FB8] =	sst s0;
	s0 =	simm.s32 @!p1 $0x0  }
0x14: {  	s2 =	sld [smem:$0x3F9C];
	s0 =	simm.s32 @p1 $0x1  }
0x15: {  	[smem:$0x3FB9] =	sst s0;
	s0 =	simm.s32 @!p2 $0x0  }
0x16: {  	s3 =	sld [smem:$0x3FDB];
	s0 =	simm.s32 @p2 $0x1  }
0x17: {  	s4 =	simm.s32 $0x1BF5;
	[smem:$0x3FBB] =	sst s0  }
0x18: {  	s0 =	sld [smem:$0x3F9E];
	_ =	swait.ge [sflag:s4], $0x0  }
0x19: {  	s7 =	sld [smem:$0x3F9F]  }
0x1a: {  	s8 =	sadd.s32 $0xFFFFE003, lr  }
0x1b: {  	s9 =	sadd.s32 $0xFFFFFEF7, lr;
	s5 =	simm.s32 $0xFFFFFFFF;
	p2 =	slt.u32 s8, $0xFFFFF086  }
0x1c: {  	p1 =	slt.u32 s9, $0xF7A;
	s5 =	simm.s32 @!p2 $0x0  }
0x1d: {  	s5 =	simm.s32 @p1 $0x1;
	p0 =	seq.s32 s7, s2  }
0x1e: {  	s7 =	smul.u32 @!p0 $0xF7A, s2;
	p2 =	seq.s32 @!p0 s5, $0x0  }
0x1f: {  	s9 =	smul.u32 $0xF7A, s1;
	s8 =	simm.s32 @!p0 $0x1BF5;
	p2 =	por !p2, p0  }
0x20: {  	[sflag:s8] =	ssyncset.s32 @!p0 $0xFFFFF086;
	s6 =	sadd.s32 @!p0 s3, s7;
	s7 =	simm.s32 @!p0 $0x108  }
0x21: {  	s3 =	sadd.s32 s3, s9;
	s6 =	sadd.s32 @!p0 $0x88, s6;
	s7 =	simm.s32 @p2 $0x1082  }
0x22: {  	[simem:s7], [sflag:s8] =	dma.local @!p0 [hbm:s6], $0xF7A  }
0x23: {  	s9 =	sor.u32 $0xD0000000, s2;
	s6 =	simm.s32 $0x108;
	_ =	swait.ge @!p0 [sflag:s8], $0x0  }
0x24: {  	s3 =	sadd.s32 $0x88, s3;
	s6 =	simm.s32 @!p1 $0x1082;
	[sflag:s4] =	ssyncset.s32 $0xFFFFF086  }
0x25: {  	[simem:s6], [sflag:s4] =	dma.local [hbm:s3], $0xF7A  }
0x26: {  	[smem:$0x3F9F] =	sst s1;
	(tag) =	ssettag s2;
	_ =	strace s9  }
0x27: {  	s1 =	sld [smem:$0x3FAF]  }
0x28: {  	s2 =	sld [smem:$0x3FB0]  }
0x29: {  	s4 =	sld [smem:$0x3FB2]  }
0x2a: {  	p0 =	seq.s32 s5, $0x0;
	s5 =	sld [smem:$0x3FB3]  }
0x2b: {  	s6 =	sld [smem:$0x3FB4]  }
0x2c: {  	s7 =	sld [smem:$0x3FB5]  }
0x2d: {  	s3 =	simm.s32 $0x108;
	s8 =	sld [smem:$0x3FB6]  }
0x2e: {  	s3 =	simm.s32 @!p0 $0x1082;
	s9 =	sld [smem:$0x3FB7]  }
0x2f: {  	lr =	sadd.s32 s0, s3;
	s0 =	sld [smem:$0x3FAE]  }
0x30: {  	s3 =	sld [smem:$0x3FB1]  }
0x31: {  	[smem:$0x3FBA] =	sst s10  }
0x32: {  	s10 =	sld [smem:$0x3FB8];
	_ =	sdelay $0x3  }
0x33: {  	p0 =	seq.s32 s10, $0x1;
	s10 =	sld [smem:$0x3FBA];
	_ =	sdelay $0x3  }
0x34: {  	[smem:$0x3FBA] =	sst s10  }
0x35: {  	s10 =	sld [smem:$0x3FB9];
	_ =	sdelay $0x3  }
0x36: {  	p1 =	seq.s32 s10, $0x1;
	s10 =	sld [smem:$0x3FBA];
	_ =	sdelay $0x3  }
0x37: {  	[smem:$0x3FBA] =	sst s10  }
0x38: {  	s10 =	sld [smem:$0x3FBB]  }
0x39: {  	_ = 	snop;
	(pc) =	sbr.ind lr, $3  }
0x3a: {  	_ = 	snop  }
0x3b: {  	_ = 	snop  }
0x3c: {  	p2 =	seq.s32 s10, $0x1;
	s10 =	sld [smem:$0x3FBA]  }
0x3d: {  	_ =	shalt  }
0x3e: {  	_ =	shalt  }
0x3f: {  	_ =	shalt  }
0x40: {  	_ =	shalt  }
0x41: {  	_ =	shalt  }
0x42: {  	_ =	shalt  }
0x43: {  	_ =	shalt  }
0x44: {  	_ =	shalt  }
0x45: {  	_ =	shalt  }
0x46: {  	_ =	shalt  }
0x47: {  	_ =	shalt  }
0x48: {  	_ =	shalt  }
0x49: {  	_ =	shalt  }
0x4a: {  	_ =	shalt  }
0x4b: {  	_ =	shalt  }
0x4c: {  	_ =	shalt  }
0x4d: {  	_ =	shalt  }
0x4e: {  	_ =	shalt  }
0x4f: {  	_ =	shalt  }
0x50: {  	_ =	shalt  }
0x51: {  	_ =	shalt  }
0x52: {  	_ =	shalt  }
0x53: {  	_ =	shalt  }
0x54: {  	_ =	shalt  }
0x55: {  	_ =	shalt  }
0x56: {  	_ =	shalt  }
0x57: {  	_ =	shalt  }
0x58: {  	_ =	shalt  }
0x59: {  	_ =	shalt  }
0x5a: {  	_ =	shalt  }
0x5b: {  	_ =	shalt  }
0x5c: {  	_ =	shalt  }
0x5d: {  	_ =	shalt  }
0x5e: {  	_ =	shalt  }
0x5f: {  	_ =	shalt  }
0x60: {  	_ =	shalt  }
0x61: {  	_ =	shalt  }
0x62: {  	_ =	shalt  }
0x63: {  	_ =	shalt  }
0x64: {  	_ =	shalt  }
0x65: {  	_ =	shalt  }
0x66: {  	_ =	shalt  }
0x67: {  	_ =	shalt  }
0x68: {  	_ =	shalt  }
0x69: {  	_ =	shalt  }
0x6a: {  	_ =	shalt  }
0x6b: {  	_ =	shalt  }
0x6c: {  	_ =	shalt  }
0x6d: {  	_ =	shalt  }
0x6e: {  	_ =	shalt  }
0x6f: {  	_ =	shalt  }
0x70: {  	_ =	shalt  }
0x71: {  	_ =	shalt  }
0x72: {  	_ =	shalt  }
0x73: {  	_ =	shalt  }
0x74: {  	_ =	shalt  }
0x75: {  	_ =	shalt  }
0x76: {  	_ =	shalt  }
0x77: {  	_ =	shalt  }
0x78: {  	_ =	shalt  }
0x79: {  	_ =	shalt  }
0x7a: {  	_ =	shalt  }
0x7b: {  	_ =	shalt  }
0x7c: {  	_ =	shalt  }
0x7d: {  	_ =	shalt  }
0x7e: {  	_ =	shalt  }
0x7f: {  	_ =	shalt  }
0x80: {  	_ =	shalt  }
0x81: {  	_ =	shalt  }
0x82: {  	_ =	shalt  }
0x83: {  	_ =	shalt  }
0x84: {  	_ =	shalt  }
0x85: {  	_ =	shalt  }
0x86: {  	_ =	shalt  }
0x87: {  	_ =	shalt  }
.Lfunc_end0:
.L_simem_size_0:
called_computation_lowered:
.L_overlay_start_0:
0x88: {  	s2 =	sld [smem:$0x3FD9]  }
0x89: {  	s3 =	sld [smem:$0x3FFE];
	_ =	sdelay $0x1  }
0x8a: {  	s1 =	srdreg.scid  }
0x8b: {  	s0 =	sand.u32 $0x1, s1  }
0x8c: {  	s17 =	sshll.u32 s0, $0xA;
	s2 =	sadd.s32 s3, s2  }
0x8d: {  	s2 =	sadd.s32 s2, s17  }
0x8e: {  	[smem:$0x3FC6] =	sst s2  }
0x8f: {  	_ = 	snop  }
0x90: {  	s2 =	sld [smem:$0x3FC8]  }
0x91: {  	s18 =	sld [smem:$0x3FD0];
	(tm) =	ssettm $0x1  }
0x92: {  	s4 =	sld [smem:$0x3FFB];
	_ =	sdelay $0x3  }
0x93: {  	_ =	strace s4  }
0x94: {  	s4 =	sld [smem:$0x3FFC];
	_ =	sdelay $0x3  }
0x95: {  	_ =	strace s4  }
0x96: {  	s4 =	sld [smem:$0x3FFD];
	_ =	sdelay $0x3  }
0x97: {  	_ =	strace s4  }
0x98: {  	_ =	strace $0x8FFFFFFF  }
0x99: {  	s19 =	sld [smem:$0x3FDB];
	_ =	sdelay $0x1  }
0x9a: {  	s5 =	simm.s32 $_scs_section_size  }
0x9b: {  	s6 =	simm.s32 $_size__tile_overlayer_lowered;
	s7 =	simm.s32 $_tile_overlayer_lowered  }
0x9c: {  	s22 =	simm.s32 $0x1BFF;
	s21 =	sshll.u32 s7, $0x1;
	s4 =	sadd.s32 s5, s19  }
0x9d: {  	s8 =	simm.s32 $0x0;
	s20 =	sshll.u32 s6, $0x1;
	s6 =	sadd.s32 s21, s4  }
0x9e: {  	[timem:s8], [sflag:s22] =	dma.local [hbm:s6], s20  }
0x9f: {  	_ =	swait.ge [sflag:s22], s20  }
0xa0: {  	s5 =	ssub.s32 $0x0, s20;
	[sflag:s22] =	ssyncset.done $0x0  }
0xa1: {  	[sflag:s22] =	ssyncadd.s32 s5;
	_ =	sdelay $0x1  }
0xa2: {  	s23 =	simm.s32 $0x1B8B  }
0xa3: {  	_ =	swait.ge [sflag:s23], $0x1  }
0xa4: {  	[sflag:s23] =	ssyncset.done $0x0  }
0xa5: {  	s25 =	simm.s32 $0x1B8E;
	s24 =	sld [smem:$0x3FFE];
	[sflag:s23] =	ssyncadd.s32 $0xFFFFFFFF  }
0xa6: {  	s26 =	simm.s32 $execute0_lowered;
	[smem:$0x3FD2] =	sst s25  }
0xa7: {  	s6 =	sshll.u32 s26, $0x1;
	_ =	strace $0x80000046;
	[dreg:$0x1] =	wrdreg $0xFFFFFFFF  }
0xa8: {  	s28 =	simm.s32 $_size_execute0_lowered;
	s4 =	sadd.s32 s4, s6;
	[dreg:$0x0] =	wrdreg $0x0  }
0xa9: {  	s6 =	sshll.u32 s28, $0x1;
	[dreg:$0x2] =	wrdreg s4  }
0xaa: {  	[dreg:$0x3] =	wrdreg s6  }
0xab: {  	[dreg:$0x4] =	wrdreg $0xC0  }
0xac: {  	_ =	task [dreg:s8], $0x5FFFF  }
0xad: {  	[dreg:$0x1] =	wrdreg $0xFFFFFFFF  }
0xae: {  	[dreg:$0x0] =	wrdreg $0x60  }
0xaf: {  	[dreg:$0x2] =	wrdreg s24  }
0xb0: {  	[dreg:$0x3] =	wrdreg s2  }
0xb1: {  	[dreg:$0x4] =	wrdreg s18  }
0xb2: {  	[dreg:$0x5] =	wrdreg $0x9  }
0xb3: {  	_ =	task.clear_ibuf [dreg:s8], $0x6FFFF;
	_ =	strace $0x90000046  }
0xb4: {  	s29 =	simm.s32 $0x9;
	_ =	strace $0x80000048  }
0xb5: {  	_ =	swait.ge [sflag:s29], $0x1  }
0xb6: {  	[sflag:s29] =	ssyncadd.s32 $0xFFFFFFFF  }
0xb7: {  	_ =	strace $0x90000048  }
0xb8: {  	_ =	sfence  }
0xb9: {  	s30 =	sld [smem:$0x0];
	_ =	sdelay $0x2  }
0xba: {  	s31 =	sshll.u32 s1, $0xD;
	s1 =	sshrl.u32 s1, $0x2  }
0xbb: {  	s3 =	sand.u32 $0x4000, s31;
	s1 =	sadd.s32 s1, s30  }
0xbc: {  	s0 =	sor.u32 s3, s0;
	s1 =	sshll.u32 s1, $0x11  }
0xbd: {  	s0 =	sor.u32 s1, s0  }
0xbe: {  	s0 =	sadd.s32 $0x8F2B, s0  }
0xbf: {  	[sflag:s0] =	ssyncadd.remote.s32 $0x1  }
0xc0: {  	_ =	sfence.sel $0xFFFF  }
0xc1: {  	[dreg:$0x0] =	wrdreg $0xFFFFFFFF;
	(pc) =	sbr.abs _section_cstart, $3  }
0xc2: {  	[dreg:$0x1] =	wrdreg $0xFFFFFFFF  }
0xc3: {  	_ =	task.clear_ibuf [dreg:s8], $0x2FFFF;
	_ =	strace $0x9FFFFFFF  }
0xc4: {  	(tm) =	ssettm $0x7FFFFFFF  }
0xc5: {  	_ =	shalt  }
tec
execute0_lowered:
.L_overlay_start_1:
0x0: {  	(tag) =	ssettag $0x1  }
0x1: {  	s0 =	rddreg [dreg:$0x0]  }
0x2: {  	s1 =	rddreg [dreg:$0x1]  }
0x3: {  	s2 =	rddreg [dreg:$0x2];
	s4 =	srdreg.scid;
	s3 =	simm.s32 $0x0  }
0x4: {  	s5 =	stileid.u32;
	s4 =	sand.u32 $0x1, s4;
	[smem:$0x7FF] =	sst s3  }
0x5: {  	s5 =	sshll.u32 s5, $0xB;
	s6 =	sshll.u32 s4, $0xA;
	s4 =	ssub.s32 $0x2, s4  }
0x6: {  	s0 =	sadd.s32 $0x400, s0;
	_ =	strace $0x80000047;
	s16 =	sshrl.u32 s4, $0x1  }
0x7: {  	[dreg:$0x5] =	wrdreg s0;
	s5 =	sor.u32 s6, s5;
	s0 =	ssub.s32 s4, s16  }
0x8: {  	[dreg:$0x4] =	wrdreg s5;
	s5 =	sshll.u32 s5, $0x7;
	s0 =	smax.u32 s0, $0x1  }
0x9: {  	s2 =	sadd.s32 s2, s5;
	[dreg:$0x16] =	wrdreg s0  }
0xa: {  	s17 =	sadd.s32 $0x1000, s2;
	[dreg:$0x6] =	wrdreg s2  }
0xb: {  	s18 =	sadd.s32 $0x2000, s2;
	[dreg:$0x7] =	wrdreg s17  }
0xc: {  	s19 =	sadd.s32 $0x3000, s2;
	[dreg:$0x8] =	wrdreg s18  }
0xd: {  	s20 =	sadd.s32 $0x4000, s2;
	[dreg:$0x9] =	wrdreg s19  }
0xe: {  	s21 =	sadd.s32 $0x5000, s2;
	[dreg:$0xa] =	wrdreg s20  }
0xf: {  	s22 =	sadd.s32 $0x6000, s2;
	[dreg:$0xb] =	wrdreg s21  }
0x10: {  	s23 =	sadd.s32 $0x7000, s2;
	[dreg:$0xc] =	wrdreg s22  }
0x11: {  	s24 =	sadd.s32 $0x8000, s2;
	[dreg:$0xd] =	wrdreg s23  }
0x12: {  	s25 =	sadd.s32 $0x9000, s2;
	[dreg:$0xe] =	wrdreg s24  }
0x13: {  	s26 =	sadd.s32 $0xA000, s2;
	[dreg:$0xf] =	wrdreg s25  }
0x14: {  	s28 =	sadd.s32 $0xB000, s2;
	[dreg:$0x10] =	wrdreg s26  }
0x15: {  	s5 =	sadd.s32 $0xC000, s2;
	[dreg:$0x11] =	wrdreg s28  }
0x16: {  	s7 =	sadd.s32 $0xD000, s2;
	[dreg:$0x12] =	wrdreg s5  }
0x17: {  	s10 =	sadd.s32 $0xE000, s2;
	[dreg:$0x13] =	wrdreg s7  }
0x18: {  	s11 =	sadd.s32 $0xF000, s2;
	[dreg:$0x14] =	wrdreg s10  }
0x19: {  	s12 =	sadd.s32 $0x10000, s2;
	[dreg:$0x15] =	wrdreg s11  }
0x1a: {  	s13 =	sadd.s32 $0x11000, s2;
	[dreg:$0x17] =	wrdreg s12  }
0x1b: {  	s14 =	sadd.s32 $0x12000, s2;
	[dreg:$0x18] =	wrdreg s13  }
0x1c: {  	s15 =	sadd.s32 $0x13000, s2;
	[dreg:$0x19] =	wrdreg s14  }
0x1d: {  	s16 =	sadd.s32 $0x14000, s2;
	[dreg:$0x1a] =	wrdreg s15  }
0x1e: {  	[dreg:$0x1b] =	wrdreg s16;
	s17 =	sadd.s32 $0x15000, s2  }
0x1f: {  	s18 =	sadd.s32 $0x16000, s2;
	[dreg:$0x1c] =	wrdreg s17  }
0x20: {  	s19 =	sadd.s32 $0x17000, s2;
	[dreg:$0x1d] =	wrdreg s18  }
0x21: {  	s20 =	sadd.s32 $0x18000, s2;
	[dreg:$0x1e] =	wrdreg s19  }
0x22: {  	s21 =	sadd.s32 $0x19000, s2;
	[dreg:$0x1f] =	wrdreg s20  }
0x23: {  	v0 =	vimm.s32 $0x1;
	v1 =	vimm.s32 $0x2;
	v2 =	vimm.s32 $0x3;
	s29 =	simm.s32 $0x4;
	s22 =	sadd.s32 $0x1A000, s2;
	[smem:$0x7F7] =	sst s21  }
0x24: {  	v3 =	vimm.s32 $0x4;
	v4 =	vimm.s32 $0x5;
	v5 =	vimm.s32 $0x6;
	s30 =	simm.s32 $0x2;
	s23 =	sadd.s32 $0x1B000, s2;
	[smem:$0x7F8] =	sst s22  }
0x25: {  	v6 =	vimm.s32 $0x7;
	v7 =	vimm.s32 $0x8;
	v8 =	vimm.s32 $0x9;
	s31 =	simm.s32 $0x5;
	s24 =	sadd.s32 $0x1C000, s2;
	[smem:$0x7F9] =	sst s23  }
0x26: {  	v9 =	vimm.s32 $0xA;
	v10 =	vimm.s32 $0xB;
	v11 =	vimm.s32 $0xC;
	s8 =	sadd.s32 $0x200, s1;
	s25 =	sadd.s32 $0x1D000, s2;
	[smem:$0x7FA] =	sst s24  }
0x27: {  	v12 =	vimm.s32 $0xD;
	v13 =	vimm.s32 $0xE;
	v14 =	vlaneseq.u32;
	s9 =	sadd.s32 $0x300, s1;
	s26 =	sadd.s32 $0x1E000, s2;
	[smem:$0x7FB] =	sst s25  }
0x28: {  	v15 =	vimm.s32 $0xF;
	vm0 =	vmmov $0xffff;
	v17 =	vshrl.u32 v14, $0x3;
	s6 =	sadd.s32 $0x100, s1;
	s28 =	sadd.s32 $0x1F000, s2;
	[smem:$0x7FC] =	sst s26  }
0x29: {  	v16 =	vand.u32 $0x7, v14;
	v18 =	vor.u32 $0x8, v14;
	v17 =	vmul.u32 $0x8, v17;
	s4 =	simm.s32 $0x0;
	s16 =	simm.s32 $0x1;
	[smem:$0x7FD] =	sst s28  }
.LBB2_1:
0x2a: {  	[smem:$0x7F6] =	sst s4  }
0x2b: {  	s10 =	rddreg [dreg:$0x5];
	s26 =	simm.s32 $0x7  }
0x2c: {  	[tilespmem:s3], [sflag:$0x7] =	stream.linear.gather [hbm4b:s10+s3], $0x80, $0x38;
	[tilespmem:$0x18480] =	vst v63  }
0x2d: {  	_ =	swait.ge [sflag:s26], $0x80  }
0x2e: {  	[sflag:s26] =	ssyncset.done $0x0  }
0x2f: {  	[sflag:s26] =	ssyncadd.s32 $0xFFFFFF80  }
0x30: {  	v23 =	vld [tilespmem:$0x0];
	_ =	sdelay $0x4  }
0x31: {  	v34 =	vperm.xlane v23, v0  }
0x32: {  	v33 =	vperm.xlane v23, v1;
	v32 =	vperm.xlane v23, v2  }
0x33: {  	s28 =	rddreg [dreg:$0x4];
	v31 =	vperm.xlane v23, v3;
	v30 =	vperm.xlane v23, v4  }
0x34: {  	v19 =	vor.u32 s28, v14;
	v29 =	vperm.xlane v23, v5;
	v27 =	vperm.xlane v23, v6  }
0x35: {  	v28 =	vperm.xlane v23, v7;
	v26 =	vperm.xlane v23, v8;
	vm1 =	vgt.s32 v34, v19  }
0x36: {  	v24 =	vperm.xlane v23, v9;
	v20 =	vsel vm1, $0x0, v34;
	vm1 =	vgt.s32 v33, v19  }
0x37: {  	v25 =	vperm.xlane v23, v10;
	v21 =	vsel vm1, v20, v33;
	vm1 =	vgt.s32 v32, v19  }
0x38: {  	vm2 =	vgt.s32 v26, v19;
	v22 =	vsel vm1, v21, v32;
	vm1 =	vgt.s32 v31, v19  }
0x39: {  	v20 =	vperm.xlane v23, v11;
	v35 =	vsel vm1, v22, v31;
	vm1 =	vgt.s32 v30, v19  }
0x3a: {  	v21 =	vperm.xlane v23, v12;
	v35 =	vsel vm1, v35, v30;
	vm1 =	vgt.s32 v29, v19  }
0x3b: {  	v22 =	vperm.xlane v23, v13;
	v36 =	vsel vm1, v35, v29;
	vm1 =	vgt.s32 v27, v19  }
0x3c: {  	v23 =	vperm.xlane v23, v15;
	v36 =	vsel vm1, v36, v27;
	vm1 =	vgt.s32 v28, v19  }
0x3d: {  	s13 =	sadd.s32 $0x10, s28;
	vm3 =	vgt.s32 v24, v19;
	vm4 =	vgt.s32 v25, v19;
	v36 =	vsel vm1, v36, v28  }
0x3e: {  	v35 =	vor.u32 s13, v14;
	vm1 =	vgt.s32 v23, v19;
	v36 =	vsel vm2, v36, v26  }
0x3f: {  	s14 =	simm.s32 $0x80;
	s12 =	simm.s32 $0x0;
	s10 =	simm.s32 $0x40;
	vm2 =	vgt.s32 v22, v19;
	v36 =	vsel vm3, v36, v24;
	vm3 =	vgt.s32 v21, v19  }
.LBB2_2:
0x40: {  	p0 =	sne.s32 s14, $0xFC0;
	vm5 =	vgt.s32 v34, v35;
	v36 =	vsel vm4, v36, v25;
	vm4 =	vgt.s32 v20, v19  }
0x41: {  	v37 =	vsel vm5, $0x0, v34;
	vm5 =	vgt.s32 v33, v35;
	v36 =	vsel vm4, v36, v20  }
0x42: {  	vm4 =	vgt.s32 v32, v35;
	v37 =	vsel vm5, v37, v33;
	v36 =	vsel vm3, v36, v21  }
0x43: {  	vm3 =	vgt.s32 v31, v35;
	v37 =	vsel vm4, v37, v32;
	v36 =	vsel vm2, v36, v22  }
0x44: {  	vm2 =	vgt.s32 v30, v35;
	v37 =	vsel vm3, v37, v31;
	v36 =	vsel vm1, v36, v23  }
0x45: {  	s15 =	sshra.s32 s12, $0x2;
	s12 =	smov.u32 s10;
	s10 =	smov.u32 s14;
	vm1 =	vgt.s32 v29, v35;
	v37 =	vsel vm2, v37, v30;
	v36 =	vsub.s32 v19, v36;
	v19 =	vmovc v35  }
.Ltmp0:
0x46: {  	s13 =	sadd.s32 $0x10, s13;
	v37 =	vsel vm1, v37, v29;
	vm1 =	vgt.s32 v27, v19;
	[tilespmem:s15+$0x80] =	vst v36;
	(pc) =	sbr.rel @p0 .LBB2_2-.Ltmp0, $4  }
0x47: {  	v35 =	vor.u32 s13, v14;
	v36 =	vsel vm1, v37, v27;
	vm1 =	vgt.s32 v28, v19  }
0x48: {  	vm2 =	vgt.s32 v26, v19;
	v36 =	vsel vm1, v36, v28;
	vm1 =	vgt.s32 v23, v19  }
0x49: {  	vm3 =	vgt.s32 v24, v19;
	v36 =	vsel vm2, v36, v26;
	vm2 =	vgt.s32 v22, v19  }
0x4a: {  	s14 =	sadd.s32 $0x40, s14;
	vm4 =	vgt.s32 v25, v19;
	v36 =	vsel vm3, v36, v24;
	vm3 =	vgt.s32 v21, v19  }
0x4b: {  	vm5 =	vgt.s32 v34, v35  }
0x4c: {  	vm12 =	vgt.s32 v33, v35;
	v34 =	vsel vm5, $0x0, v34  }
0x4d: {  	vm13 =	vgt.s32 v32, v35;
	v33 =	vsel vm12, v34, v33  }
0x4e: {  	vm14 =	vgt.s32 v31, v35;
	v32 =	vsel vm13, v33, v32  }
0x4f: {  	vm15 =	vgt.s32 v30, v35;
	v31 =	vsel vm14, v32, v31  }
0x50: {  	vm8 =	vgt.s32 v29, v35;
	v30 =	vsel vm15, v31, v30  }
0x51: {  	vm9 =	vgt.s32 v27, v35;
	v29 =	vsel vm8, v30, v29  }
0x52: {  	vm10 =	vgt.s32 v28, v35;
	v27 =	vsel vm9, v29, v27  }
0x53: {  	vm11 =	vgt.s32 v26, v35;
	v27 =	vsel vm10, v27, v28  }
0x54: {  	v59 =	vsel vm4, v36, v25;
	vm12 =	vgt.s32 v24, v35;
	v26 =	vsel vm11, v27, v26  }
0x55: {  	vm13 =	vgt.s32 v20, v19;
	vm14 =	vgt.s32 v25, v35;
	v24 =	vsel vm12, v26, v24  }
0x56: {  	v60 =	vsel vm13, v59, v20;
	vm15 =	vgt.s32 v20, v35;
	v24 =	vsel vm14, v24, v25  }
0x57: {  	v61 =	vsel vm3, v60, v21;
	vm3 =	vgt.s32 v21, v35;
	v20 =	vsel vm15, v24, v20  }
0x58: {  	v62 =	vsel vm2, v61, v22;
	vm2 =	vgt.s32 v22, v35;
	v20 =	vsel vm3, v20, v21  }
0x59: {  	v63 =	vsel vm1, v62, v23;
	vm1 =	vgt.s32 v23, v35;
	v20 =	vsel vm2, v20, v22  }
0x5a: {  	s12 =	sshra.s32 s12, $0x2;
	v19 =	vsub.s32 v19, v63;
	v20 =	vsel vm1, v20, v23  }
0x5b: {  	s10 =	sshra.s32 s10, $0x2;
	[tilespmem:s12+$0x80] =	vst v19;
	v19 =	vsub.s32 v35, v20  }
0x5c: {  	[tilespmem:s10+$0x80] =	vst v19  }
0x5d: {  	v19 =	vld [tilespmem:$0x80];
	_ =	sdelay $0x4  }
0x5e: {  	v20 =	vshll.u32 v19, $0x3  }
0x5f: {  	v19 =	vand.u32 $0x7, v19;
	v20 =	vand.u32 $0xFFFFFFC0, v20  }
0x60: {  	v19 =	vor.u32 v19, v20  }
0x61: {  	v20 =	vperm.xlane v19, v16;
	_ =	sdelay $0x1  }
0x62: {  	v20 =	vadd.s32 v17, v20;
	_ =	sdelay $0x3  }
0x63: {  	s0 =	simm.s32 $0x480  }
0x64: {  	[tilespmem:s0], [sflag:$0x1] =	stream.indirect_vreg.gather [hbm4b:s1+s3], $0x80, v20, vm0, $0xb8;
	[tilespmem:$0x18480] =	vst v63  }
0x65: {  	s4 =	simm.s32 $0xC80;
	v19 =	vperm.xlane v19, v18  }
0x66: {  	[tilespmem:s4], [sflag:$0x1] =	stream.indirect_vreg.gather [hbm4b:s6+s3], $0x80, v20, vm0, $0xb8;
	[tilespmem:$0x18480] =	vst v63  }
0x67: {  	s12 =	simm.s32 $0x1480;
	v19 =	vadd.s32 v17, v19  }
0x68: {  	[tilespmem:s12], [sflag:$0x1] =	stream.indirect_vreg.gather [hbm4b:s8+s3], $0x80, v20, vm0, $0xb8;
	[tilespmem:$0x18480] =	vst v63  }
0x69: {  	s13 =	simm.s32 $0x1C80  }
0x6a: {  	[tilespmem:s13], [sflag:$0x1] =	stream.indirect_vreg.gather [hbm4b:s9+s3], $0x80, v20, vm0, $0xb8;
	[tilespmem:$0x18480] =	vst v63  }
0x6b: {  	s14 =	simm.s32 $0x2480  }
0x6c: {  	[tilespmem:s14], [sflag:$0x1] =	stream.indirect_vreg.gather [hbm4b:s1+s3], $0x80, v19, vm0, $0xb8;
	[tilespmem:$0x18480] =	vst v63  }
0x6d: {  	s15 =	simm.s32 $0x2C80  }
0x6e: {  	[tilespmem:s15], [sflag:$0x1] =	stream.indirect_vreg.gather [hbm4b:s6+s3], $0x80, v19, vm0, $0xb8;
	[tilespmem:$0x18480] =	vst v63  }
0x6f: {  	s17 =	simm.s32 $0x3480  }
0x70: {  	[tilespmem:s17], [sflag:$0x1] =	stream.indirect_vreg.gather [hbm4b:s8+s3], $0x80, v19, vm0, $0xb8;
	[tilespmem:$0x18480] =	vst v63  }
0x71: {  	s18 =	simm.s32 $0x3C80  }
0x72: {  	[tilespmem:s18], [sflag:$0x1] =	stream.indirect_vreg.gather [hbm4b:s9+s3], $0x80, v19, vm0, $0xb8;
	[tilespmem:$0x18480] =	vst v63  }
0x73: {  	v19 =	vld [tilespmem:$0x90];
	_ =	sdelay $0x4  }
0x74: {  	v20 =	vshll.u32 v19, $0x3  }
0x75: {  	v19 =	vand.u32 $0x7, v19;
	v20 =	vand.u32 $0xFFFFFFC0, v20  }
0x76: {  	v19 =	vor.u32 v19, v20  }
0x77: {  	v20 =	vperm.xlane v19, v16;
	_ =	sdelay $0x1  }
0x78: {  	v20 =	vadd.s32 v17, v20;
	_ =	sdelay $0x3  }
0x79: {  	s19 =	simm.s32 $0x4480  }
0x7a: {  	[tilespmem:s19], [sflag:$0x1] =	stream.indirect_vreg.gather [hbm4b:s1+s3], $0x80, v20, vm0, $0xb8;
	[tilespmem:$0x18480] =	vst v63  }
0x7b: {  	s22 =	simm.s32 $0x4C80;
	v19 =	vperm.xlane v19, v18  }
0x7c: {  	[tilespmem:s22], [sflag:$0x1] =	stream.indirect_vreg.gather [hbm4b:s6+s3], $0x80, v20, vm0, $0xb8;
	[tilespmem:$0x18480] =	vst v63  }
0x7d: {  	s23 =	simm.s32 $0x5480;
	v19 =	vadd.s32 v17, v19  }
0x7e: {  	[tilespmem:s23], [sflag:$0x1] =	stream.indirect_vreg.gather [hbm4b:s8+s3], $0x80, v20, vm0, $0xb8;
	[tilespmem:$0x18480] =	vst v63  }
0x7f: {  	s24 =	simm.s32 $0x5C80  }
0x80: {  	[tilespmem:s24], [sflag:$0x1] =	stream.indirect_vreg.gather [hbm4b:s9+s3], $0x80, v20, vm0, $0xb8;
	[tilespmem:$0x18480] =	vst v63  }
0x81: {  	s25 =	simm.s32 $0x6480  }
0x82: {  	[tilespmem:s25], [sflag:$0x1] =	stream.indirect_vreg.gather [hbm4b:s1+s3], $0x80, v19, vm0, $0xb8;
	[tilespmem:$0x18480] =	vst v63  }
0x83: {  	s26 =	simm.s32 $0x6C80  }
0x84: {  	[tilespmem:s26], [sflag:$0x1] =	stream.indirect_vreg.gather [hbm4b:s6+s3], $0x80, v19, vm0, $0xb8;
	[tilespmem:$0x18480] =	vst v63  }
0x85: {  	s28 =	simm.s32 $0x7480  }
0x86: {  	[tilespmem:s28], [sflag:$0x1] =	stream.indirect_vreg.gather [hbm4b:s8+s3], $0x80, v19, vm0, $0xb8;
	[tilespmem:$0x18480] =	vst v63  }
0x87: {  	s0 =	simm.s32 $0x7C80  }
0x88: {  	[tilespmem:s0], [sflag:$0x1] =	stream.indirect_vreg.gather [hbm4b:s9+s3], $0x80, v19, vm0, $0xb8;
	[tilespmem:$0x18480] =	vst v63  }
0x89: {  	v19 =	vld [tilespmem:$0xA0];
	_ =	sdelay $0x4  }
0x8a: {  	v20 =	vshll.u32 v19, $0x3  }
0x8b: {  	v19 =	vand.u32 $0x7, v19;
	v20 =	vand.u32 $0xFFFFFFC0, v20  }
0x8c: {  	v19 =	vor.u32 v19, v20  }
0x8d: {  	v20 =	vperm.xlane v19, v16;
	_ =	sdelay $0x1  }
0x8e: {  	v20 =	vadd.s32 v17, v20;
	_ =	sdelay $0x3  }
0x8f: {  	s2 =	simm.s32 $0x8480  }
0x90: {  	[tilespmem:s2], [sflag:$0x2] =	stream.indirect_vreg.gather [hbm4b:s1+s3], $0x80, v20, vm0, $0xb8;
	[tilespmem:$0x18480] =	vst v63  }
0x91: {  	v19 =	vperm.xlane v19, v18;
	s2 =	simm.s32 $0x8C80  }
0x92: {  	[tilespmem:s2], [sflag:$0x2] =	stream.indirect_vreg.gather [hbm4b:s6+s3], $0x80, v20, vm0, $0xb8;
	[tilespmem:$0x18480] =	vst v63  }
0x93: {  	s10 =	simm.s32 $0x9480;
	v19 =	vadd.s32 v17, v19  }
0x94: {  	[tilespmem:s10], [sflag:$0x2] =	stream.indirect_vreg.gather [hbm4b:s8+s3], $0x80, v20, vm0, $0xb8;
	[tilespmem:$0x18480] =	vst v63  }
0x95: {  	s13 =	simm.s32 $0x9C80  }
0x96: {  	[tilespmem:s13], [sflag:$0x2] =	stream.indirect_vreg.gather [hbm4b:s9+s3], $0x80, v20, vm0, $0xb8;
	[tilespmem:$0x18480] =	vst v63  }
0x97: {  	s14 =	simm.s32 $0xA480  }
0x98: {  	[tilespmem:s14], [sflag:$0x2] =	stream.indirect_vreg.gather [hbm4b:s1+s3], $0x80, v19, vm0, $0xb8;
	[tilespmem:$0x18480] =	vst v63  }
0x99: {  	s15 =	simm.s32 $0xAC80  }
0x9a: {  	[tilespmem:s15], [sflag:$0x2] =	stream.indirect_vreg.gather [hbm4b:s6+s3], $0x80, v19, vm0, $0xb8;
	[tilespmem:$0x18480] =	vst v63  }
0x9b: {  	s17 =	simm.s32 $0xB480  }
0x9c: {  	[tilespmem:s17], [sflag:$0x2] =	stream.indirect_vreg.gather [hbm4b:s8+s3], $0x80, v19, vm0, $0xb8;
	[tilespmem:$0x18480] =	vst v63  }
0x9d: {  	s18 =	simm.s32 $0xBC80  }
0x9e: {  	[tilespmem:s18], [sflag:$0x2] =	stream.indirect_vreg.gather [hbm4b:s9+s3], $0x80, v19, vm0, $0xb8;
	[tilespmem:$0x18480] =	vst v63  }
0x9f: {  	v19 =	vld [tilespmem:$0xB0];
	_ =	sdelay $0x4  }
0xa0: {  	v20 =	vshll.u32 v19, $0x3  }
0xa1: {  	v19 =	vand.u32 $0x7, v19;
	v20 =	vand.u32 $0xFFFFFFC0, v20  }
0xa2: {  	v19 =	vor.u32 v19, v20  }
0xa3: {  	v20 =	vperm.xlane v19, v16;
	_ =	sdelay $0x1  }
0xa4: {  	v20 =	vadd.s32 v17, v20;
	_ =	sdelay $0x3  }
0xa5: {  	s19 =	simm.s32 $0xC480  }
0xa6: {  	[tilespmem:s19], [sflag:$0x2] =	stream.indirect_vreg.gather [hbm4b:s1+s3], $0x80, v20, vm0, $0xb8;
	[tilespmem:$0x18480] =	vst v63  }
0xa7: {  	s28 =	simm.s32 $0xCC80;
	v19 =	vperm.xlane v19, v18  }
0xa8: {  	[tilespmem:s28], [sflag:$0x2] =	stream.indirect_vreg.gather [hbm4b:s6+s3], $0x80, v20, vm0, $0xb8;
	[tilespmem:$0x18480] =	vst v63  }
0xa9: {  	s2 =	simm.s32 $0xD480;
	v19 =	vadd.s32 v17, v19  }
0xaa: {  	[tilespmem:s2], [sflag:$0x2] =	stream.indirect_vreg.gather [hbm4b:s8+s3], $0x80, v20, vm0, $0xb8;
	[tilespmem:$0x18480] =	vst v63  }
0xab: {  	s10 =	simm.s32 $0xDC80  }
0xac: {  	[tilespmem:s10], [sflag:$0x2] =	stream.indirect_vreg.gather [hbm4b:s9+s3], $0x80, v20, vm0, $0xb8;
	[tilespmem:$0x18480] =	vst v63  }
0xad: {  	s13 =	simm.s32 $0xE480  }
0xae: {  	[tilespmem:s13], [sflag:$0x2] =	stream.indirect_vreg.gather [hbm4b:s1+s3], $0x80, v19, vm0, $0xb8;
	[tilespmem:$0x18480] =	vst v63  }
0xaf: {  	s14 =	simm.s32 $0xEC80  }
0xb0: {  	[tilespmem:s14], [sflag:$0x2] =	stream.indirect_vreg.gather [hbm4b:s6+s3], $0x80, v19, vm0, $0xb8;
	[tilespmem:$0x18480] =	vst v63  }
0xb1: {  	s15 =	simm.s32 $0xF480  }
0xb2: {  	[tilespmem:s15], [sflag:$0x2] =	stream.indirect_vreg.gather [hbm4b:s8+s3], $0x80, v19, vm0, $0xb8;
	[tilespmem:$0x18480] =	vst v63  }
0xb3: {  	s19 =	simm.s32 $0xFC80  }
0xb4: {  	[tilespmem:s19], [sflag:$0x2] =	stream.indirect_vreg.gather [hbm4b:s9+s3], $0x80, v19, vm0, $0xb8;
	[tilespmem:$0x18480] =	vst v63  }
0xb5: {  	v19 =	vld [tilespmem:$0xC0];
	_ =	sdelay $0x4  }
0xb6: {  	v20 =	vshll.u32 v19, $0x3  }
0xb7: {  	v19 =	vand.u32 $0x7, v19;
	v20 =	vand.u32 $0xFFFFFFC0, v20  }
0xb8: {  	v19 =	vor.u32 v19, v20  }
0xb9: {  	v20 =	vperm.xlane v19, v16;
	_ =	sdelay $0x1  }
0xba: {  	v20 =	vadd.s32 v17, v20;
	_ =	sdelay $0x3  }
0xbb: {  	s28 =	simm.s32 $0x10480  }
0xbc: {  	[tilespmem:s28], [sflag:$0x3] =	stream.indirect_vreg.gather [hbm4b:s1+s3], $0x80, v20, vm0, $0xb8;
	[tilespmem:$0x18480] =	vst v63  }
0xbd: {  	s4 =	simm.s32 $0x10C80;
	v19 =	vperm.xlane v19, v18  }
0xbe: {  	[tilespmem:s4], [sflag:$0x3] =	stream.indirect_vreg.gather [hbm4b:s6+s3], $0x80, v20, vm0, $0xb8;
	[tilespmem:$0x18480] =	vst v63  }
0xbf: {  	s10 =	simm.s32 $0x11480;
	v19 =	vadd.s32 v17, v19  }
0xc0: {  	[tilespmem:s10], [sflag:$0x3] =	stream.indirect_vreg.gather [hbm4b:s8+s3], $0x80, v20, vm0, $0xb8;
	[tilespmem:$0x18480] =	vst v63  }
0xc1: {  	s15 =	simm.s32 $0x11C80  }
0xc2: {  	[tilespmem:s15], [sflag:$0x3] =	stream.indirect_vreg.gather [hbm4b:s9+s3], $0x80, v20, vm0, $0xb8;
	[tilespmem:$0x18480] =	vst v63  }
0xc3: {  	s19 =	simm.s32 $0x12480  }
0xc4: {  	[tilespmem:s19], [sflag:$0x3] =	stream.indirect_vreg.gather [hbm4b:s1+s3], $0x80, v19, vm0, $0xb8;
	[tilespmem:$0x18480] =	vst v63  }
0xc5: {  	s28 =	simm.s32 $0x12C80  }
0xc6: {  	[tilespmem:s28], [sflag:$0x3] =	stream.indirect_vreg.gather [hbm4b:s6+s3], $0x80, v19, vm0, $0xb8;
	[tilespmem:$0x18480] =	vst v63  }
0xc7: {  	s4 =	simm.s32 $0x13480  }
0xc8: {  	[tilespmem:s4], [sflag:$0x3] =	stream.indirect_vreg.gather [hbm4b:s8+s3], $0x80, v19, vm0, $0xb8;
	[tilespmem:$0x18480] =	vst v63  }
0xc9: {  	s10 =	simm.s32 $0x13C80  }
0xca: {  	[tilespmem:s10], [sflag:$0x3] =	stream.indirect_vreg.gather [hbm4b:s9+s3], $0x80, v19, vm0, $0xb8;
	[tilespmem:$0x18480] =	vst v63  }
0xcb: {  	v19 =	vld [tilespmem:$0xD0];
	_ =	sdelay $0x4  }
0xcc: {  	v20 =	vshll.u32 v19, $0x3  }
0xcd: {  	v19 =	vand.u32 $0x7, v19;
	v20 =	vand.u32 $0xFFFFFFC0, v20  }
0xce: {  	v19 =	vor.u32 v19, v20  }
0xcf: {  	v20 =	vperm.xlane v19, v16;
	_ =	sdelay $0x1  }
0xd0: {  	v20 =	vadd.s32 v17, v20;
	_ =	sdelay $0x3  }
0xd1: {  	s15 =	simm.s32 $0x14480  }
0xd2: {  	[tilespmem:s15], [sflag:$0x3] =	stream.indirect_vreg.gather [hbm4b:s1+s3], $0x80, v20, vm0, $0xb8;
	[tilespmem:$0x18480] =	vst v63  }
0xd3: {  	s19 =	simm.s32 $0x14C80;
	v19 =	vperm.xlane v19, v18  }
0xd4: {  	[tilespmem:s19], [sflag:$0x3] =	stream.indirect_vreg.gather [hbm4b:s6+s3], $0x80, v20, vm0, $0xb8;
	[tilespmem:$0x18480] =	vst v63  }
0xd5: {  	s4 =	simm.s32 $0x15480;
	v19 =	vadd.s32 v17, v19  }
0xd6: {  	[tilespmem:s4], [sflag:$0x3] =	stream.indirect_vreg.gather [hbm4b:s8+s3], $0x80, v20, vm0, $0xb8;
	[tilespmem:$0x18480] =	vst v63  }
0xd7: {  	s10 =	simm.s32 $0x15C80  }
0xd8: {  	[tilespmem:s10], [sflag:$0x3] =	stream.indirect_vreg.gather [hbm4b:s9+s3], $0x80, v20, vm0, $0xb8;
	[tilespmem:$0x18480] =	vst v63  }
0xd9: {  	s15 =	simm.s32 $0x16480  }
0xda: {  	[tilespmem:s15], [sflag:$0x3] =	stream.indirect_vreg.gather [hbm4b:s1+s3], $0x80, v19, vm0, $0xb8;
	[tilespmem:$0x18480] =	vst v63  }
0xdb: {  	s19 =	simm.s32 $0x16C80  }
0xdc: {  	[tilespmem:s19], [sflag:$0x3] =	stream.indirect_vreg.gather [hbm4b:s6+s3], $0x80, v19, vm0, $0xb8;
	[tilespmem:$0x18480] =	vst v63  }
0xdd: {  	s4 =	simm.s32 $0x17480  }
0xde: {  	[tilespmem:s4], [sflag:$0x3] =	stream.indirect_vreg.gather [hbm4b:s8+s3], $0x80, v19, vm0, $0xb8;
	[tilespmem:$0x18480] =	vst v63  }
0xdf: {  	s10 =	simm.s32 $0x17C80  }
0xe0: {  	[tilespmem:s10], [sflag:$0x3] =	stream.indirect_vreg.gather [hbm4b:s9+s3], $0x80, v19, vm0, $0xb8;
	[tilespmem:$0x18480] =	vst v63  }
0xe1: {  	_ =	swait.ge [sflag:s16], $0x8000  }
0xe2: {  	[sflag:s16] =	ssyncset.done $0x0  }
0xe3: {  	s19 =	simm.s32 $0x480;
	s15 =	rddreg [dreg:$0x6];
	[sflag:s16] =	ssyncadd.s32 $0xFFFF8000  }
0xe4: {  	[hbm4b:s15+s3] =	stream.linear.scatter [tilespmem:s19], [sflag:$0x4], $0x8000, $0x38;
	[tilespmem:$0x18480] =	vst v63  }
0xe5: {  	_ =	swait.ge [sflag:s29], $0x8000  }
0xe6: {  	[sflag:s29] =	ssyncset.done $0x0  }
0xe7: {  	[sflag:s29] =	ssyncadd.s32 $0xFFFF8000  }
0xe8: {  	v19 =	vld [tilespmem:$0xE0];
	_ =	sdelay $0x4  }
0xe9: {  	v20 =	vshll.u32 v19, $0x3  }
0xea: {  	v19 =	vand.u32 $0x7, v19;
	v20 =	vand.u32 $0xFFFFFFC0, v20  }
0xeb: {  	v19 =	vor.u32 v19, v20  }
0xec: {  	v20 =	vperm.xlane v19, v16;
	_ =	sdelay $0x1  }
0xed: {  	v20 =	vadd.s32 v17, v20;
	_ =	sdelay $0x4  }
0xee: {  	[tilespmem:s19], [sflag:$0x1] =	stream.indirect_vreg.gather [hbm4b:s1+s3], $0x80, v20, vm0, $0xb8;
	[tilespmem:$0x18480] =	vst v63  }
0xef: {  	s4 =	simm.s32 $0xC80;
	v19 =	vperm.xlane v19, v18  }
0xf0: {  	[tilespmem:s4], [sflag:$0x1] =	stream.indirect_vreg.gather [hbm4b:s6+s3], $0x80, v20, vm0, $0xb8;
	[tilespmem:$0x18480] =	vst v63  }
0xf1: {  	s5 =	simm.s32 $0x1480;
	v19 =	vadd.s32 v17, v19  }
0xf2: {  	[tilespmem:s5], [sflag:$0x1] =	stream.indirect_vreg.gather [hbm4b:s8+s3], $0x80, v20, vm0, $0xb8;
	[tilespmem:$0x18480] =	vst v63  }
0xf3: {  	s7 =	simm.s32 $0x1C80  }
0xf4: {  	[tilespmem:s7], [sflag:$0x1] =	stream.indirect_vreg.gather [hbm4b:s9+s3], $0x80, v20, vm0, $0xb8;
	[tilespmem:$0x18480] =	vst v63  }
0xf5: {  	s11 =	simm.s32 $0x2480  }
0xf6: {  	[tilespmem:s11], [sflag:$0x1] =	stream.indirect_vreg.gather [hbm4b:s1+s3], $0x80, v19, vm0, $0xb8;
	[tilespmem:$0x18480] =	vst v63  }
0xf7: {  	s20 =	simm.s32 $0x2C80  }
0xf8: {  	[tilespmem:s20], [sflag:$0x1] =	stream.indirect_vreg.gather [hbm4b:s6+s3], $0x80, v19, vm0, $0xb8;
	[tilespmem:$0x18480] =	vst v63  }
0xf9: {  	s21 =	simm.s32 $0x3480  }
0xfa: {  	[tilespmem:s21], [sflag:$0x1] =	stream.indirect_vreg.gather [hbm4b:s8+s3], $0x80, v19, vm0, $0xb8;
	[tilespmem:$0x18480] =	vst v63  }
0xfb: {  	s19 =	simm.s32 $0x3C80  }
0xfc: {  	[tilespmem:s19], [sflag:$0x1] =	stream.indirect_vreg.gather [hbm4b:s9+s3], $0x80, v19, vm0, $0xb8;
	[tilespmem:$0x18480] =	vst v63  }
0xfd: {  	v19 =	vld [tilespmem:$0xF0];
	_ =	sdelay $0x4  }
0xfe: {  	v20 =	vshll.u32 v19, $0x3  }
0xff: {  	v19 =	vand.u32 $0x7, v19;
	v20 =	vand.u32 $0xFFFFFFC0, v20  }
0x100: {  	v19 =	vor.u32 v19, v20  }
0x101: {  	v20 =	vperm.xlane v19, v16;
	_ =	sdelay $0x1  }
0x102: {  	v20 =	vadd.s32 v17, v20;
	_ =	sdelay $0x3  }
0x103: {  	s5 =	simm.s32 $0x4480  }
0x104: {  	[tilespmem:s5], [sflag:$0x1] =	stream.indirect_vreg.gather [hbm4b:s1+s3], $0x80, v20, vm0, $0xb8;
	[tilespmem:$0x18480] =	vst v63  }
0x105: {  	s2 =	simm.s32 $0x4C80;
	v19 =	vperm.xlane v19, v18  }
0x106: {  	[tilespmem:s2], [sflag:$0x1] =	stream.indirect_vreg.gather [hbm4b:s6+s3], $0x80, v20, vm0, $0xb8;
	[tilespmem:$0x18480] =	vst v63  }
0x107: {  	s22 =	simm.s32 $0x5480;
	v19 =	vadd.s32 v17, v19  }
0x108: {  	[tilespmem:s22], [sflag:$0x1] =	stream.indirect_vreg.gather [hbm4b:s8+s3], $0x80, v20, vm0, $0xb8;
	[tilespmem:$0x18480] =	vst v63  }
0x109: {  	s23 =	simm.s32 $0x5C80  }
0x10a: {  	[tilespmem:s23], [sflag:$0x1] =	stream.indirect_vreg.gather [hbm4b:s9+s3], $0x80, v20, vm0, $0xb8;
	[tilespmem:$0x18480] =	vst v63  }
0x10b: {  	s24 =	simm.s32 $0x6480  }
0x10c: {  	[tilespmem:s24], [sflag:$0x1] =	stream.indirect_vreg.gather [hbm4b:s1+s3], $0x80, v19, vm0, $0xb8;
	[tilespmem:$0x18480] =	vst v63  }
0x10d: {  	s25 =	simm.s32 $0x6C80  }
0x10e: {  	[tilespmem:s25], [sflag:$0x1] =	stream.indirect_vreg.gather [hbm4b:s6+s3], $0x80, v19, vm0, $0xb8;
	[tilespmem:$0x18480] =	vst v63  }
0x10f: {  	s26 =	simm.s32 $0x7480  }
0x110: {  	[tilespmem:s26], [sflag:$0x1] =	stream.indirect_vreg.gather [hbm4b:s8+s3], $0x80, v19, vm0, $0xb8;
	[tilespmem:$0x18480] =	vst v63  }
0x111: {  	s0 =	simm.s32 $0x7C80  }
0x112: {  	[tilespmem:s0], [sflag:$0x1] =	stream.indirect_vreg.gather [hbm4b:s9+s3], $0x80, v19, vm0, $0xb8;
	[tilespmem:$0x18480] =	vst v63  }
0x113: {  	_ =	swait.ge [sflag:s30], $0x8000  }
0x114: {  	[sflag:s30] =	ssyncset.done $0x0  }
0x115: {  	s12 =	simm.s32 $0x8480;
	s26 =	rddreg [dreg:$0x7];
	[sflag:s30] =	ssyncadd.s32 $0xFFFF8000  }
0x116: {  	[hbm4b:s26+s3] =	stream.linear.scatter [tilespmem:s12], [sflag:$0x5], $0x8000, $0x38;
	[tilespmem:$0x18480] =	vst v63  }
0x117: {  	_ =	swait.ge [sflag:s31], $0x8000  }
0x118: {  	[sflag:s31] =	ssyncset.done $0x0  }
0x119: {  	[sflag:s31] =	ssyncadd.s32 $0xFFFF8000  }
0x11a: {  	v19 =	vld [tilespmem:$0x100];
	_ =	sdelay $0x4  }
0x11b: {  	v20 =	vshll.u32 v19, $0x3  }
0x11c: {  	v19 =	vand.u32 $0x7, v19;
	v20 =	vand.u32 $0xFFFFFFC0, v20  }
0x11d: {  	v19 =	vor.u32 v19, v20  }
0x11e: {  	v20 =	vperm.xlane v19, v16;
	_ =	sdelay $0x1  }
0x11f: {  	v20 =	vadd.s32 v17, v20;
	_ =	sdelay $0x4  }
0x120: {  	[tilespmem:s12], [sflag:$0x2] =	stream.indirect_vreg.gather [hbm4b:s1+s3], $0x80, v20, vm0, $0xb8;
	[tilespmem:$0x18480] =	vst v63  }
0x121: {  	s23 =	simm.s32 $0x8C80;
	v19 =	vperm.xlane v19, v18  }
0x122: {  	[tilespmem:s23], [sflag:$0x2] =	stream.indirect_vreg.gather [hbm4b:s6+s3], $0x80, v20, vm0, $0xb8;
	[tilespmem:$0x18480] =	vst v63  }
0x123: {  	s26 =	simm.s32 $0x9480;
	v19 =	vadd.s32 v17, v19  }
0x124: {  	[tilespmem:s26], [sflag:$0x2] =	stream.indirect_vreg.gather [hbm4b:s8+s3], $0x80, v20, vm0, $0xb8;
	[tilespmem:$0x18480] =	vst v63  }
0x125: {  	s25 =	simm.s32 $0x9C80  }
0x126: {  	[tilespmem:s25], [sflag:$0x2] =	stream.indirect_vreg.gather [hbm4b:s9+s3], $0x80, v20, vm0, $0xb8;
	[tilespmem:$0x18480] =	vst v63  }
0x127: {  	s15 =	simm.s32 $0xA480  }
0x128: {  	[tilespmem:s15], [sflag:$0x2] =	stream.indirect_vreg.gather [hbm4b:s1+s3], $0x80, v19, vm0, $0xb8;
	[tilespmem:$0x18480] =	vst v63  }
0x129: {  	s7 =	simm.s32 $0xAC80  }
0x12a: {  	[tilespmem:s7], [sflag:$0x2] =	stream.indirect_vreg.gather [hbm4b:s6+s3], $0x80, v19, vm0, $0xb8;
	[tilespmem:$0x18480] =	vst v63  }
0x12b: {  	s11 =	simm.s32 $0xB480  }
0x12c: {  	[tilespmem:s11], [sflag:$0x2] =	stream.indirect_vreg.gather [hbm4b:s8+s3], $0x80, v19, vm0, $0xb8;
	[tilespmem:$0x18480] =	vst v63  }
0x12d: {  	s24 =	simm.s32 $0xBC80  }
0x12e: {  	[tilespmem:s24], [sflag:$0x2] =	stream.indirect_vreg.gather [hbm4b:s9+s3], $0x80, v19, vm0, $0xb8;
	[tilespmem:$0x18480] =	vst v63  }
0x12f: {  	v19 =	vld [tilespmem:$0x110];
	_ =	sdelay $0x4  }
0x130: {  	v20 =	vshll.u32 v19, $0x3  }
0x131: {  	v19 =	vand.u32 $0x7, v19;
	v20 =	vand.u32 $0xFFFFFFC0, v20  }
0x132: {  	v19 =	vor.u32 v19, v20  }
0x133: {  	v20 =	vperm.xlane v19, v16;
	_ =	sdelay $0x1  }
0x134: {  	v20 =	vadd.s32 v17, v20;
	_ =	sdelay $0x3  }
0x135: {  	s17 =	simm.s32 $0xC480  }
0x136: {  	[tilespmem:s17], [sflag:$0x2] =	stream.indirect_vreg.gather [hbm4b:s1+s3], $0x80, v20, vm0, $0xb8;
	[tilespmem:$0x18480] =	vst v63  }
0x137: {  	s18 =	simm.s32 $0xCC80;
	v19 =	vperm.xlane v19, v18  }
0x138: {  	[tilespmem:s18], [sflag:$0x2] =	stream.indirect_vreg.gather [hbm4b:s6+s3], $0x80, v20, vm0, $0xb8;
	[tilespmem:$0x18480] =	vst v63  }
0x139: {  	v19 =	vadd.s32 v17, v19;
	s17 =	simm.s32 $0xD480  }
0x13a: {  	[tilespmem:s17], [sflag:$0x2] =	stream.indirect_vreg.gather [hbm4b:s8+s3], $0x80, v20, vm0, $0xb8;
	[tilespmem:$0x18480] =	vst v63  }
0x13b: {  	s18 =	simm.s32 $0xDC80  }
0x13c: {  	[tilespmem:s18], [sflag:$0x2] =	stream.indirect_vreg.gather [hbm4b:s9+s3], $0x80, v20, vm0, $0xb8;
	[tilespmem:$0x18480] =	vst v63  }
0x13d: {  	s20 =	simm.s32 $0xE480  }
0x13e: {  	[tilespmem:s20], [sflag:$0x2] =	stream.indirect_vreg.gather [hbm4b:s1+s3], $0x80, v19, vm0, $0xb8;
	[tilespmem:$0x18480] =	vst v63  }
0x13f: {  	s21 =	simm.s32 $0xEC80  }
0x140: {  	[tilespmem:s21], [sflag:$0x2] =	stream.indirect_vreg.gather [hbm4b:s6+s3], $0x80, v19, vm0, $0xb8;
	[tilespmem:$0x18480] =	vst v63  }
0x141: {  	s22 =	simm.s32 $0xF480  }
0x142: {  	[tilespmem:s22], [sflag:$0x2] =	stream.indirect_vreg.gather [hbm4b:s8+s3], $0x80, v19, vm0, $0xb8;
	[tilespmem:$0x18480] =	vst v63  }
0x143: {  	s14 =	simm.s32 $0xFC80  }
0x144: {  	[tilespmem:s14], [sflag:$0x2] =	stream.indirect_vreg.gather [hbm4b:s9+s3], $0x80, v19, vm0, $0xb8;
	[tilespmem:$0x18480] =	vst v63  }
0x145: {  	s14 =	simm.s32 $0x3  }
0x146: {  	_ =	swait.ge [sflag:s14], $0x8000  }
0x147: {  	[sflag:s14] =	ssyncset.done $0x0  }
0x148: {  	s12 =	simm.s32 $0x10480;
	s0 =	rddreg [dreg:$0x8];
	[sflag:s14] =	ssyncadd.s32 $0xFFFF8000  }
0x149: {  	[hbm4b:s0+s3] =	stream.linear.scatter [tilespmem:s12], [sflag:$0x6], $0x8000, $0x38;
	[tilespmem:$0x18480] =	vst v63  }
0x14a: {  	s0 =	simm.s32 $0x6  }
0x14b: {  	_ =	swait.ge [sflag:s0], $0x8000  }
0x14c: {  	[sflag:s0] =	ssyncset.done $0x0  }
0x14d: {  	[sflag:s0] =	ssyncadd.s32 $0xFFFF8000  }
0x14e: {  	v19 =	vld [tilespmem:$0x120];
	_ =	sdelay $0x4  }
0x14f: {  	v20 =	vshll.u32 v19, $0x3  }
0x150: {  	v19 =	vand.u32 $0x7, v19;
	v20 =	vand.u32 $0xFFFFFFC0, v20  }
0x151: {  	v19 =	vor.u32 v19, v20  }
0x152: {  	v20 =	vperm.xlane v19, v16;
	_ =	sdelay $0x1  }
0x153: {  	v20 =	vadd.s32 v17, v20;
	_ =	sdelay $0x4  }
0x154: {  	[tilespmem:s12], [sflag:$0x3] =	stream.indirect_vreg.gather [hbm4b:s1+s3], $0x80, v20, vm0, $0xb8;
	[tilespmem:$0x18480] =	vst v63  }
0x155: {  	s13 =	simm.s32 $0x10C80;
	v19 =	vperm.xlane v19, v18  }
0x156: {  	[tilespmem:s13], [sflag:$0x3] =	stream.indirect_vreg.gather [hbm4b:s6+s3], $0x80, v20, vm0, $0xb8;
	[tilespmem:$0x18480] =	vst v63  }
0x157: {  	v19 =	vadd.s32 v17, v19;
	s12 =	simm.s32 $0x11480  }
0x158: {  	[tilespmem:s12], [sflag:$0x3] =	stream.indirect_vreg.gather [hbm4b:s8+s3], $0x80, v20, vm0, $0xb8;
	[tilespmem:$0x18480] =	vst v63  }
0x159: {  	s13 =	simm.s32 $0x11C80  }
0x15a: {  	[tilespmem:s13], [sflag:$0x3] =	stream.indirect_vreg.gather [hbm4b:s9+s3], $0x80, v20, vm0, $0xb8;
	[tilespmem:$0x18480] =	vst v63  }
0x15b: {  	s10 =	simm.s32 $0x12480  }
0x15c: {  	[tilespmem:s10], [sflag:$0x3] =	stream.indirect_vreg.gather [hbm4b:s1+s3], $0x80, v19, vm0, $0xb8;
	[tilespmem:$0x18480] =	vst v63  }
0x15d: {  	s10 =	simm.s32 $0x12C80  }
0x15e: {  	[tilespmem:s10], [sflag:$0x3] =	stream.indirect_vreg.gather [hbm4b:s6+s3], $0x80, v19, vm0, $0xb8;
	[tilespmem:$0x18480] =	vst v63  }
0x15f: {  	s10 =	simm.s32 $0x13480  }
0x160: {  	[tilespmem:s10], [sflag:$0x3] =	stream.indirect_vreg.gather [hbm4b:s8+s3], $0x80, v19, vm0, $0xb8;
	[tilespmem:$0x18480] =	vst v63  }
0x161: {  	s28 =	simm.s32 $0x13C80  }
0x162: {  	[tilespmem:s28], [sflag:$0x3] =	stream.indirect_vreg.gather [hbm4b:s9+s3], $0x80, v19, vm0, $0xb8;
	[tilespmem:$0x18480] =	vst v63  }
0x163: {  	v19 =	vld [tilespmem:$0x130];
	_ =	sdelay $0x4  }
0x164: {  	v20 =	vshll.u32 v19, $0x3  }
0x165: {  	v19 =	vand.u32 $0x7, v19;
	v20 =	vand.u32 $0xFFFFFFC0, v20  }
0x166: {  	v19 =	vor.u32 v19, v20  }
0x167: {  	v20 =	vperm.xlane v19, v16;
	_ =	sdelay $0x1  }
0x168: {  	v20 =	vadd.s32 v17, v20;
	_ =	sdelay $0x3  }
0x169: {  	s28 =	simm.s32 $0x14480  }
0x16a: {  	[tilespmem:s28], [sflag:$0x3] =	stream.indirect_vreg.gather [hbm4b:s1+s3], $0x80, v20, vm0, $0xb8;
	[tilespmem:$0x18480] =	vst v63  }
0x16b: {  	v19 =	vperm.xlane v19, v18;
	s28 =	simm.s32 $0x14C80  }
0x16c: {  	[tilespmem:s28], [sflag:$0x3] =	stream.indirect_vreg.gather [hbm4b:s6+s3], $0x80, v20, vm0, $0xb8;
	[tilespmem:$0x18480] =	vst v63  }
0x16d: {  	v19 =	vadd.s32 v17, v19;
	s28 =	simm.s32 $0x15480  }
0x16e: {  	[tilespmem:s28], [sflag:$0x3] =	stream.indirect_vreg.gather [hbm4b:s8+s3], $0x80, v20, vm0, $0xb8;
	[tilespmem:$0x18480] =	vst v63  }
0x16f: {  	s28 =	simm.s32 $0x15C80  }
0x170: {  	[tilespmem:s28], [sflag:$0x3] =	stream.indirect_vreg.gather [hbm4b:s9+s3], $0x80, v20, vm0, $0xb8;
	[tilespmem:$0x18480] =	vst v63  }
0x171: {  	s28 =	simm.s32 $0x16480  }
0x172: {  	[tilespmem:s28], [sflag:$0x3] =	stream.indirect_vreg.gather [hbm4b:s1+s3], $0x80, v19, vm0, $0xb8;
	[tilespmem:$0x18480] =	vst v63  }
0x173: {  	s28 =	simm.s32 $0x16C80  }
0x174: {  	[tilespmem:s28], [sflag:$0x3] =	stream.indirect_vreg.gather [hbm4b:s6+s3], $0x80, v19, vm0, $0xb8;
	[tilespmem:$0x18480] =	vst v63  }
0x175: {  	s28 =	simm.s32 $0x17480  }
0x176: {  	[tilespmem:s28], [sflag:$0x3] =	stream.indirect_vreg.gather [hbm4b:s8+s3], $0x80, v19, vm0, $0xb8;
	[tilespmem:$0x18480] =	vst v63  }
0x177: {  	s28 =	simm.s32 $0x17C80  }
0x178: {  	[tilespmem:s28], [sflag:$0x3] =	stream.indirect_vreg.gather [hbm4b:s9+s3], $0x80, v19, vm0, $0xb8;
	[tilespmem:$0x18480] =	vst v63  }
0x179: {  	_ =	swait.ge [sflag:s16], $0x8000  }
0x17a: {  	[sflag:s16] =	ssyncset.done $0x0  }
0x17b: {  	s28 =	simm.s32 $0x480;
	s10 =	rddreg [dreg:$0x9];
	[sflag:s16] =	ssyncadd.s32 $0xFFFF8000  }
0x17c: {  	[hbm4b:s10+s3] =	stream.linear.scatter [tilespmem:s28], [sflag:$0x4], $0x8000, $0x38;
	[tilespmem:$0x18480] =	vst v63  }
0x17d: {  	_ =	swait.ge [sflag:s29], $0x8000  }
0x17e: {  	[sflag:s29] =	ssyncset.done $0x0  }
0x17f: {  	[sflag:s29] =	ssyncadd.s32 $0xFFFF8000  }
0x180: {  	v19 =	vld [tilespmem:$0x140];
	_ =	sdelay $0x4  }
0x181: {  	v20 =	vshll.u32 v19, $0x3  }
0x182: {  	v19 =	vand.u32 $0x7, v19;
	v20 =	vand.u32 $0xFFFFFFC0, v20  }
0x183: {  	v19 =	vor.u32 v19, v20  }
0x184: {  	v20 =	vperm.xlane v19, v16;
	_ =	sdelay $0x1  }
0x185: {  	v20 =	vadd.s32 v17, v20;
	_ =	sdelay $0x4  }
0x186: {  	[tilespmem:s28], [sflag:$0x1] =	stream.indirect_vreg.gather [hbm4b:s1+s3], $0x80, v20, vm0, $0xb8;
	[tilespmem:$0x18480] =	vst v63  }
0x187: {  	v19 =	vperm.xlane v19, v18  }
0x188: {  	[tilespmem:s4], [sflag:$0x1] =	stream.indirect_vreg.gather [hbm4b:s6+s3], $0x80, v20, vm0, $0xb8;
	[tilespmem:$0x18480] =	vst v63  }
0x189: {  	v19 =	vadd.s32 v17, v19;
	s28 =	simm.s32 $0x1480  }
0x18a: {  	[tilespmem:s28], [sflag:$0x1] =	stream.indirect_vreg.gather [hbm4b:s8+s3], $0x80, v20, vm0, $0xb8;
	[tilespmem:$0x18480] =	vst v63  }
0x18b: {  	s10 =	simm.s32 $0x1C80  }
0x18c: {  	[tilespmem:s10], [sflag:$0x1] =	stream.indirect_vreg.gather [hbm4b:s9+s3], $0x80, v20, vm0, $0xb8;
	[tilespmem:$0x18480] =	vst v63  }
0x18d: {  	s10 =	simm.s32 $0x2480  }
0x18e: {  	[tilespmem:s10], [sflag:$0x1] =	stream.indirect_vreg.gather [hbm4b:s1+s3], $0x80, v19, vm0, $0xb8;
	[tilespmem:$0x18480] =	vst v63  }
0x18f: {  	s10 =	simm.s32 $0x2C80  }
0x190: {  	[tilespmem:s10], [sflag:$0x1] =	stream.indirect_vreg.gather [hbm4b:s6+s3], $0x80, v19, vm0, $0xb8;
	[tilespmem:$0x18480] =	vst v63  }
0x191: {  	s10 =	simm.s32 $0x3480  }
0x192: {  	[tilespmem:s10], [sflag:$0x1] =	stream.indirect_vreg.gather [hbm4b:s8+s3], $0x80, v19, vm0, $0xb8;
	[tilespmem:$0x18480] =	vst v63  }
0x193: {  	_ = 	snop  }
0x194: {  	[tilespmem:s19], [sflag:$0x1] =	stream.indirect_vreg.gather [hbm4b:s9+s3], $0x80, v19, vm0, $0xb8;
	[tilespmem:$0x18480] =	vst v63  }
0x195: {  	v19 =	vld [tilespmem:$0x150];
	_ =	sdelay $0x4  }
0x196: {  	v20 =	vshll.u32 v19, $0x3  }
0x197: {  	v19 =	vand.u32 $0x7, v19;
	v20 =	vand.u32 $0xFFFFFFC0, v20  }
0x198: {  	v19 =	vor.u32 v19, v20  }
0x199: {  	v20 =	vperm.xlane v19, v16;
	_ =	sdelay $0x1  }
0x19a: {  	v20 =	vadd.s32 v17, v20;
	_ =	sdelay $0x4  }
0x19b: {  	[tilespmem:s5], [sflag:$0x1] =	stream.indirect_vreg.gather [hbm4b:s1+s3], $0x80, v20, vm0, $0xb8;
	[tilespmem:$0x18480] =	vst v63  }
0x19c: {  	v19 =	vperm.xlane v19, v18  }
0x19d: {  	[tilespmem:s2], [sflag:$0x1] =	stream.indirect_vreg.gather [hbm4b:s6+s3], $0x80, v20, vm0, $0xb8;
	[tilespmem:$0x18480] =	vst v63  }
0x19e: {  	s19 =	simm.s32 $0x5480;
	v19 =	vadd.s32 v17, v19  }
0x19f: {  	[tilespmem:s19], [sflag:$0x1] =	stream.indirect_vreg.gather [hbm4b:s8+s3], $0x80, v20, vm0, $0xb8;
	[tilespmem:$0x18480] =	vst v63  }
0x1a0: {  	s5 =	simm.s32 $0x5C80  }
0x1a1: {  	[tilespmem:s5], [sflag:$0x1] =	stream.indirect_vreg.gather [hbm4b:s9+s3], $0x80, v20, vm0, $0xb8;
	[tilespmem:$0x18480] =	vst v63  }
0x1a2: {  	s10 =	simm.s32 $0x6480  }
0x1a3: {  	[tilespmem:s10], [sflag:$0x1] =	stream.indirect_vreg.gather [hbm4b:s1+s3], $0x80, v19, vm0, $0xb8;
	[tilespmem:$0x18480] =	vst v63  }
0x1a4: {  	s4 =	simm.s32 $0x6C80  }
0x1a5: {  	[tilespmem:s4], [sflag:$0x1] =	stream.indirect_vreg.gather [hbm4b:s6+s3], $0x80, v19, vm0, $0xb8;
	[tilespmem:$0x18480] =	vst v63  }
0x1a6: {  	s5 =	simm.s32 $0x7480  }
0x1a7: {  	[tilespmem:s5], [sflag:$0x1] =	stream.indirect_vreg.gather [hbm4b:s8+s3], $0x80, v19, vm0, $0xb8;
	[tilespmem:$0x18480] =	vst v63  }
0x1a8: {  	s10 =	simm.s32 $0x7C80  }
0x1a9: {  	[tilespmem:s10], [sflag:$0x1] =	stream.indirect_vreg.gather [hbm4b:s9+s3], $0x80, v19, vm0, $0xb8;
	[tilespmem:$0x18480] =	vst v63  }
0x1aa: {  	_ =	swait.ge [sflag:s30], $0x8000  }
0x1ab: {  	[sflag:s30] =	ssyncset.done $0x0  }
0x1ac: {  	s5 =	simm.s32 $0x8480;
	s4 =	rddreg [dreg:$0xa];
	[sflag:s30] =	ssyncadd.s32 $0xFFFF8000  }
0x1ad: {  	[hbm4b:s4+s3] =	stream.linear.scatter [tilespmem:s5], [sflag:$0x5], $0x8000, $0x38;
	[tilespmem:$0x18480] =	vst v63  }
0x1ae: {  	_ =	swait.ge [sflag:s31], $0x8000  }
0x1af: {  	[sflag:s31] =	ssyncset.done $0x0  }
0x1b0: {  	[sflag:s31] =	ssyncadd.s32 $0xFFFF8000  }
0x1b1: {  	v19 =	vld [tilespmem:$0x160];
	_ =	sdelay $0x4  }
0x1b2: {  	v20 =	vshll.u32 v19, $0x3  }
0x1b3: {  	v19 =	vand.u32 $0x7, v19;
	v20 =	vand.u32 $0xFFFFFFC0, v20  }
0x1b4: {  	v19 =	vor.u32 v19, v20  }
0x1b5: {  	v20 =	vperm.xlane v19, v16;
	_ =	sdelay $0x1  }
0x1b6: {  	v20 =	vadd.s32 v17, v20;
	_ =	sdelay $0x4  }
0x1b7: {  	[tilespmem:s5], [sflag:$0x2] =	stream.indirect_vreg.gather [hbm4b:s1+s3], $0x80, v20, vm0, $0xb8;
	[tilespmem:$0x18480] =	vst v63  }
0x1b8: {  	v19 =	vperm.xlane v19, v18  }
0x1b9: {  	[tilespmem:s23], [sflag:$0x2] =	stream.indirect_vreg.gather [hbm4b:s6+s3], $0x80, v20, vm0, $0xb8;
	[tilespmem:$0x18480] =	vst v63  }
0x1ba: {  	v19 =	vadd.s32 v17, v19  }
0x1bb: {  	[tilespmem:s26], [sflag:$0x2] =	stream.indirect_vreg.gather [hbm4b:s8+s3], $0x80, v20, vm0, $0xb8;
	[tilespmem:$0x18480] =	vst v63  }
0x1bc: {  	_ = 	snop  }
0x1bd: {  	[tilespmem:s25], [sflag:$0x2] =	stream.indirect_vreg.gather [hbm4b:s9+s3], $0x80, v20, vm0, $0xb8;
	[tilespmem:$0x18480] =	vst v63  }
0x1be: {  	_ = 	snop  }
0x1bf: {  	[tilespmem:s15], [sflag:$0x2] =	stream.indirect_vreg.gather [hbm4b:s1+s3], $0x80, v19, vm0, $0xb8;
	[tilespmem:$0x18480] =	vst v63  }
0x1c0: {  	_ = 	snop  }
0x1c1: {  	[tilespmem:s7], [sflag:$0x2] =	stream.indirect_vreg.gather [hbm4b:s6+s3], $0x80, v19, vm0, $0xb8;
	[tilespmem:$0x18480] =	vst v63  }
0x1c2: {  	_ = 	snop  }
0x1c3: {  	[tilespmem:s11], [sflag:$0x2] =	stream.indirect_vreg.gather [hbm4b:s8+s3], $0x80, v19, vm0, $0xb8;
	[tilespmem:$0x18480] =	vst v63  }
0x1c4: {  	_ = 	snop  }
0x1c5: {  	[tilespmem:s24], [sflag:$0x2] =	stream.indirect_vreg.gather [hbm4b:s9+s3], $0x80, v19, vm0, $0xb8;
	[tilespmem:$0x18480] =	vst v63  }
0x1c6: {  	v19 =	vld [tilespmem:$0x170];
	_ =	sdelay $0x4  }
0x1c7: {  	v20 =	vshll.u32 v19, $0x3  }
0x1c8: {  	v19 =	vand.u32 $0x7, v19;
	v20 =	vand.u32 $0xFFFFFFC0, v20  }
0x1c9: {  	v19 =	vor.u32 v19, v20  }
0x1ca: {  	v20 =	vperm.xlane v19, v16;
	_ =	sdelay $0x1  }
0x1cb: {  	v20 =	vadd.s32 v17, v20;
	_ =	sdelay $0x3  }
0x1cc: {  	s15 =	simm.s32 $0xC480  }
0x1cd: {  	[tilespmem:s15], [sflag:$0x2] =	stream.indirect_vreg.gather [hbm4b:s1+s3], $0x80, v20, vm0, $0xb8;
	[tilespmem:$0x18480] =	vst v63  }
0x1ce: {  	s11 =	simm.s32 $0xCC80;
	v19 =	vperm.xlane v19, v18  }
0x1cf: {  	[tilespmem:s11], [sflag:$0x2] =	stream.indirect_vreg.gather [hbm4b:s6+s3], $0x80, v20, vm0, $0xb8;
	[tilespmem:$0x18480] =	vst v63  }
0x1d0: {  	v19 =	vadd.s32 v17, v19  }
0x1d1: {  	[tilespmem:s17], [sflag:$0x2] =	stream.indirect_vreg.gather [hbm4b:s8+s3], $0x80, v20, vm0, $0xb8;
	[tilespmem:$0x18480] =	vst v63  }
0x1d2: {  	_ = 	snop  }
0x1d3: {  	[tilespmem:s18], [sflag:$0x2] =	stream.indirect_vreg.gather [hbm4b:s9+s3], $0x80, v20, vm0, $0xb8;
	[tilespmem:$0x18480] =	vst v63  }
0x1d4: {  	_ = 	snop  }
0x1d5: {  	[tilespmem:s20], [sflag:$0x2] =	stream.indirect_vreg.gather [hbm4b:s1+s3], $0x80, v19, vm0, $0xb8;
	[tilespmem:$0x18480] =	vst v63  }
0x1d6: {  	_ = 	snop  }
0x1d7: {  	[tilespmem:s21], [sflag:$0x2] =	stream.indirect_vreg.gather [hbm4b:s6+s3], $0x80, v19, vm0, $0xb8;
	[tilespmem:$0x18480] =	vst v63  }
0x1d8: {  	_ = 	snop  }
0x1d9: {  	[tilespmem:s22], [sflag:$0x2] =	stream.indirect_vreg.gather [hbm4b:s8+s3], $0x80, v19, vm0, $0xb8;
	[tilespmem:$0x18480] =	vst v63  }
0x1da: {  	s2 =	simm.s32 $0xFC80  }
0x1db: {  	[tilespmem:s2], [sflag:$0x2] =	stream.indirect_vreg.gather [hbm4b:s9+s3], $0x80, v19, vm0, $0xb8;
	[tilespmem:$0x18480] =	vst v63  }
0x1dc: {  	_ =	swait.ge [sflag:s14], $0x8000  }
0x1dd: {  	[sflag:s14] =	ssyncset.done $0x0  }
0x1de: {  	s23 =	simm.s32 $0x10480;
	s22 =	rddreg [dreg:$0xb];
	[sflag:s14] =	ssyncadd.s32 $0xFFFF8000  }
0x1df: {  	[hbm4b:s22+s3] =	stream.linear.scatter [tilespmem:s23], [sflag:$0x6], $0x8000, $0x38;
	[tilespmem:$0x18480] =	vst v63  }
0x1e0: {  	_ =	swait.ge [sflag:s0], $0x8000  }
0x1e1: {  	[sflag:s0] =	ssyncset.done $0x0  }
0x1e2: {  	[sflag:s0] =	ssyncadd.s32 $0xFFFF8000  }
0x1e3: {  	v19 =	vld [tilespmem:$0x180];
	_ =	sdelay $0x4  }
0x1e4: {  	v20 =	vshll.u32 v19, $0x3  }
0x1e5: {  	v19 =	vand.u32 $0x7, v19;
	v20 =	vand.u32 $0xFFFFFFC0, v20  }
0x1e6: {  	v19 =	vor.u32 v19, v20  }
0x1e7: {  	v20 =	vperm.xlane v19, v16;
	_ =	sdelay $0x1  }
0x1e8: {  	v20 =	vadd.s32 v17, v20;
	_ =	sdelay $0x4  }
0x1e9: {  	[tilespmem:s23], [sflag:$0x3] =	stream.indirect_vreg.gather [hbm4b:s1+s3], $0x80, v20, vm0, $0xb8;
	[tilespmem:$0x18480] =	vst v63  }
0x1ea: {  	s24 =	simm.s32 $0x10C80;
	v19 =	vperm.xlane v19, v18  }
0x1eb: {  	[tilespmem:s24], [sflag:$0x3] =	stream.indirect_vreg.gather [hbm4b:s6+s3], $0x80, v20, vm0, $0xb8;
	[tilespmem:$0x18480] =	vst v63  }
0x1ec: {  	v19 =	vadd.s32 v17, v19  }
0x1ed: {  	[tilespmem:s12], [sflag:$0x3] =	stream.indirect_vreg.gather [hbm4b:s8+s3], $0x80, v20, vm0, $0xb8;
	[tilespmem:$0x18480] =	vst v63  }
0x1ee: {  	_ = 	snop  }
0x1ef: {  	[tilespmem:s13], [sflag:$0x3] =	stream.indirect_vreg.gather [hbm4b:s9+s3], $0x80, v20, vm0, $0xb8;
	[tilespmem:$0x18480] =	vst v63  }
0x1f0: {  	s12 =	simm.s32 $0x12480  }
0x1f1: {  	[tilespmem:s12], [sflag:$0x3] =	stream.indirect_vreg.gather [hbm4b:s1+s3], $0x80, v19, vm0, $0xb8;
	[tilespmem:$0x18480] =	vst v63  }
0x1f2: {  	s13 =	simm.s32 $0x12C80  }
0x1f3: {  	[tilespmem:s13], [sflag:$0x3] =	stream.indirect_vreg.gather [hbm4b:s6+s3], $0x80, v19, vm0, $0xb8;
	[tilespmem:$0x18480] =	vst v63  }
0x1f4: {  	s22 =	simm.s32 $0x13480  }
0x1f5: {  	[tilespmem:s22], [sflag:$0x3] =	stream.indirect_vreg.gather [hbm4b:s8+s3], $0x80, v19, vm0, $0xb8;
	[tilespmem:$0x18480] =	vst v63  }
0x1f6: {  	s18 =	simm.s32 $0x13C80  }
0x1f7: {  	[tilespmem:s18], [sflag:$0x3] =	stream.indirect_vreg.gather [hbm4b:s9+s3], $0x80, v19, vm0, $0xb8;
	[tilespmem:$0x18480] =	vst v63  }
0x1f8: {  	v19 =	vld [tilespmem:$0x190];
	_ =	sdelay $0x4  }
0x1f9: {  	v20 =	vshll.u32 v19, $0x3  }
0x1fa: {  	v19 =	vand.u32 $0x7, v19;
	v20 =	vand.u32 $0xFFFFFFC0, v20  }
0x1fb: {  	v19 =	vor.u32 v19, v20  }
0x1fc: {  	v20 =	vperm.xlane v19, v16;
	_ =	sdelay $0x1  }
0x1fd: {  	v20 =	vadd.s32 v17, v20;
	_ =	sdelay $0x3  }
0x1fe: {  	s20 =	simm.s32 $0x14480  }
0x1ff: {  	[tilespmem:s20], [sflag:$0x3] =	stream.indirect_vreg.gather [hbm4b:s1+s3], $0x80, v20, vm0, $0xb8;
	[tilespmem:$0x18480] =	vst v63  }
0x200: {  	s21 =	simm.s32 $0x14C80;
	v19 =	vperm.xlane v19, v18  }
0x201: {  	[tilespmem:s21], [sflag:$0x3] =	stream.indirect_vreg.gather [hbm4b:s6+s3], $0x80, v20, vm0, $0xb8;
	[tilespmem:$0x18480] =	vst v63  }
0x202: {  	s24 =	simm.s32 $0x15480;
	v19 =	vadd.s32 v17, v19  }
0x203: {  	[tilespmem:s24], [sflag:$0x3] =	stream.indirect_vreg.gather [hbm4b:s8+s3], $0x80, v20, vm0, $0xb8;
	[tilespmem:$0x18480] =	vst v63  }
0x204: {  	s17 =	simm.s32 $0x15C80  }
0x205: {  	[tilespmem:s17], [sflag:$0x3] =	stream.indirect_vreg.gather [hbm4b:s9+s3], $0x80, v20, vm0, $0xb8;
	[tilespmem:$0x18480] =	vst v63  }
0x206: {  	s25 =	simm.s32 $0x16480  }
0x207: {  	[tilespmem:s25], [sflag:$0x3] =	stream.indirect_vreg.gather [hbm4b:s1+s3], $0x80, v19, vm0, $0xb8;
	[tilespmem:$0x18480] =	vst v63  }
0x208: {  	s7 =	simm.s32 $0x16C80  }
0x209: {  	[tilespmem:s7], [sflag:$0x3] =	stream.indirect_vreg.gather [hbm4b:s6+s3], $0x80, v19, vm0, $0xb8;
	[tilespmem:$0x18480] =	vst v63  }
0x20a: {  	s5 =	simm.s32 $0x17480  }
0x20b: {  	[tilespmem:s5], [sflag:$0x3] =	stream.indirect_vreg.gather [hbm4b:s8+s3], $0x80, v19, vm0, $0xb8;
	[tilespmem:$0x18480] =	vst v63  }
0x20c: {  	s23 =	simm.s32 $0x17C80  }
0x20d: {  	[tilespmem:s23], [sflag:$0x3] =	stream.indirect_vreg.gather [hbm4b:s9+s3], $0x80, v19, vm0, $0xb8;
	[tilespmem:$0x18480] =	vst v63  }
0x20e: {  	_ =	swait.ge [sflag:s16], $0x8000  }
0x20f: {  	[sflag:s16] =	ssyncset.done $0x0  }
0x210: {  	s4 =	simm.s32 $0x480;
	s26 =	rddreg [dreg:$0xc];
	[sflag:s16] =	ssyncadd.s32 $0xFFFF8000  }
0x211: {  	[hbm4b:s26+s3] =	stream.linear.scatter [tilespmem:s4], [sflag:$0x4], $0x8000, $0x38;
	[tilespmem:$0x18480] =	vst v63  }
0x212: {  	_ =	swait.ge [sflag:s29], $0x8000  }
0x213: {  	[sflag:s29] =	ssyncset.done $0x0  }
0x214: {  	[sflag:s29] =	ssyncadd.s32 $0xFFFF8000  }
0x215: {  	v19 =	vld [tilespmem:$0x1A0];
	_ =	sdelay $0x4  }
0x216: {  	v20 =	vshll.u32 v19, $0x3  }
0x217: {  	v19 =	vand.u32 $0x7, v19;
	v20 =	vand.u32 $0xFFFFFFC0, v20  }
0x218: {  	v19 =	vor.u32 v19, v20  }
0x219: {  	v20 =	vperm.xlane v19, v16;
	_ =	sdelay $0x1  }
0x21a: {  	v20 =	vadd.s32 v17, v20;
	_ =	sdelay $0x4  }
0x21b: {  	[tilespmem:s4], [sflag:$0x1] =	stream.indirect_vreg.gather [hbm4b:s1+s3], $0x80, v20, vm0, $0xb8;
	[tilespmem:$0x18480] =	vst v63  }
0x21c: {  	s25 =	simm.s32 $0xC80;
	v19 =	vperm.xlane v19, v18  }
0x21d: {  	[tilespmem:s25], [sflag:$0x1] =	stream.indirect_vreg.gather [hbm4b:s6+s3], $0x80, v20, vm0, $0xb8;
	[tilespmem:$0x18480] =	vst v63  }
0x21e: {  	v19 =	vadd.s32 v17, v19  }
0x21f: {  	[tilespmem:s28], [sflag:$0x1] =	stream.indirect_vreg.gather [hbm4b:s8+s3], $0x80, v20, vm0, $0xb8;
	[tilespmem:$0x18480] =	vst v63  }
0x220: {  	s26 =	simm.s32 $0x1C80  }
0x221: {  	[tilespmem:s26], [sflag:$0x1] =	stream.indirect_vreg.gather [hbm4b:s9+s3], $0x80, v20, vm0, $0xb8;
	[tilespmem:$0x18480] =	vst v63  }
0x222: {  	s28 =	simm.s32 $0x2480  }
0x223: {  	[tilespmem:s28], [sflag:$0x1] =	stream.indirect_vreg.gather [hbm4b:s1+s3], $0x80, v19, vm0, $0xb8;
	[tilespmem:$0x18480] =	vst v63  }
0x224: {  	s10 =	simm.s32 $0x2C80  }
0x225: {  	[tilespmem:s10], [sflag:$0x1] =	stream.indirect_vreg.gather [hbm4b:s6+s3], $0x80, v19, vm0, $0xb8;
	[tilespmem:$0x18480] =	vst v63  }
0x226: {  	s25 =	simm.s32 $0x3480  }
0x227: {  	[tilespmem:s25], [sflag:$0x1] =	stream.indirect_vreg.gather [hbm4b:s8+s3], $0x80, v19, vm0, $0xb8;
	[tilespmem:$0x18480] =	vst v63  }
0x228: {  	s4 =	simm.s32 $0x3C80  }
0x229: {  	[tilespmem:s4], [sflag:$0x1] =	stream.indirect_vreg.gather [hbm4b:s9+s3], $0x80, v19, vm0, $0xb8;
	[tilespmem:$0x18480] =	vst v63  }
0x22a: {  	v19 =	vld [tilespmem:$0x1B0];
	_ =	sdelay $0x4  }
0x22b: {  	v20 =	vshll.u32 v19, $0x3  }
0x22c: {  	v19 =	vand.u32 $0x7, v19;
	v20 =	vand.u32 $0xFFFFFFC0, v20  }
0x22d: {  	v19 =	vor.u32 v19, v20  }
0x22e: {  	v20 =	vperm.xlane v19, v16;
	_ =	sdelay $0x1  }
0x22f: {  	v20 =	vadd.s32 v17, v20;
	_ =	sdelay $0x3  }
0x230: {  	s26 =	simm.s32 $0x4480  }
0x231: {  	[tilespmem:s26], [sflag:$0x1] =	stream.indirect_vreg.gather [hbm4b:s1+s3], $0x80, v20, vm0, $0xb8;
	[tilespmem:$0x18480] =	vst v63  }
0x232: {  	s28 =	simm.s32 $0x4C80;
	v19 =	vperm.xlane v19, v18  }
0x233: {  	[tilespmem:s28], [sflag:$0x1] =	stream.indirect_vreg.gather [hbm4b:s6+s3], $0x80, v20, vm0, $0xb8;
	[tilespmem:$0x18480] =	vst v63  }
0x234: {  	v19 =	vadd.s32 v17, v19  }
0x235: {  	[tilespmem:s19], [sflag:$0x1] =	stream.indirect_vreg.gather [hbm4b:s8+s3], $0x80, v20, vm0, $0xb8;
	[tilespmem:$0x18480] =	vst v63  }
0x236: {  	s19 =	simm.s32 $0x5C80  }
0x237: {  	[tilespmem:s19], [sflag:$0x1] =	stream.indirect_vreg.gather [hbm4b:s9+s3], $0x80, v20, vm0, $0xb8;
	[tilespmem:$0x18480] =	vst v63  }
0x238: {  	s25 =	simm.s32 $0x6480  }
0x239: {  	[tilespmem:s25], [sflag:$0x1] =	stream.indirect_vreg.gather [hbm4b:s1+s3], $0x80, v19, vm0, $0xb8;
	[tilespmem:$0x18480] =	vst v63  }
0x23a: {  	s26 =	simm.s32 $0x6C80  }
0x23b: {  	[tilespmem:s26], [sflag:$0x1] =	stream.indirect_vreg.gather [hbm4b:s6+s3], $0x80, v19, vm0, $0xb8;
	[tilespmem:$0x18480] =	vst v63  }
0x23c: {  	s28 =	simm.s32 $0x7480  }
0x23d: {  	[tilespmem:s28], [sflag:$0x1] =	stream.indirect_vreg.gather [hbm4b:s8+s3], $0x80, v19, vm0, $0xb8;
	[tilespmem:$0x18480] =	vst v63  }
0x23e: {  	s19 =	simm.s32 $0x7C80  }
0x23f: {  	[tilespmem:s19], [sflag:$0x1] =	stream.indirect_vreg.gather [hbm4b:s9+s3], $0x80, v19, vm0, $0xb8;
	[tilespmem:$0x18480] =	vst v63  }
0x240: {  	_ =	swait.ge [sflag:s30], $0x8000  }
0x241: {  	[sflag:s30] =	ssyncset.done $0x0  }
0x242: {  	s26 =	simm.s32 $0x8480;
	s25 =	rddreg [dreg:$0xd];
	[sflag:s30] =	ssyncadd.s32 $0xFFFF8000  }
0x243: {  	[hbm4b:s25+s3] =	stream.linear.scatter [tilespmem:s26], [sflag:$0x5], $0x8000, $0x38;
	[tilespmem:$0x18480] =	vst v63  }
0x244: {  	_ =	swait.ge [sflag:s31], $0x8000  }
0x245: {  	[sflag:s31] =	ssyncset.done $0x0  }
0x246: {  	[sflag:s31] =	ssyncadd.s32 $0xFFFF8000  }
0x247: {  	v19 =	vld [tilespmem:$0x1C0];
	_ =	sdelay $0x4  }
0x248: {  	v20 =	vshll.u32 v19, $0x3  }
0x249: {  	v19 =	vand.u32 $0x7, v19;
	v20 =	vand.u32 $0xFFFFFFC0, v20  }
0x24a: {  	v19 =	vor.u32 v19, v20  }
0x24b: {  	v20 =	vperm.xlane v19, v16;
	_ =	sdelay $0x1  }
0x24c: {  	v20 =	vadd.s32 v17, v20;
	_ =	sdelay $0x4  }
0x24d: {  	[tilespmem:s26], [sflag:$0x2] =	stream.indirect_vreg.gather [hbm4b:s1+s3], $0x80, v20, vm0, $0xb8;
	[tilespmem:$0x18480] =	vst v63  }
0x24e: {  	s28 =	simm.s32 $0x8C80;
	v19 =	vperm.xlane v19, v18  }
0x24f: {  	[tilespmem:s28], [sflag:$0x2] =	stream.indirect_vreg.gather [hbm4b:s6+s3], $0x80, v20, vm0, $0xb8;
	[tilespmem:$0x18480] =	vst v63  }
0x250: {  	s19 =	simm.s32 $0x9480;
	v19 =	vadd.s32 v17, v19  }
0x251: {  	[tilespmem:s19], [sflag:$0x2] =	stream.indirect_vreg.gather [hbm4b:s8+s3], $0x80, v20, vm0, $0xb8;
	[tilespmem:$0x18480] =	vst v63  }
0x252: {  	s25 =	simm.s32 $0x9C80  }
0x253: {  	[tilespmem:s25], [sflag:$0x2] =	stream.indirect_vreg.gather [hbm4b:s9+s3], $0x80, v20, vm0, $0xb8;
	[tilespmem:$0x18480] =	vst v63  }
0x254: {  	s26 =	simm.s32 $0xA480  }
0x255: {  	[tilespmem:s26], [sflag:$0x2] =	stream.indirect_vreg.gather [hbm4b:s1+s3], $0x80, v19, vm0, $0xb8;
	[tilespmem:$0x18480] =	vst v63  }
0x256: {  	s28 =	simm.s32 $0xAC80  }
0x257: {  	[tilespmem:s28], [sflag:$0x2] =	stream.indirect_vreg.gather [hbm4b:s6+s3], $0x80, v19, vm0, $0xb8;
	[tilespmem:$0x18480] =	vst v63  }
0x258: {  	s10 =	simm.s32 $0xB480  }
0x259: {  	[tilespmem:s10], [sflag:$0x2] =	stream.indirect_vreg.gather [hbm4b:s8+s3], $0x80, v19, vm0, $0xb8;
	[tilespmem:$0x18480] =	vst v63  }
0x25a: {  	s10 =	simm.s32 $0xBC80  }
0x25b: {  	[tilespmem:s10], [sflag:$0x2] =	stream.indirect_vreg.gather [hbm4b:s9+s3], $0x80, v19, vm0, $0xb8;
	[tilespmem:$0x18480] =	vst v63  }
0x25c: {  	v19 =	vld [tilespmem:$0x1D0];
	_ =	sdelay $0x4  }
0x25d: {  	v20 =	vshll.u32 v19, $0x3  }
0x25e: {  	v19 =	vand.u32 $0x7, v19;
	v20 =	vand.u32 $0xFFFFFFC0, v20  }
0x25f: {  	v19 =	vor.u32 v19, v20  }
0x260: {  	v20 =	vperm.xlane v19, v16;
	_ =	sdelay $0x1  }
0x261: {  	v20 =	vadd.s32 v17, v20;
	_ =	sdelay $0x4  }
0x262: {  	[tilespmem:s15], [sflag:$0x2] =	stream.indirect_vreg.gather [hbm4b:s1+s3], $0x80, v20, vm0, $0xb8;
	[tilespmem:$0x18480] =	vst v63  }
0x263: {  	v19 =	vperm.xlane v19, v18  }
0x264: {  	[tilespmem:s11], [sflag:$0x2] =	stream.indirect_vreg.gather [hbm4b:s6+s3], $0x80, v20, vm0, $0xb8;
	[tilespmem:$0x18480] =	vst v63  }
0x265: {  	v19 =	vadd.s32 v17, v19;
	s15 =	simm.s32 $0xD480  }
0x266: {  	[tilespmem:s15], [sflag:$0x2] =	stream.indirect_vreg.gather [hbm4b:s8+s3], $0x80, v20, vm0, $0xb8;
	[tilespmem:$0x18480] =	vst v63  }
0x267: {  	s11 =	simm.s32 $0xDC80  }
0x268: {  	[tilespmem:s11], [sflag:$0x2] =	stream.indirect_vreg.gather [hbm4b:s9+s3], $0x80, v20, vm0, $0xb8;
	[tilespmem:$0x18480] =	vst v63  }
0x269: {  	s10 =	simm.s32 $0xE480  }
0x26a: {  	[tilespmem:s10], [sflag:$0x2] =	stream.indirect_vreg.gather [hbm4b:s1+s3], $0x80, v19, vm0, $0xb8;
	[tilespmem:$0x18480] =	vst v63  }
0x26b: {  	s10 =	simm.s32 $0xEC80  }
0x26c: {  	[tilespmem:s10], [sflag:$0x2] =	stream.indirect_vreg.gather [hbm4b:s6+s3], $0x80, v19, vm0, $0xb8;
	[tilespmem:$0x18480] =	vst v63  }
0x26d: {  	s10 =	simm.s32 $0xF480  }
0x26e: {  	[tilespmem:s10], [sflag:$0x2] =	stream.indirect_vreg.gather [hbm4b:s8+s3], $0x80, v19, vm0, $0xb8;
	[tilespmem:$0x18480] =	vst v63  }
0x26f: {  	_ = 	snop  }
0x270: {  	[tilespmem:s2], [sflag:$0x2] =	stream.indirect_vreg.gather [hbm4b:s9+s3], $0x80, v19, vm0, $0xb8;
	[tilespmem:$0x18480] =	vst v63  }
0x271: {  	_ =	swait.ge [sflag:s14], $0x8000  }
0x272: {  	[sflag:s14] =	ssyncset.done $0x0  }
0x273: {  	s2 =	simm.s32 $0x10480;
	s10 =	rddreg [dreg:$0xe];
	[sflag:s14] =	ssyncadd.s32 $0xFFFF8000  }
0x274: {  	[hbm4b:s10+s3] =	stream.linear.scatter [tilespmem:s2], [sflag:$0x6], $0x8000, $0x38;
	[tilespmem:$0x18480] =	vst v63  }
0x275: {  	_ =	swait.ge [sflag:s0], $0x8000  }
0x276: {  	[sflag:s0] =	ssyncset.done $0x0  }
0x277: {  	[sflag:s0] =	ssyncadd.s32 $0xFFFF8000  }
0x278: {  	v19 =	vld [tilespmem:$0x1E0];
	_ =	sdelay $0x4  }
0x279: {  	v20 =	vshll.u32 v19, $0x3  }
0x27a: {  	v19 =	vand.u32 $0x7, v19;
	v20 =	vand.u32 $0xFFFFFFC0, v20  }
0x27b: {  	v19 =	vor.u32 v19, v20  }
0x27c: {  	v20 =	vperm.xlane v19, v16;
	_ =	sdelay $0x1  }
0x27d: {  	v20 =	vadd.s32 v17, v20;
	_ =	sdelay $0x4  }
0x27e: {  	[tilespmem:s2], [sflag:$0x3] =	stream.indirect_vreg.gather [hbm4b:s1+s3], $0x80, v20, vm0, $0xb8;
	[tilespmem:$0x18480] =	vst v63  }
0x27f: {  	s10 =	simm.s32 $0x10C80;
	v19 =	vperm.xlane v19, v18  }
0x280: {  	[tilespmem:s10], [sflag:$0x3] =	stream.indirect_vreg.gather [hbm4b:s6+s3], $0x80, v20, vm0, $0xb8;
	[tilespmem:$0x18480] =	vst v63  }
0x281: {  	v19 =	vadd.s32 v17, v19;
	s10 =	simm.s32 $0x11480  }
0x282: {  	[tilespmem:s10], [sflag:$0x3] =	stream.indirect_vreg.gather [hbm4b:s8+s3], $0x80, v20, vm0, $0xb8;
	[tilespmem:$0x18480] =	vst v63  }
0x283: {  	s10 =	simm.s32 $0x11C80  }
0x284: {  	[tilespmem:s10], [sflag:$0x3] =	stream.indirect_vreg.gather [hbm4b:s9+s3], $0x80, v20, vm0, $0xb8;
	[tilespmem:$0x18480] =	vst v63  }
0x285: {  	_ = 	snop  }
0x286: {  	[tilespmem:s12], [sflag:$0x3] =	stream.indirect_vreg.gather [hbm4b:s1+s3], $0x80, v19, vm0, $0xb8;
	[tilespmem:$0x18480] =	vst v63  }
0x287: {  	_ = 	snop  }
0x288: {  	[tilespmem:s13], [sflag:$0x3] =	stream.indirect_vreg.gather [hbm4b:s6+s3], $0x80, v19, vm0, $0xb8;
	[tilespmem:$0x18480] =	vst v63  }
0x289: {  	_ = 	snop  }
0x28a: {  	[tilespmem:s22], [sflag:$0x3] =	stream.indirect_vreg.gather [hbm4b:s8+s3], $0x80, v19, vm0, $0xb8;
	[tilespmem:$0x18480] =	vst v63  }
0x28b: {  	_ = 	snop  }
0x28c: {  	[tilespmem:s18], [sflag:$0x3] =	stream.indirect_vreg.gather [hbm4b:s9+s3], $0x80, v19, vm0, $0xb8;
	[tilespmem:$0x18480] =	vst v63  }
0x28d: {  	v19 =	vld [tilespmem:$0x1F0];
	_ =	sdelay $0x4  }
0x28e: {  	v20 =	vshll.u32 v19, $0x3  }
0x28f: {  	v19 =	vand.u32 $0x7, v19;
	v20 =	vand.u32 $0xFFFFFFC0, v20  }
0x290: {  	v19 =	vor.u32 v19, v20  }
0x291: {  	v20 =	vperm.xlane v19, v16;
	_ =	sdelay $0x1  }
0x292: {  	v20 =	vadd.s32 v17, v20;
	_ =	sdelay $0x4  }
0x293: {  	[tilespmem:s20], [sflag:$0x3] =	stream.indirect_vreg.gather [hbm4b:s1+s3], $0x80, v20, vm0, $0xb8;
	[tilespmem:$0x18480] =	vst v63  }
0x294: {  	v19 =	vperm.xlane v19, v18  }
0x295: {  	[tilespmem:s21], [sflag:$0x3] =	stream.indirect_vreg.gather [hbm4b:s6+s3], $0x80, v20, vm0, $0xb8;
	[tilespmem:$0x18480] =	vst v63  }
0x296: {  	v19 =	vadd.s32 v17, v19  }
0x297: {  	[tilespmem:s24], [sflag:$0x3] =	stream.indirect_vreg.gather [hbm4b:s8+s3], $0x80, v20, vm0, $0xb8;
	[tilespmem:$0x18480] =	vst v63  }
0x298: {  	_ = 	snop  }
0x299: {  	[tilespmem:s17], [sflag:$0x3] =	stream.indirect_vreg.gather [hbm4b:s9+s3], $0x80, v20, vm0, $0xb8;
	[tilespmem:$0x18480] =	vst v63  }
0x29a: {  	s20 =	simm.s32 $0x16480  }
0x29b: {  	[tilespmem:s20], [sflag:$0x3] =	stream.indirect_vreg.gather [hbm4b:s1+s3], $0x80, v19, vm0, $0xb8;
	[tilespmem:$0x18480] =	vst v63  }
0x29c: {  	_ = 	snop  }
0x29d: {  	[tilespmem:s7], [sflag:$0x3] =	stream.indirect_vreg.gather [hbm4b:s6+s3], $0x80, v19, vm0, $0xb8;
	[tilespmem:$0x18480] =	vst v63  }
0x29e: {  	_ = 	snop  }
0x29f: {  	[tilespmem:s5], [sflag:$0x3] =	stream.indirect_vreg.gather [hbm4b:s8+s3], $0x80, v19, vm0, $0xb8;
	[tilespmem:$0x18480] =	vst v63  }
0x2a0: {  	_ = 	snop  }
0x2a1: {  	[tilespmem:s23], [sflag:$0x3] =	stream.indirect_vreg.gather [hbm4b:s9+s3], $0x80, v19, vm0, $0xb8;
	[tilespmem:$0x18480] =	vst v63  }
0x2a2: {  	_ =	swait.ge [sflag:s16], $0x8000  }
0x2a3: {  	[sflag:s16] =	ssyncset.done $0x0  }
0x2a4: {  	s22 =	simm.s32 $0x480;
	[sflag:s16] =	ssyncadd.s32 $0xFFFF8000;
	s21 =	rddreg [dreg:$0xf]  }
0x2a5: {  	[hbm4b:s21+s3] =	stream.linear.scatter [tilespmem:s22], [sflag:$0x4], $0x8000, $0x38;
	[tilespmem:$0x18480] =	vst v63  }
0x2a6: {  	_ =	swait.ge [sflag:s29], $0x8000  }
0x2a7: {  	[sflag:s29] =	ssyncset.done $0x0  }
0x2a8: {  	[sflag:s29] =	ssyncadd.s32 $0xFFFF8000  }
0x2a9: {  	v19 =	vld [tilespmem:$0x200];
	_ =	sdelay $0x4  }
0x2aa: {  	v20 =	vshll.u32 v19, $0x3  }
0x2ab: {  	v19 =	vand.u32 $0x7, v19;
	v20 =	vand.u32 $0xFFFFFFC0, v20  }
0x2ac: {  	v19 =	vor.u32 v19, v20  }
0x2ad: {  	v20 =	vperm.xlane v19, v16;
	_ =	sdelay $0x1  }
0x2ae: {  	v20 =	vadd.s32 v17, v20;
	_ =	sdelay $0x4  }
0x2af: {  	[tilespmem:s22], [sflag:$0x1] =	stream.indirect_vreg.gather [hbm4b:s1+s3], $0x80, v20, vm0, $0xb8;
	[tilespmem:$0x18480] =	vst v63  }
0x2b0: {  	s23 =	simm.s32 $0xC80;
	v19 =	vperm.xlane v19, v18  }
0x2b1: {  	[tilespmem:s23], [sflag:$0x1] =	stream.indirect_vreg.gather [hbm4b:s6+s3], $0x80, v20, vm0, $0xb8;
	[tilespmem:$0x18480] =	vst v63  }
0x2b2: {  	s24 =	simm.s32 $0x1480;
	v19 =	vadd.s32 v17, v19  }
0x2b3: {  	[tilespmem:s24], [sflag:$0x1] =	stream.indirect_vreg.gather [hbm4b:s8+s3], $0x80, v20, vm0, $0xb8;
	[tilespmem:$0x18480] =	vst v63  }
0x2b4: {  	s18 =	simm.s32 $0x1C80  }
0x2b5: {  	[tilespmem:s18], [sflag:$0x1] =	stream.indirect_vreg.gather [hbm4b:s9+s3], $0x80, v20, vm0, $0xb8;
	[tilespmem:$0x18480] =	vst v63  }
0x2b6: {  	s7 =	simm.s32 $0x2480  }
0x2b7: {  	[tilespmem:s7], [sflag:$0x1] =	stream.indirect_vreg.gather [hbm4b:s1+s3], $0x80, v19, vm0, $0xb8;
	[tilespmem:$0x18480] =	vst v63  }
0x2b8: {  	s17 =	simm.s32 $0x2C80  }
0x2b9: {  	[tilespmem:s17], [sflag:$0x1] =	stream.indirect_vreg.gather [hbm4b:s6+s3], $0x80, v19, vm0, $0xb8;
	[tilespmem:$0x18480] =	vst v63  }
0x2ba: {  	s20 =	simm.s32 $0x3480  }
0x2bb: {  	[tilespmem:s20], [sflag:$0x1] =	stream.indirect_vreg.gather [hbm4b:s8+s3], $0x80, v19, vm0, $0xb8;
	[tilespmem:$0x18480] =	vst v63  }
0x2bc: {  	_ = 	snop  }
0x2bd: {  	[tilespmem:s4], [sflag:$0x1] =	stream.indirect_vreg.gather [hbm4b:s9+s3], $0x80, v19, vm0, $0xb8;
	[tilespmem:$0x18480] =	vst v63  }
0x2be: {  	v19 =	vld [tilespmem:$0x210];
	_ =	sdelay $0x4  }
0x2bf: {  	v20 =	vshll.u32 v19, $0x3  }
0x2c0: {  	v19 =	vand.u32 $0x7, v19;
	v20 =	vand.u32 $0xFFFFFFC0, v20  }
0x2c1: {  	v19 =	vor.u32 v19, v20  }
0x2c2: {  	v20 =	vperm.xlane v19, v16;
	_ =	sdelay $0x1  }
0x2c3: {  	v20 =	vadd.s32 v17, v20;
	_ =	sdelay $0x3  }
0x2c4: {  	s5 =	simm.s32 $0x4480  }
0x2c5: {  	[tilespmem:s5], [sflag:$0x1] =	stream.indirect_vreg.gather [hbm4b:s1+s3], $0x80, v20, vm0, $0xb8;
	[tilespmem:$0x18480] =	vst v63  }
0x2c6: {  	s10 =	simm.s32 $0x4C80;
	v19 =	vperm.xlane v19, v18  }
0x2c7: {  	[tilespmem:s10], [sflag:$0x1] =	stream.indirect_vreg.gather [hbm4b:s6+s3], $0x80, v20, vm0, $0xb8;
	[tilespmem:$0x18480] =	vst v63  }
0x2c8: {  	s21 =	simm.s32 $0x5480;
	v19 =	vadd.s32 v17, v19  }
0x2c9: {  	[tilespmem:s21], [sflag:$0x1] =	stream.indirect_vreg.gather [hbm4b:s8+s3], $0x80, v20, vm0, $0xb8;
	[tilespmem:$0x18480] =	vst v63  }
0x2ca: {  	s22 =	simm.s32 $0x5C80  }
0x2cb: {  	[tilespmem:s22], [sflag:$0x1] =	stream.indirect_vreg.gather [hbm4b:s9+s3], $0x80, v20, vm0, $0xb8;
	[tilespmem:$0x18480] =	vst v63  }
0x2cc: {  	s23 =	simm.s32 $0x6480  }
0x2cd: {  	[tilespmem:s23], [sflag:$0x1] =	stream.indirect_vreg.gather [hbm4b:s1+s3], $0x80, v19, vm0, $0xb8;
	[tilespmem:$0x18480] =	vst v63  }
0x2ce: {  	s24 =	simm.s32 $0x6C80  }
0x2cf: {  	[tilespmem:s24], [sflag:$0x1] =	stream.indirect_vreg.gather [hbm4b:s6+s3], $0x80, v19, vm0, $0xb8;
	[tilespmem:$0x18480] =	vst v63  }
0x2d0: {  	s12 =	simm.s32 $0x7480  }
0x2d1: {  	[tilespmem:s12], [sflag:$0x1] =	stream.indirect_vreg.gather [hbm4b:s8+s3], $0x80, v19, vm0, $0xb8;
	[tilespmem:$0x18480] =	vst v63  }
0x2d2: {  	s13 =	simm.s32 $0x7C80  }
0x2d3: {  	[tilespmem:s13], [sflag:$0x1] =	stream.indirect_vreg.gather [hbm4b:s9+s3], $0x80, v19, vm0, $0xb8;
	[tilespmem:$0x18480] =	vst v63  }
0x2d4: {  	_ =	swait.ge [sflag:s30], $0x8000  }
0x2d5: {  	[sflag:s30] =	ssyncset.done $0x0  }
0x2d6: {  	s5 =	simm.s32 $0x8480;
	s4 =	rddreg [dreg:$0x10];
	[sflag:s30] =	ssyncadd.s32 $0xFFFF8000  }
0x2d7: {  	[hbm4b:s4+s3] =	stream.linear.scatter [tilespmem:s5], [sflag:$0x5], $0x8000, $0x38;
	[tilespmem:$0x18480] =	vst v63  }
0x2d8: {  	_ =	swait.ge [sflag:s31], $0x8000  }
0x2d9: {  	[sflag:s31] =	ssyncset.done $0x0  }
0x2da: {  	[sflag:s31] =	ssyncadd.s32 $0xFFFF8000  }
0x2db: {  	v19 =	vld [tilespmem:$0x220];
	_ =	sdelay $0x4  }
0x2dc: {  	v20 =	vshll.u32 v19, $0x3  }
0x2dd: {  	v19 =	vand.u32 $0x7, v19;
	v20 =	vand.u32 $0xFFFFFFC0, v20  }
0x2de: {  	v19 =	vor.u32 v19, v20  }
0x2df: {  	v20 =	vperm.xlane v19, v16;
	_ =	sdelay $0x1  }
0x2e0: {  	v20 =	vadd.s32 v17, v20;
	_ =	sdelay $0x4  }
0x2e1: {  	[tilespmem:s5], [sflag:$0x2] =	stream.indirect_vreg.gather [hbm4b:s1+s3], $0x80, v20, vm0, $0xb8;
	[tilespmem:$0x18480] =	vst v63  }
0x2e2: {  	s10 =	simm.s32 $0x8C80;
	v19 =	vperm.xlane v19, v18  }
0x2e3: {  	[tilespmem:s10], [sflag:$0x2] =	stream.indirect_vreg.gather [hbm4b:s6+s3], $0x80, v20, vm0, $0xb8;
	[tilespmem:$0x18480] =	vst v63  }
0x2e4: {  	v19 =	vadd.s32 v17, v19  }
0x2e5: {  	[tilespmem:s19], [sflag:$0x2] =	stream.indirect_vreg.gather [hbm4b:s8+s3], $0x80, v20, vm0, $0xb8;
	[tilespmem:$0x18480] =	vst v63  }
0x2e6: {  	_ = 	snop  }
0x2e7: {  	[tilespmem:s25], [sflag:$0x2] =	stream.indirect_vreg.gather [hbm4b:s9+s3], $0x80, v20, vm0, $0xb8;
	[tilespmem:$0x18480] =	vst v63  }
0x2e8: {  	_ = 	snop  }
0x2e9: {  	[tilespmem:s26], [sflag:$0x2] =	stream.indirect_vreg.gather [hbm4b:s1+s3], $0x80, v19, vm0, $0xb8;
	[tilespmem:$0x18480] =	vst v63  }
0x2ea: {  	_ = 	snop  }
0x2eb: {  	[tilespmem:s28], [sflag:$0x2] =	stream.indirect_vreg.gather [hbm4b:s6+s3], $0x80, v19, vm0, $0xb8;
	[tilespmem:$0x18480] =	vst v63  }
0x2ec: {  	s12 =	simm.s32 $0xB480  }
0x2ed: {  	[tilespmem:s12], [sflag:$0x2] =	stream.indirect_vreg.gather [hbm4b:s8+s3], $0x80, v19, vm0, $0xb8;
	[tilespmem:$0x18480] =	vst v63  }
0x2ee: {  	s13 =	simm.s32 $0xBC80  }
0x2ef: {  	[tilespmem:s13], [sflag:$0x2] =	stream.indirect_vreg.gather [hbm4b:s9+s3], $0x80, v19, vm0, $0xb8;
	[tilespmem:$0x18480] =	vst v63  }
0x2f0: {  	v19 =	vld [tilespmem:$0x230];
	_ =	sdelay $0x4  }
0x2f1: {  	v20 =	vshll.u32 v19, $0x3  }
0x2f2: {  	v19 =	vand.u32 $0x7, v19;
	v20 =	vand.u32 $0xFFFFFFC0, v20  }
0x2f3: {  	v19 =	vor.u32 v19, v20  }
0x2f4: {  	v20 =	vperm.xlane v19, v16;
	_ =	sdelay $0x1  }
0x2f5: {  	v20 =	vadd.s32 v17, v20;
	_ =	sdelay $0x3  }
0x2f6: {  	s12 =	simm.s32 $0xC480  }
0x2f7: {  	[tilespmem:s12], [sflag:$0x2] =	stream.indirect_vreg.gather [hbm4b:s1+s3], $0x80, v20, vm0, $0xb8;
	[tilespmem:$0x18480] =	vst v63  }
0x2f8: {  	s13 =	simm.s32 $0xCC80;
	v19 =	vperm.xlane v19, v18  }
0x2f9: {  	[tilespmem:s13], [sflag:$0x2] =	stream.indirect_vreg.gather [hbm4b:s6+s3], $0x80, v20, vm0, $0xb8;
	[tilespmem:$0x18480] =	vst v63  }
0x2fa: {  	v19 =	vadd.s32 v17, v19  }
0x2fb: {  	[tilespmem:s15], [sflag:$0x2] =	stream.indirect_vreg.gather [hbm4b:s8+s3], $0x80, v20, vm0, $0xb8;
	[tilespmem:$0x18480] =	vst v63  }
0x2fc: {  	_ = 	snop  }
0x2fd: {  	[tilespmem:s11], [sflag:$0x2] =	stream.indirect_vreg.gather [hbm4b:s9+s3], $0x80, v20, vm0, $0xb8;
	[tilespmem:$0x18480] =	vst v63  }
0x2fe: {  	s19 =	simm.s32 $0xE480  }
0x2ff: {  	[tilespmem:s19], [sflag:$0x2] =	stream.indirect_vreg.gather [hbm4b:s1+s3], $0x80, v19, vm0, $0xb8;
	[tilespmem:$0x18480] =	vst v63  }
0x300: {  	s25 =	simm.s32 $0xEC80  }
0x301: {  	[tilespmem:s25], [sflag:$0x2] =	stream.indirect_vreg.gather [hbm4b:s6+s3], $0x80, v19, vm0, $0xb8;
	[tilespmem:$0x18480] =	vst v63  }
0x302: {  	s26 =	simm.s32 $0xF480  }
0x303: {  	[tilespmem:s26], [sflag:$0x2] =	stream.indirect_vreg.gather [hbm4b:s8+s3], $0x80, v19, vm0, $0xb8;
	[tilespmem:$0x18480] =	vst v63  }
0x304: {  	s15 =	simm.s32 $0xFC80  }
0x305: {  	[tilespmem:s15], [sflag:$0x2] =	stream.indirect_vreg.gather [hbm4b:s9+s3], $0x80, v19, vm0, $0xb8;
	[tilespmem:$0x18480] =	vst v63  }
0x306: {  	_ =	swait.ge [sflag:s14], $0x8000  }
0x307: {  	[sflag:s14] =	ssyncset.done $0x0  }
0x308: {  	s5 =	simm.s32 $0x10480;
	s4 =	rddreg [dreg:$0x11];
	[sflag:s14] =	ssyncadd.s32 $0xFFFF8000  }
0x309: {  	[hbm4b:s4+s3] =	stream.linear.scatter [tilespmem:s5], [sflag:$0x6], $0x8000, $0x38;
	[tilespmem:$0x18480] =	vst v63  }
0x30a: {  	_ =	swait.ge [sflag:s0], $0x8000  }
0x30b: {  	[sflag:s0] =	ssyncset.done $0x0  }
0x30c: {  	[sflag:s0] =	ssyncadd.s32 $0xFFFF8000  }
0x30d: {  	v19 =	vld [tilespmem:$0x240];
	_ =	sdelay $0x4  }
0x30e: {  	v20 =	vshll.u32 v19, $0x3  }
0x30f: {  	v19 =	vand.u32 $0x7, v19;
	v20 =	vand.u32 $0xFFFFFFC0, v20  }
0x310: {  	v19 =	vor.u32 v19, v20  }
0x311: {  	v20 =	vperm.xlane v19, v16;
	_ =	sdelay $0x1  }
0x312: {  	v20 =	vadd.s32 v17, v20;
	_ =	sdelay $0x4  }
0x313: {  	[tilespmem:s5], [sflag:$0x3] =	stream.indirect_vreg.gather [hbm4b:s1+s3], $0x80, v20, vm0, $0xb8;
	[tilespmem:$0x18480] =	vst v63  }
0x314: {  	s10 =	simm.s32 $0x10C80;
	v19 =	vperm.xlane v19, v18  }
0x315: {  	[tilespmem:s10], [sflag:$0x3] =	stream.indirect_vreg.gather [hbm4b:s6+s3], $0x80, v20, vm0, $0xb8;
	[tilespmem:$0x18480] =	vst v63  }
0x316: {  	s4 =	simm.s32 $0x11480;
	v19 =	vadd.s32 v17, v19  }
0x317: {  	[tilespmem:s4], [sflag:$0x3] =	stream.indirect_vreg.gather [hbm4b:s8+s3], $0x80, v20, vm0, $0xb8;
	[tilespmem:$0x18480] =	vst v63  }
0x318: {  	s5 =	simm.s32 $0x11C80  }
0x319: {  	[tilespmem:s5], [sflag:$0x3] =	stream.indirect_vreg.gather [hbm4b:s9+s3], $0x80, v20, vm0, $0xb8;
	[tilespmem:$0x18480] =	vst v63  }
0x31a: {  	s11 =	simm.s32 $0x12480  }
0x31b: {  	[tilespmem:s11], [sflag:$0x3] =	stream.indirect_vreg.gather [hbm4b:s1+s3], $0x80, v19, vm0, $0xb8;
	[tilespmem:$0x18480] =	vst v63  }
0x31c: {  	s19 =	simm.s32 $0x12C80  }
0x31d: {  	[tilespmem:s19], [sflag:$0x3] =	stream.indirect_vreg.gather [hbm4b:s6+s3], $0x80, v19, vm0, $0xb8;
	[tilespmem:$0x18480] =	vst v63  }
0x31e: {  	s25 =	simm.s32 $0x13480  }
0x31f: {  	[tilespmem:s25], [sflag:$0x3] =	stream.indirect_vreg.gather [hbm4b:s8+s3], $0x80, v19, vm0, $0xb8;
	[tilespmem:$0x18480] =	vst v63  }
0x320: {  	s26 =	simm.s32 $0x13C80  }
0x321: {  	[tilespmem:s26], [sflag:$0x3] =	stream.indirect_vreg.gather [hbm4b:s9+s3], $0x80, v19, vm0, $0xb8;
	[tilespmem:$0x18480] =	vst v63  }
0x322: {  	v19 =	vld [tilespmem:$0x250];
	_ =	sdelay $0x4  }
0x323: {  	v20 =	vshll.u32 v19, $0x3  }
0x324: {  	v19 =	vand.u32 $0x7, v19;
	v20 =	vand.u32 $0xFFFFFFC0, v20  }
0x325: {  	v19 =	vor.u32 v19, v20  }
0x326: {  	v20 =	vperm.xlane v19, v16;
	_ =	sdelay $0x1  }
0x327: {  	v20 =	vadd.s32 v17, v20;
	_ =	sdelay $0x3  }
0x328: {  	s10 =	simm.s32 $0x14480  }
0x329: {  	[tilespmem:s10], [sflag:$0x3] =	stream.indirect_vreg.gather [hbm4b:s1+s3], $0x80, v20, vm0, $0xb8;
	[tilespmem:$0x18480] =	vst v63  }
0x32a: {  	s11 =	simm.s32 $0x14C80;
	v19 =	vperm.xlane v19, v18  }
0x32b: {  	[tilespmem:s11], [sflag:$0x3] =	stream.indirect_vreg.gather [hbm4b:s6+s3], $0x80, v20, vm0, $0xb8;
	[tilespmem:$0x18480] =	vst v63  }
0x32c: {  	s19 =	simm.s32 $0x15480;
	v19 =	vadd.s32 v17, v19  }
0x32d: {  	[tilespmem:s19], [sflag:$0x3] =	stream.indirect_vreg.gather [hbm4b:s8+s3], $0x80, v20, vm0, $0xb8;
	[tilespmem:$0x18480] =	vst v63  }
0x32e: {  	s25 =	simm.s32 $0x15C80  }
0x32f: {  	[tilespmem:s25], [sflag:$0x3] =	stream.indirect_vreg.gather [hbm4b:s9+s3], $0x80, v20, vm0, $0xb8;
	[tilespmem:$0x18480] =	vst v63  }
0x330: {  	s26 =	simm.s32 $0x16480  }
0x331: {  	[tilespmem:s26], [sflag:$0x3] =	stream.indirect_vreg.gather [hbm4b:s1+s3], $0x80, v19, vm0, $0xb8;
	[tilespmem:$0x18480] =	vst v63  }
0x332: {  	s10 =	simm.s32 $0x16C80  }
0x333: {  	[tilespmem:s10], [sflag:$0x3] =	stream.indirect_vreg.gather [hbm4b:s6+s3], $0x80, v19, vm0, $0xb8;
	[tilespmem:$0x18480] =	vst v63  }
0x334: {  	s11 =	simm.s32 $0x17480  }
0x335: {  	[tilespmem:s11], [sflag:$0x3] =	stream.indirect_vreg.gather [hbm4b:s8+s3], $0x80, v19, vm0, $0xb8;
	[tilespmem:$0x18480] =	vst v63  }
0x336: {  	s19 =	simm.s32 $0x17C80  }
0x337: {  	[tilespmem:s19], [sflag:$0x3] =	stream.indirect_vreg.gather [hbm4b:s9+s3], $0x80, v19, vm0, $0xb8;
	[tilespmem:$0x18480] =	vst v63  }
0x338: {  	_ =	swait.ge [sflag:s16], $0x8000  }
0x339: {  	[sflag:s16] =	ssyncset.done $0x0  }
0x33a: {  	s26 =	simm.s32 $0x480;
	s25 =	rddreg [dreg:$0x12];
	[sflag:s16] =	ssyncadd.s32 $0xFFFF8000  }
0x33b: {  	[hbm4b:s25+s3] =	stream.linear.scatter [tilespmem:s26], [sflag:$0x4], $0x8000, $0x38;
	[tilespmem:$0x18480] =	vst v63  }
0x33c: {  	_ =	swait.ge [sflag:s29], $0x8000  }
0x33d: {  	[sflag:s29] =	ssyncset.done $0x0  }
0x33e: {  	[sflag:s29] =	ssyncadd.s32 $0xFFFF8000  }
0x33f: {  	v19 =	vld [tilespmem:$0x260];
	_ =	sdelay $0x4  }
0x340: {  	v20 =	vshll.u32 v19, $0x3  }
0x341: {  	v19 =	vand.u32 $0x7, v19;
	v20 =	vand.u32 $0xFFFFFFC0, v20  }
0x342: {  	v19 =	vor.u32 v19, v20  }
0x343: {  	v20 =	vperm.xlane v19, v16;
	_ =	sdelay $0x1  }
0x344: {  	v20 =	vadd.s32 v17, v20;
	_ =	sdelay $0x4  }
0x345: {  	[tilespmem:s26], [sflag:$0x1] =	stream.indirect_vreg.gather [hbm4b:s1+s3], $0x80, v20, vm0, $0xb8;
	[tilespmem:$0x18480] =	vst v63  }
0x346: {  	s11 =	simm.s32 $0xC80;
	v19 =	vperm.xlane v19, v18  }
0x347: {  	[tilespmem:s11], [sflag:$0x1] =	stream.indirect_vreg.gather [hbm4b:s6+s3], $0x80, v20, vm0, $0xb8;
	[tilespmem:$0x18480] =	vst v63  }
0x348: {  	v19 =	vadd.s32 v17, v19;
	s11 =	simm.s32 $0x1480  }
0x349: {  	[tilespmem:s11], [sflag:$0x1] =	stream.indirect_vreg.gather [hbm4b:s8+s3], $0x80, v20, vm0, $0xb8;
	[tilespmem:$0x18480] =	vst v63  }
0x34a: {  	_ = 	snop  }
0x34b: {  	[tilespmem:s18], [sflag:$0x1] =	stream.indirect_vreg.gather [hbm4b:s9+s3], $0x80, v20, vm0, $0xb8;
	[tilespmem:$0x18480] =	vst v63  }
0x34c: {  	_ = 	snop  }
0x34d: {  	[tilespmem:s7], [sflag:$0x1] =	stream.indirect_vreg.gather [hbm4b:s1+s3], $0x80, v19, vm0, $0xb8;
	[tilespmem:$0x18480] =	vst v63  }
0x34e: {  	_ = 	snop  }
0x34f: {  	[tilespmem:s17], [sflag:$0x1] =	stream.indirect_vreg.gather [hbm4b:s6+s3], $0x80, v19, vm0, $0xb8;
	[tilespmem:$0x18480] =	vst v63  }
0x350: {  	_ = 	snop  }
0x351: {  	[tilespmem:s20], [sflag:$0x1] =	stream.indirect_vreg.gather [hbm4b:s8+s3], $0x80, v19, vm0, $0xb8;
	[tilespmem:$0x18480] =	vst v63  }
0x352: {  	s18 =	simm.s32 $0x3C80  }
0x353: {  	[tilespmem:s18], [sflag:$0x1] =	stream.indirect_vreg.gather [hbm4b:s9+s3], $0x80, v19, vm0, $0xb8;
	[tilespmem:$0x18480] =	vst v63  }
0x354: {  	v19 =	vld [tilespmem:$0x270];
	_ =	sdelay $0x4  }
0x355: {  	v20 =	vshll.u32 v19, $0x3  }
0x356: {  	v19 =	vand.u32 $0x7, v19;
	v20 =	vand.u32 $0xFFFFFFC0, v20  }
0x357: {  	v19 =	vor.u32 v19, v20  }
0x358: {  	v20 =	vperm.xlane v19, v16;
	_ =	sdelay $0x1  }
0x359: {  	v20 =	vadd.s32 v17, v20;
	_ =	sdelay $0x3  }
0x35a: {  	s19 =	simm.s32 $0x4480  }
0x35b: {  	[tilespmem:s19], [sflag:$0x1] =	stream.indirect_vreg.gather [hbm4b:s1+s3], $0x80, v20, vm0, $0xb8;
	[tilespmem:$0x18480] =	vst v63  }
0x35c: {  	s20 =	simm.s32 $0x4C80;
	v19 =	vperm.xlane v19, v18  }
0x35d: {  	[tilespmem:s20], [sflag:$0x1] =	stream.indirect_vreg.gather [hbm4b:s6+s3], $0x80, v20, vm0, $0xb8;
	[tilespmem:$0x18480] =	vst v63  }
0x35e: {  	v19 =	vadd.s32 v17, v19  }
0x35f: {  	[tilespmem:s21], [sflag:$0x1] =	stream.indirect_vreg.gather [hbm4b:s8+s3], $0x80, v20, vm0, $0xb8;
	[tilespmem:$0x18480] =	vst v63  }
0x360: {  	_ = 	snop  }
0x361: {  	[tilespmem:s22], [sflag:$0x1] =	stream.indirect_vreg.gather [hbm4b:s9+s3], $0x80, v20, vm0, $0xb8;
	[tilespmem:$0x18480] =	vst v63  }
0x362: {  	_ = 	snop  }
0x363: {  	[tilespmem:s23], [sflag:$0x1] =	stream.indirect_vreg.gather [hbm4b:s1+s3], $0x80, v19, vm0, $0xb8;
	[tilespmem:$0x18480] =	vst v63  }
0x364: {  	_ = 	snop  }
0x365: {  	[tilespmem:s24], [sflag:$0x1] =	stream.indirect_vreg.gather [hbm4b:s6+s3], $0x80, v19, vm0, $0xb8;
	[tilespmem:$0x18480] =	vst v63  }
0x366: {  	s24 =	simm.s32 $0x7480  }
0x367: {  	[tilespmem:s24], [sflag:$0x1] =	stream.indirect_vreg.gather [hbm4b:s8+s3], $0x80, v19, vm0, $0xb8;
	[tilespmem:$0x18480] =	vst v63  }
0x368: {  	s25 =	simm.s32 $0x7C80  }
0x369: {  	[tilespmem:s25], [sflag:$0x1] =	stream.indirect_vreg.gather [hbm4b:s9+s3], $0x80, v19, vm0, $0xb8;
	[tilespmem:$0x18480] =	vst v63  }
0x36a: {  	_ =	swait.ge [sflag:s30], $0x8000  }
0x36b: {  	[sflag:s30] =	ssyncset.done $0x0  }
0x36c: {  	s2 =	simm.s32 $0x8480;
	s26 =	rddreg [dreg:$0x13];
	[sflag:s30] =	ssyncadd.s32 $0xFFFF8000  }
0x36d: {  	[hbm4b:s26+s3] =	stream.linear.scatter [tilespmem:s2], [sflag:$0x5], $0x8000, $0x38;
	[tilespmem:$0x18480] =	vst v63  }
0x36e: {  	_ =	swait.ge [sflag:s31], $0x8000  }
0x36f: {  	[sflag:s31] =	ssyncset.done $0x0  }
0x370: {  	[sflag:s31] =	ssyncadd.s32 $0xFFFF8000  }
0x371: {  	v19 =	vld [tilespmem:$0x280];
	_ =	sdelay $0x4  }
0x372: {  	v20 =	vshll.u32 v19, $0x3  }
0x373: {  	v19 =	vand.u32 $0x7, v19;
	v20 =	vand.u32 $0xFFFFFFC0, v20  }
0x374: {  	v19 =	vor.u32 v19, v20  }
0x375: {  	v20 =	vperm.xlane v19, v16;
	_ =	sdelay $0x1  }
0x376: {  	v20 =	vadd.s32 v17, v20;
	_ =	sdelay $0x4  }
0x377: {  	[tilespmem:s2], [sflag:$0x2] =	stream.indirect_vreg.gather [hbm4b:s1+s3], $0x80, v20, vm0, $0xb8;
	[tilespmem:$0x18480] =	vst v63  }
0x378: {  	s17 =	simm.s32 $0x8C80;
	v19 =	vperm.xlane v19, v18  }
0x379: {  	[tilespmem:s17], [sflag:$0x2] =	stream.indirect_vreg.gather [hbm4b:s6+s3], $0x80, v20, vm0, $0xb8;
	[tilespmem:$0x18480] =	vst v63  }
0x37a: {  	s19 =	simm.s32 $0x9480;
	v19 =	vadd.s32 v17, v19  }
0x37b: {  	[tilespmem:s19], [sflag:$0x2] =	stream.indirect_vreg.gather [hbm4b:s8+s3], $0x80, v20, vm0, $0xb8;
	[tilespmem:$0x18480] =	vst v63  }
0x37c: {  	s23 =	simm.s32 $0x9C80  }
0x37d: {  	[tilespmem:s23], [sflag:$0x2] =	stream.indirect_vreg.gather [hbm4b:s9+s3], $0x80, v20, vm0, $0xb8;
	[tilespmem:$0x18480] =	vst v63  }
0x37e: {  	s24 =	simm.s32 $0xA480  }
0x37f: {  	[tilespmem:s24], [sflag:$0x2] =	stream.indirect_vreg.gather [hbm4b:s1+s3], $0x80, v19, vm0, $0xb8;
	[tilespmem:$0x18480] =	vst v63  }
0x380: {  	s25 =	simm.s32 $0xAC80  }
0x381: {  	[tilespmem:s25], [sflag:$0x2] =	stream.indirect_vreg.gather [hbm4b:s6+s3], $0x80, v19, vm0, $0xb8;
	[tilespmem:$0x18480] =	vst v63  }
0x382: {  	s26 =	simm.s32 $0xB480  }
0x383: {  	[tilespmem:s26], [sflag:$0x2] =	stream.indirect_vreg.gather [hbm4b:s8+s3], $0x80, v19, vm0, $0xb8;
	[tilespmem:$0x18480] =	vst v63  }
0x384: {  	s28 =	simm.s32 $0xBC80  }
0x385: {  	[tilespmem:s28], [sflag:$0x2] =	stream.indirect_vreg.gather [hbm4b:s9+s3], $0x80, v19, vm0, $0xb8;
	[tilespmem:$0x18480] =	vst v63  }
0x386: {  	v19 =	vld [tilespmem:$0x290];
	_ =	sdelay $0x4  }
0x387: {  	v20 =	vshll.u32 v19, $0x3  }
0x388: {  	v19 =	vand.u32 $0x7, v19;
	v20 =	vand.u32 $0xFFFFFFC0, v20  }
0x389: {  	v19 =	vor.u32 v19, v20  }
0x38a: {  	v20 =	vperm.xlane v19, v16;
	_ =	sdelay $0x1  }
0x38b: {  	v20 =	vadd.s32 v17, v20;
	_ =	sdelay $0x4  }
0x38c: {  	[tilespmem:s12], [sflag:$0x2] =	stream.indirect_vreg.gather [hbm4b:s1+s3], $0x80, v20, vm0, $0xb8;
	[tilespmem:$0x18480] =	vst v63  }
0x38d: {  	v19 =	vperm.xlane v19, v18  }
0x38e: {  	[tilespmem:s13], [sflag:$0x2] =	stream.indirect_vreg.gather [hbm4b:s6+s3], $0x80, v20, vm0, $0xb8;
	[tilespmem:$0x18480] =	vst v63  }
0x38f: {  	s28 =	simm.s32 $0xD480;
	v19 =	vadd.s32 v17, v19  }
0x390: {  	[tilespmem:s28], [sflag:$0x2] =	stream.indirect_vreg.gather [hbm4b:s8+s3], $0x80, v20, vm0, $0xb8;
	[tilespmem:$0x18480] =	vst v63  }
0x391: {  	s18 =	simm.s32 $0xDC80  }
0x392: {  	[tilespmem:s18], [sflag:$0x2] =	stream.indirect_vreg.gather [hbm4b:s9+s3], $0x80, v20, vm0, $0xb8;
	[tilespmem:$0x18480] =	vst v63  }
0x393: {  	s20 =	simm.s32 $0xE480  }
0x394: {  	[tilespmem:s20], [sflag:$0x2] =	stream.indirect_vreg.gather [hbm4b:s1+s3], $0x80, v19, vm0, $0xb8;
	[tilespmem:$0x18480] =	vst v63  }
0x395: {  	s21 =	simm.s32 $0xEC80  }
0x396: {  	[tilespmem:s21], [sflag:$0x2] =	stream.indirect_vreg.gather [hbm4b:s6+s3], $0x80, v19, vm0, $0xb8;
	[tilespmem:$0x18480] =	vst v63  }
0x397: {  	s22 =	simm.s32 $0xF480  }
0x398: {  	[tilespmem:s22], [sflag:$0x2] =	stream.indirect_vreg.gather [hbm4b:s8+s3], $0x80, v19, vm0, $0xb8;
	[tilespmem:$0x18480] =	vst v63  }
0x399: {  	_ = 	snop  }
0x39a: {  	[tilespmem:s15], [sflag:$0x2] =	stream.indirect_vreg.gather [hbm4b:s9+s3], $0x80, v19, vm0, $0xb8;
	[tilespmem:$0x18480] =	vst v63  }
0x39b: {  	_ =	swait.ge [sflag:s14], $0x8000  }
0x39c: {  	[sflag:s14] =	ssyncset.done $0x0  }
0x39d: {  	s12 =	simm.s32 $0x10480;
	s7 =	rddreg [dreg:$0x14];
	[sflag:s14] =	ssyncadd.s32 $0xFFFF8000  }
0x39e: {  	[hbm4b:s7+s3] =	stream.linear.scatter [tilespmem:s12], [sflag:$0x6], $0x8000, $0x38;
	[tilespmem:$0x18480] =	vst v63  }
0x39f: {  	_ =	swait.ge [sflag:s0], $0x8000  }
0x3a0: {  	[sflag:s0] =	ssyncset.done $0x0  }
0x3a1: {  	[sflag:s0] =	ssyncadd.s32 $0xFFFF8000  }
0x3a2: {  	v19 =	vld [tilespmem:$0x2A0];
	_ =	sdelay $0x4  }
0x3a3: {  	v20 =	vshll.u32 v19, $0x3  }
0x3a4: {  	v19 =	vand.u32 $0x7, v19;
	v20 =	vand.u32 $0xFFFFFFC0, v20  }
0x3a5: {  	v19 =	vor.u32 v19, v20  }
0x3a6: {  	v20 =	vperm.xlane v19, v16;
	_ =	sdelay $0x1  }
0x3a7: {  	v20 =	vadd.s32 v17, v20;
	_ =	sdelay $0x4  }
0x3a8: {  	[tilespmem:s12], [sflag:$0x3] =	stream.indirect_vreg.gather [hbm4b:s1+s3], $0x80, v20, vm0, $0xb8;
	[tilespmem:$0x18480] =	vst v63  }
0x3a9: {  	s13 =	simm.s32 $0x10C80;
	v19 =	vperm.xlane v19, v18  }
0x3aa: {  	[tilespmem:s13], [sflag:$0x3] =	stream.indirect_vreg.gather [hbm4b:s6+s3], $0x80, v20, vm0, $0xb8;
	[tilespmem:$0x18480] =	vst v63  }
0x3ab: {  	v19 =	vadd.s32 v17, v19  }
0x3ac: {  	[tilespmem:s4], [sflag:$0x3] =	stream.indirect_vreg.gather [hbm4b:s8+s3], $0x80, v20, vm0, $0xb8;
	[tilespmem:$0x18480] =	vst v63  }
0x3ad: {  	_ = 	snop  }
0x3ae: {  	[tilespmem:s5], [sflag:$0x3] =	stream.indirect_vreg.gather [hbm4b:s9+s3], $0x80, v20, vm0, $0xb8;
	[tilespmem:$0x18480] =	vst v63  }
0x3af: {  	s2 =	simm.s32 $0x12480  }
0x3b0: {  	[tilespmem:s2], [sflag:$0x3] =	stream.indirect_vreg.gather [hbm4b:s1+s3], $0x80, v19, vm0, $0xb8;
	[tilespmem:$0x18480] =	vst v63  }
0x3b1: {  	s15 =	simm.s32 $0x12C80  }
0x3b2: {  	[tilespmem:s15], [sflag:$0x3] =	stream.indirect_vreg.gather [hbm4b:s6+s3], $0x80, v19, vm0, $0xb8;
	[tilespmem:$0x18480] =	vst v63  }
0x3b3: {  	s17 =	simm.s32 $0x13480  }
0x3b4: {  	[tilespmem:s17], [sflag:$0x3] =	stream.indirect_vreg.gather [hbm4b:s8+s3], $0x80, v19, vm0, $0xb8;
	[tilespmem:$0x18480] =	vst v63  }
0x3b5: {  	s20 =	simm.s32 $0x13C80  }
0x3b6: {  	[tilespmem:s20], [sflag:$0x3] =	stream.indirect_vreg.gather [hbm4b:s9+s3], $0x80, v19, vm0, $0xb8;
	[tilespmem:$0x18480] =	vst v63  }
0x3b7: {  	v19 =	vld [tilespmem:$0x2B0];
	_ =	sdelay $0x4  }
0x3b8: {  	v20 =	vshll.u32 v19, $0x3  }
0x3b9: {  	v19 =	vand.u32 $0x7, v19;
	v20 =	vand.u32 $0xFFFFFFC0, v20  }
0x3ba: {  	v19 =	vor.u32 v19, v20  }
0x3bb: {  	v20 =	vperm.xlane v19, v16;
	_ =	sdelay $0x1  }
0x3bc: {  	v20 =	vadd.s32 v17, v20;
	_ =	sdelay $0x3  }
0x3bd: {  	s21 =	simm.s32 $0x14480  }
0x3be: {  	[tilespmem:s21], [sflag:$0x3] =	stream.indirect_vreg.gather [hbm4b:s1+s3], $0x80, v20, vm0, $0xb8;
	[tilespmem:$0x18480] =	vst v63  }
0x3bf: {  	s22 =	simm.s32 $0x14C80;
	v19 =	vperm.xlane v19, v18  }
0x3c0: {  	[tilespmem:s22], [sflag:$0x3] =	stream.indirect_vreg.gather [hbm4b:s6+s3], $0x80, v20, vm0, $0xb8;
	[tilespmem:$0x18480] =	vst v63  }
0x3c1: {  	s18 =	simm.s32 $0x15480;
	v19 =	vadd.s32 v17, v19  }
0x3c2: {  	[tilespmem:s18], [sflag:$0x3] =	stream.indirect_vreg.gather [hbm4b:s8+s3], $0x80, v20, vm0, $0xb8;
	[tilespmem:$0x18480] =	vst v63  }
0x3c3: {  	s12 =	simm.s32 $0x15C80  }
0x3c4: {  	[tilespmem:s12], [sflag:$0x3] =	stream.indirect_vreg.gather [hbm4b:s9+s3], $0x80, v20, vm0, $0xb8;
	[tilespmem:$0x18480] =	vst v63  }
0x3c5: {  	s13 =	simm.s32 $0x16480  }
0x3c6: {  	[tilespmem:s13], [sflag:$0x3] =	stream.indirect_vreg.gather [hbm4b:s1+s3], $0x80, v19, vm0, $0xb8;
	[tilespmem:$0x18480] =	vst v63  }
0x3c7: {  	s15 =	simm.s32 $0x16C80  }
0x3c8: {  	[tilespmem:s15], [sflag:$0x3] =	stream.indirect_vreg.gather [hbm4b:s6+s3], $0x80, v19, vm0, $0xb8;
	[tilespmem:$0x18480] =	vst v63  }
0x3c9: {  	s17 =	simm.s32 $0x17480  }
0x3ca: {  	[tilespmem:s17], [sflag:$0x3] =	stream.indirect_vreg.gather [hbm4b:s8+s3], $0x80, v19, vm0, $0xb8;
	[tilespmem:$0x18480] =	vst v63  }
0x3cb: {  	s18 =	simm.s32 $0x17C80  }
0x3cc: {  	[tilespmem:s18], [sflag:$0x3] =	stream.indirect_vreg.gather [hbm4b:s9+s3], $0x80, v19, vm0, $0xb8;
	[tilespmem:$0x18480] =	vst v63  }
0x3cd: {  	_ =	swait.ge [sflag:s16], $0x8000  }
0x3ce: {  	[sflag:s16] =	ssyncset.done $0x0  }
0x3cf: {  	s7 =	simm.s32 $0x480;
	s5 =	rddreg [dreg:$0x15];
	[sflag:s16] =	ssyncadd.s32 $0xFFFF8000  }
0x3d0: {  	[hbm4b:s5+s3] =	stream.linear.scatter [tilespmem:s7], [sflag:$0x4], $0x8000, $0x38;
	[tilespmem:$0x18480] =	vst v63  }
0x3d1: {  	_ =	swait.ge [sflag:s29], $0x8000  }
0x3d2: {  	[sflag:s29] =	ssyncset.done $0x0  }
0x3d3: {  	[sflag:s29] =	ssyncadd.s32 $0xFFFF8000  }
0x3d4: {  	v19 =	vld [tilespmem:$0x2C0];
	_ =	sdelay $0x4  }
0x3d5: {  	v20 =	vshll.u32 v19, $0x3  }
0x3d6: {  	v19 =	vand.u32 $0x7, v19;
	v20 =	vand.u32 $0xFFFFFFC0, v20  }
0x3d7: {  	v19 =	vor.u32 v19, v20  }
0x3d8: {  	v20 =	vperm.xlane v19, v16;
	_ =	sdelay $0x1  }
0x3d9: {  	v20 =	vadd.s32 v17, v20;
	_ =	sdelay $0x4  }
0x3da: {  	[tilespmem:s7], [sflag:$0x1] =	stream.indirect_vreg.gather [hbm4b:s1+s3], $0x80, v20, vm0, $0xb8;
	[tilespmem:$0x18480] =	vst v63  }
0x3db: {  	s10 =	simm.s32 $0xC80;
	v19 =	vperm.xlane v19, v18  }
0x3dc: {  	[tilespmem:s10], [sflag:$0x1] =	stream.indirect_vreg.gather [hbm4b:s6+s3], $0x80, v20, vm0, $0xb8;
	[tilespmem:$0x18480] =	vst v63  }
0x3dd: {  	v19 =	vadd.s32 v17, v19  }
0x3de: {  	[tilespmem:s11], [sflag:$0x1] =	stream.indirect_vreg.gather [hbm4b:s8+s3], $0x80, v20, vm0, $0xb8;
	[tilespmem:$0x18480] =	vst v63  }
0x3df: {  	s7 =	simm.s32 $0x1C80  }
0x3e0: {  	[tilespmem:s7], [sflag:$0x1] =	stream.indirect_vreg.gather [hbm4b:s9+s3], $0x80, v20, vm0, $0xb8;
	[tilespmem:$0x18480] =	vst v63  }
0x3e1: {  	s5 =	simm.s32 $0x2480  }
0x3e2: {  	[tilespmem:s5], [sflag:$0x1] =	stream.indirect_vreg.gather [hbm4b:s1+s3], $0x80, v19, vm0, $0xb8;
	[tilespmem:$0x18480] =	vst v63  }
0x3e3: {  	s10 =	simm.s32 $0x2C80  }
0x3e4: {  	[tilespmem:s10], [sflag:$0x1] =	stream.indirect_vreg.gather [hbm4b:s6+s3], $0x80, v19, vm0, $0xb8;
	[tilespmem:$0x18480] =	vst v63  }
0x3e5: {  	s11 =	simm.s32 $0x3480  }
0x3e6: {  	[tilespmem:s11], [sflag:$0x1] =	stream.indirect_vreg.gather [hbm4b:s8+s3], $0x80, v19, vm0, $0xb8;
	[tilespmem:$0x18480] =	vst v63  }
0x3e7: {  	s11 =	simm.s32 $0x3C80  }
0x3e8: {  	[tilespmem:s11], [sflag:$0x1] =	stream.indirect_vreg.gather [hbm4b:s9+s3], $0x80, v19, vm0, $0xb8;
	[tilespmem:$0x18480] =	vst v63  }
0x3e9: {  	v19 =	vld [tilespmem:$0x2D0];
	_ =	sdelay $0x4  }
0x3ea: {  	v20 =	vshll.u32 v19, $0x3  }
0x3eb: {  	v19 =	vand.u32 $0x7, v19;
	v20 =	vand.u32 $0xFFFFFFC0, v20  }
0x3ec: {  	v19 =	vor.u32 v19, v20  }
0x3ed: {  	v20 =	vperm.xlane v19, v16;
	_ =	sdelay $0x1  }
0x3ee: {  	v20 =	vadd.s32 v17, v20;
	_ =	sdelay $0x3  }
0x3ef: {  	s5 =	simm.s32 $0x4480  }
0x3f0: {  	[tilespmem:s5], [sflag:$0x1] =	stream.indirect_vreg.gather [hbm4b:s1+s3], $0x80, v20, vm0, $0xb8;
	[tilespmem:$0x18480] =	vst v63  }
0x3f1: {  	s10 =	simm.s32 $0x4C80;
	v19 =	vperm.xlane v19, v18  }
0x3f2: {  	[tilespmem:s10], [sflag:$0x1] =	stream.indirect_vreg.gather [hbm4b:s6+s3], $0x80, v20, vm0, $0xb8;
	[tilespmem:$0x18480] =	vst v63  }
0x3f3: {  	v19 =	vadd.s32 v17, v19;
	s5 =	simm.s32 $0x5480  }
0x3f4: {  	[tilespmem:s5], [sflag:$0x1] =	stream.indirect_vreg.gather [hbm4b:s8+s3], $0x80, v20, vm0, $0xb8;
	[tilespmem:$0x18480] =	vst v63  }
0x3f5: {  	s10 =	simm.s32 $0x5C80  }
0x3f6: {  	[tilespmem:s10], [sflag:$0x1] =	stream.indirect_vreg.gather [hbm4b:s9+s3], $0x80, v20, vm0, $0xb8;
	[tilespmem:$0x18480] =	vst v63  }
0x3f7: {  	s5 =	simm.s32 $0x6480  }
0x3f8: {  	[tilespmem:s5], [sflag:$0x1] =	stream.indirect_vreg.gather [hbm4b:s1+s3], $0x80, v19, vm0, $0xb8;
	[tilespmem:$0x18480] =	vst v63  }
0x3f9: {  	s10 =	simm.s32 $0x6C80  }
0x3fa: {  	[tilespmem:s10], [sflag:$0x1] =	stream.indirect_vreg.gather [hbm4b:s6+s3], $0x80, v19, vm0, $0xb8;
	[tilespmem:$0x18480] =	vst v63  }
0x3fb: {  	s5 =	simm.s32 $0x7480  }
0x3fc: {  	[tilespmem:s5], [sflag:$0x1] =	stream.indirect_vreg.gather [hbm4b:s8+s3], $0x80, v19, vm0, $0xb8;
	[tilespmem:$0x18480] =	vst v63  }
0x3fd: {  	s10 =	simm.s32 $0x7C80  }
0x3fe: {  	[tilespmem:s10], [sflag:$0x1] =	stream.indirect_vreg.gather [hbm4b:s9+s3], $0x80, v19, vm0, $0xb8;
	[tilespmem:$0x18480] =	vst v63  }
0x3ff: {  	_ =	swait.ge [sflag:s30], $0x8000  }
0x400: {  	[sflag:s30] =	ssyncset.done $0x0  }
0x401: {  	s4 =	simm.s32 $0x8480;
	s5 =	rddreg [dreg:$0x17];
	[sflag:s30] =	ssyncadd.s32 $0xFFFF8000  }
0x402: {  	[hbm4b:s5+s3] =	stream.linear.scatter [tilespmem:s4], [sflag:$0x5], $0x8000, $0x38;
	[tilespmem:$0x18480] =	vst v63  }
0x403: {  	_ =	swait.ge [sflag:s31], $0x8000  }
0x404: {  	[sflag:s31] =	ssyncset.done $0x0  }
0x405: {  	[sflag:s31] =	ssyncadd.s32 $0xFFFF8000  }
0x406: {  	v19 =	vld [tilespmem:$0x2E0];
	_ =	sdelay $0x4  }
0x407: {  	v20 =	vshll.u32 v19, $0x3  }
0x408: {  	v19 =	vand.u32 $0x7, v19;
	v20 =	vand.u32 $0xFFFFFFC0, v20  }
0x409: {  	v19 =	vor.u32 v19, v20  }
0x40a: {  	v20 =	vperm.xlane v19, v16;
	_ =	sdelay $0x1  }
0x40b: {  	v20 =	vadd.s32 v17, v20;
	_ =	sdelay $0x4  }
0x40c: {  	[tilespmem:s4], [sflag:$0x2] =	stream.indirect_vreg.gather [hbm4b:s1+s3], $0x80, v20, vm0, $0xb8;
	[tilespmem:$0x18480] =	vst v63  }
0x40d: {  	s10 =	simm.s32 $0x8C80;
	v19 =	vperm.xlane v19, v18  }
0x40e: {  	[tilespmem:s10], [sflag:$0x2] =	stream.indirect_vreg.gather [hbm4b:s6+s3], $0x80, v20, vm0, $0xb8;
	[tilespmem:$0x18480] =	vst v63  }
0x40f: {  	v19 =	vadd.s32 v17, v19  }
0x410: {  	[tilespmem:s19], [sflag:$0x2] =	stream.indirect_vreg.gather [hbm4b:s8+s3], $0x80, v20, vm0, $0xb8;
	[tilespmem:$0x18480] =	vst v63  }
0x411: {  	_ = 	snop  }
0x412: {  	[tilespmem:s23], [sflag:$0x2] =	stream.indirect_vreg.gather [hbm4b:s9+s3], $0x80, v20, vm0, $0xb8;
	[tilespmem:$0x18480] =	vst v63  }
0x413: {  	_ = 	snop  }
0x414: {  	[tilespmem:s24], [sflag:$0x2] =	stream.indirect_vreg.gather [hbm4b:s1+s3], $0x80, v19, vm0, $0xb8;
	[tilespmem:$0x18480] =	vst v63  }
0x415: {  	_ = 	snop  }
0x416: {  	[tilespmem:s25], [sflag:$0x2] =	stream.indirect_vreg.gather [hbm4b:s6+s3], $0x80, v19, vm0, $0xb8;
	[tilespmem:$0x18480] =	vst v63  }
0x417: {  	_ = 	snop  }
0x418: {  	[tilespmem:s26], [sflag:$0x2] =	stream.indirect_vreg.gather [hbm4b:s8+s3], $0x80, v19, vm0, $0xb8;
	[tilespmem:$0x18480] =	vst v63  }
0x419: {  	s5 =	simm.s32 $0xBC80  }
0x41a: {  	[tilespmem:s5], [sflag:$0x2] =	stream.indirect_vreg.gather [hbm4b:s9+s3], $0x80, v19, vm0, $0xb8;
	[tilespmem:$0x18480] =	vst v63  }
0x41b: {  	v19 =	vld [tilespmem:$0x2F0];
	_ =	sdelay $0x4  }
0x41c: {  	v20 =	vshll.u32 v19, $0x3  }
0x41d: {  	v19 =	vand.u32 $0x7, v19;
	v20 =	vand.u32 $0xFFFFFFC0, v20  }
0x41e: {  	v19 =	vor.u32 v19, v20  }
0x41f: {  	v20 =	vperm.xlane v19, v16;
	_ =	sdelay $0x1  }
0x420: {  	v20 =	vadd.s32 v17, v20;
	_ =	sdelay $0x3  }
0x421: {  	s23 =	simm.s32 $0xC480  }
0x422: {  	[tilespmem:s23], [sflag:$0x2] =	stream.indirect_vreg.gather [hbm4b:s1+s3], $0x80, v20, vm0, $0xb8;
	[tilespmem:$0x18480] =	vst v63  }
0x423: {  	s19 =	simm.s32 $0xCC80;
	v19 =	vperm.xlane v19, v18  }
0x424: {  	[tilespmem:s19], [sflag:$0x2] =	stream.indirect_vreg.gather [hbm4b:s6+s3], $0x80, v20, vm0, $0xb8;
	[tilespmem:$0x18480] =	vst v63  }
0x425: {  	v19 =	vadd.s32 v17, v19  }
0x426: {  	[tilespmem:s28], [sflag:$0x2] =	stream.indirect_vreg.gather [hbm4b:s8+s3], $0x80, v20, vm0, $0xb8;
	[tilespmem:$0x18480] =	vst v63  }
0x427: {  	s25 =	simm.s32 $0xDC80  }
0x428: {  	[tilespmem:s25], [sflag:$0x2] =	stream.indirect_vreg.gather [hbm4b:s9+s3], $0x80, v20, vm0, $0xb8;
	[tilespmem:$0x18480] =	vst v63  }
0x429: {  	s26 =	simm.s32 $0xE480  }
0x42a: {  	[tilespmem:s26], [sflag:$0x2] =	stream.indirect_vreg.gather [hbm4b:s1+s3], $0x80, v19, vm0, $0xb8;
	[tilespmem:$0x18480] =	vst v63  }
0x42b: {  	s28 =	simm.s32 $0xEC80  }
0x42c: {  	[tilespmem:s28], [sflag:$0x2] =	stream.indirect_vreg.gather [hbm4b:s6+s3], $0x80, v19, vm0, $0xb8;
	[tilespmem:$0x18480] =	vst v63  }
0x42d: {  	s10 =	simm.s32 $0xF480  }
0x42e: {  	[tilespmem:s10], [sflag:$0x2] =	stream.indirect_vreg.gather [hbm4b:s8+s3], $0x80, v19, vm0, $0xb8;
	[tilespmem:$0x18480] =	vst v63  }
0x42f: {  	s4 =	simm.s32 $0xFC80  }
0x430: {  	[tilespmem:s4], [sflag:$0x2] =	stream.indirect_vreg.gather [hbm4b:s9+s3], $0x80, v19, vm0, $0xb8;
	[tilespmem:$0x18480] =	vst v63  }
0x431: {  	_ =	swait.ge [sflag:s14], $0x8000  }
0x432: {  	[sflag:s14] =	ssyncset.done $0x0  }
0x433: {  	s25 =	simm.s32 $0x10480;
	s24 =	rddreg [dreg:$0x18];
	[sflag:s14] =	ssyncadd.s32 $0xFFFF8000  }
0x434: {  	[hbm4b:s24+s3] =	stream.linear.scatter [tilespmem:s25], [sflag:$0x6], $0x8000, $0x38;
	[tilespmem:$0x18480] =	vst v63  }
0x435: {  	_ =	swait.ge [sflag:s0], $0x8000  }
0x436: {  	[sflag:s0] =	ssyncset.done $0x0  }
0x437: {  	[sflag:s0] =	ssyncadd.s32 $0xFFFF8000  }
0x438: {  	v19 =	vld [tilespmem:$0x300];
	_ =	sdelay $0x4  }
0x439: {  	v20 =	vshll.u32 v19, $0x3  }
0x43a: {  	v19 =	vand.u32 $0x7, v19;
	v20 =	vand.u32 $0xFFFFFFC0, v20  }
0x43b: {  	v19 =	vor.u32 v19, v20  }
0x43c: {  	v20 =	vperm.xlane v19, v16;
	_ =	sdelay $0x1  }
0x43d: {  	v20 =	vadd.s32 v17, v20;
	_ =	sdelay $0x4  }
0x43e: {  	[tilespmem:s25], [sflag:$0x3] =	stream.indirect_vreg.gather [hbm4b:s1+s3], $0x80, v20, vm0, $0xb8;
	[tilespmem:$0x18480] =	vst v63  }
0x43f: {  	s26 =	simm.s32 $0x10C80;
	v19 =	vperm.xlane v19, v18  }
0x440: {  	[tilespmem:s26], [sflag:$0x3] =	stream.indirect_vreg.gather [hbm4b:s6+s3], $0x80, v20, vm0, $0xb8;
	[tilespmem:$0x18480] =	vst v63  }
0x441: {  	s24 =	simm.s32 $0x11480;
	v19 =	vadd.s32 v17, v19  }
0x442: {  	[tilespmem:s24], [sflag:$0x3] =	stream.indirect_vreg.gather [hbm4b:s8+s3], $0x80, v20, vm0, $0xb8;
	[tilespmem:$0x18480] =	vst v63  }
0x443: {  	s28 =	simm.s32 $0x11C80  }
0x444: {  	[tilespmem:s28], [sflag:$0x3] =	stream.indirect_vreg.gather [hbm4b:s9+s3], $0x80, v20, vm0, $0xb8;
	[tilespmem:$0x18480] =	vst v63  }
0x445: {  	_ = 	snop  }
0x446: {  	[tilespmem:s2], [sflag:$0x3] =	stream.indirect_vreg.gather [hbm4b:s1+s3], $0x80, v19, vm0, $0xb8;
	[tilespmem:$0x18480] =	vst v63  }
0x447: {  	s25 =	simm.s32 $0x12C80  }
0x448: {  	[tilespmem:s25], [sflag:$0x3] =	stream.indirect_vreg.gather [hbm4b:s6+s3], $0x80, v19, vm0, $0xb8;
	[tilespmem:$0x18480] =	vst v63  }
0x449: {  	s26 =	simm.s32 $0x13480  }
0x44a: {  	[tilespmem:s26], [sflag:$0x3] =	stream.indirect_vreg.gather [hbm4b:s8+s3], $0x80, v19, vm0, $0xb8;
	[tilespmem:$0x18480] =	vst v63  }
0x44b: {  	_ = 	snop  }
0x44c: {  	[tilespmem:s20], [sflag:$0x3] =	stream.indirect_vreg.gather [hbm4b:s9+s3], $0x80, v19, vm0, $0xb8;
	[tilespmem:$0x18480] =	vst v63  }
0x44d: {  	v19 =	vld [tilespmem:$0x310];
	_ =	sdelay $0x4  }
0x44e: {  	v20 =	vshll.u32 v19, $0x3  }
0x44f: {  	v19 =	vand.u32 $0x7, v19;
	v20 =	vand.u32 $0xFFFFFFC0, v20  }
0x450: {  	v19 =	vor.u32 v19, v20  }
0x451: {  	v20 =	vperm.xlane v19, v16;
	_ =	sdelay $0x1  }
0x452: {  	v20 =	vadd.s32 v17, v20;
	_ =	sdelay $0x4  }
0x453: {  	[tilespmem:s21], [sflag:$0x3] =	stream.indirect_vreg.gather [hbm4b:s1+s3], $0x80, v20, vm0, $0xb8;
	[tilespmem:$0x18480] =	vst v63  }
0x454: {  	v19 =	vperm.xlane v19, v18  }
0x455: {  	[tilespmem:s22], [sflag:$0x3] =	stream.indirect_vreg.gather [hbm4b:s6+s3], $0x80, v20, vm0, $0xb8;
	[tilespmem:$0x18480] =	vst v63  }
0x456: {  	s28 =	simm.s32 $0x15480;
	v19 =	vadd.s32 v17, v19  }
0x457: {  	[tilespmem:s28], [sflag:$0x3] =	stream.indirect_vreg.gather [hbm4b:s8+s3], $0x80, v20, vm0, $0xb8;
	[tilespmem:$0x18480] =	vst v63  }
0x458: {  	_ = 	snop  }
0x459: {  	[tilespmem:s12], [sflag:$0x3] =	stream.indirect_vreg.gather [hbm4b:s9+s3], $0x80, v20, vm0, $0xb8;
	[tilespmem:$0x18480] =	vst v63  }
0x45a: {  	_ = 	snop  }
0x45b: {  	[tilespmem:s13], [sflag:$0x3] =	stream.indirect_vreg.gather [hbm4b:s1+s3], $0x80, v19, vm0, $0xb8;
	[tilespmem:$0x18480] =	vst v63  }
0x45c: {  	_ = 	snop  }
0x45d: {  	[tilespmem:s15], [sflag:$0x3] =	stream.indirect_vreg.gather [hbm4b:s6+s3], $0x80, v19, vm0, $0xb8;
	[tilespmem:$0x18480] =	vst v63  }
0x45e: {  	_ = 	snop  }
0x45f: {  	[tilespmem:s17], [sflag:$0x3] =	stream.indirect_vreg.gather [hbm4b:s8+s3], $0x80, v19, vm0, $0xb8;
	[tilespmem:$0x18480] =	vst v63  }
0x460: {  	_ = 	snop  }
0x461: {  	[tilespmem:s18], [sflag:$0x3] =	stream.indirect_vreg.gather [hbm4b:s9+s3], $0x80, v19, vm0, $0xb8;
	[tilespmem:$0x18480] =	vst v63  }
0x462: {  	_ =	swait.ge [sflag:s16], $0x8000  }
0x463: {  	[sflag:s16] =	ssyncset.done $0x0  }
0x464: {  	s12 =	simm.s32 $0x480;
	s2 =	rddreg [dreg:$0x19];
	[sflag:s16] =	ssyncadd.s32 $0xFFFF8000  }
0x465: {  	[hbm4b:s2+s3] =	stream.linear.scatter [tilespmem:s12], [sflag:$0x4], $0x8000, $0x38;
	[tilespmem:$0x18480] =	vst v63  }
0x466: {  	_ =	swait.ge [sflag:s29], $0x8000  }
0x467: {  	[sflag:s29] =	ssyncset.done $0x0  }
0x468: {  	[sflag:s29] =	ssyncadd.s32 $0xFFFF8000  }
0x469: {  	v19 =	vld [tilespmem:$0x320];
	_ =	sdelay $0x4  }
0x46a: {  	v20 =	vshll.u32 v19, $0x3  }
0x46b: {  	v19 =	vand.u32 $0x7, v19;
	v20 =	vand.u32 $0xFFFFFFC0, v20  }
0x46c: {  	v19 =	vor.u32 v19, v20  }
0x46d: {  	v20 =	vperm.xlane v19, v16;
	_ =	sdelay $0x1  }
0x46e: {  	v20 =	vadd.s32 v17, v20;
	_ =	sdelay $0x4  }
0x46f: {  	[tilespmem:s12], [sflag:$0x1] =	stream.indirect_vreg.gather [hbm4b:s1+s3], $0x80, v20, vm0, $0xb8;
	[tilespmem:$0x18480] =	vst v63  }
0x470: {  	s13 =	simm.s32 $0xC80;
	v19 =	vperm.xlane v19, v18  }
0x471: {  	[tilespmem:s13], [sflag:$0x1] =	stream.indirect_vreg.gather [hbm4b:s6+s3], $0x80, v20, vm0, $0xb8;
	[tilespmem:$0x18480] =	vst v63  }
0x472: {  	s2 =	simm.s32 $0x1480;
	v19 =	vadd.s32 v17, v19  }
0x473: {  	[tilespmem:s2], [sflag:$0x1] =	stream.indirect_vreg.gather [hbm4b:s8+s3], $0x80, v20, vm0, $0xb8;
	[tilespmem:$0x18480] =	vst v63  }
0x474: {  	_ = 	snop  }
0x475: {  	[tilespmem:s7], [sflag:$0x1] =	stream.indirect_vreg.gather [hbm4b:s9+s3], $0x80, v20, vm0, $0xb8;
	[tilespmem:$0x18480] =	vst v63  }
0x476: {  	s15 =	simm.s32 $0x2480  }
0x477: {  	[tilespmem:s15], [sflag:$0x1] =	stream.indirect_vreg.gather [hbm4b:s1+s3], $0x80, v19, vm0, $0xb8;
	[tilespmem:$0x18480] =	vst v63  }
0x478: {  	s17 =	simm.s32 $0x2C80  }
0x479: {  	[tilespmem:s17], [sflag:$0x1] =	stream.indirect_vreg.gather [hbm4b:s6+s3], $0x80, v19, vm0, $0xb8;
	[tilespmem:$0x18480] =	vst v63  }
0x47a: {  	s18 =	simm.s32 $0x3480  }
0x47b: {  	[tilespmem:s18], [sflag:$0x1] =	stream.indirect_vreg.gather [hbm4b:s8+s3], $0x80, v19, vm0, $0xb8;
	[tilespmem:$0x18480] =	vst v63  }
0x47c: {  	_ = 	snop  }
0x47d: {  	[tilespmem:s11], [sflag:$0x1] =	stream.indirect_vreg.gather [hbm4b:s9+s3], $0x80, v19, vm0, $0xb8;
	[tilespmem:$0x18480] =	vst v63  }
0x47e: {  	v19 =	vld [tilespmem:$0x330];
	_ =	sdelay $0x4  }
0x47f: {  	v20 =	vshll.u32 v19, $0x3  }
0x480: {  	v19 =	vand.u32 $0x7, v19;
	v20 =	vand.u32 $0xFFFFFFC0, v20  }
0x481: {  	v19 =	vor.u32 v19, v20  }
0x482: {  	v20 =	vperm.xlane v19, v16;
	_ =	sdelay $0x1  }
0x483: {  	v20 =	vadd.s32 v17, v20;
	_ =	sdelay $0x3  }
0x484: {  	s20 =	simm.s32 $0x4480  }
0x485: {  	[tilespmem:s20], [sflag:$0x1] =	stream.indirect_vreg.gather [hbm4b:s1+s3], $0x80, v20, vm0, $0xb8;
	[tilespmem:$0x18480] =	vst v63  }
0x486: {  	s21 =	simm.s32 $0x4C80;
	v19 =	vperm.xlane v19, v18  }
0x487: {  	[tilespmem:s21], [sflag:$0x1] =	stream.indirect_vreg.gather [hbm4b:s6+s3], $0x80, v20, vm0, $0xb8;
	[tilespmem:$0x18480] =	vst v63  }
0x488: {  	s28 =	simm.s32 $0x5480;
	v19 =	vadd.s32 v17, v19  }
0x489: {  	[tilespmem:s28], [sflag:$0x1] =	stream.indirect_vreg.gather [hbm4b:s8+s3], $0x80, v20, vm0, $0xb8;
	[tilespmem:$0x18480] =	vst v63  }
0x48a: {  	s10 =	simm.s32 $0x5C80  }
0x48b: {  	[tilespmem:s10], [sflag:$0x1] =	stream.indirect_vreg.gather [hbm4b:s9+s3], $0x80, v20, vm0, $0xb8;
	[tilespmem:$0x18480] =	vst v63  }
0x48c: {  	s11 =	simm.s32 $0x6480  }
0x48d: {  	[tilespmem:s11], [sflag:$0x1] =	stream.indirect_vreg.gather [hbm4b:s1+s3], $0x80, v19, vm0, $0xb8;
	[tilespmem:$0x18480] =	vst v63  }
0x48e: {  	s12 =	simm.s32 $0x6C80  }
0x48f: {  	[tilespmem:s12], [sflag:$0x1] =	stream.indirect_vreg.gather [hbm4b:s6+s3], $0x80, v19, vm0, $0xb8;
	[tilespmem:$0x18480] =	vst v63  }
0x490: {  	s13 =	simm.s32 $0x7480  }
0x491: {  	[tilespmem:s13], [sflag:$0x1] =	stream.indirect_vreg.gather [hbm4b:s8+s3], $0x80, v19, vm0, $0xb8;
	[tilespmem:$0x18480] =	vst v63  }
0x492: {  	s15 =	simm.s32 $0x7C80  }
0x493: {  	[tilespmem:s15], [sflag:$0x1] =	stream.indirect_vreg.gather [hbm4b:s9+s3], $0x80, v19, vm0, $0xb8;
	[tilespmem:$0x18480] =	vst v63  }
0x494: {  	_ =	swait.ge [sflag:s30], $0x8000  }
0x495: {  	[sflag:s30] =	ssyncset.done $0x0  }
0x496: {  	s18 =	simm.s32 $0x8480;
	s17 =	rddreg [dreg:$0x1a];
	[sflag:s30] =	ssyncadd.s32 $0xFFFF8000  }
0x497: {  	[hbm4b:s17+s3] =	stream.linear.scatter [tilespmem:s18], [sflag:$0x5], $0x8000, $0x38;
	[tilespmem:$0x18480] =	vst v63  }
0x498: {  	_ =	swait.ge [sflag:s31], $0x8000  }
0x499: {  	[sflag:s31] =	ssyncset.done $0x0  }
0x49a: {  	[sflag:s31] =	ssyncadd.s32 $0xFFFF8000  }
0x49b: {  	v19 =	vld [tilespmem:$0x340];
	_ =	sdelay $0x4  }
0x49c: {  	v20 =	vshll.u32 v19, $0x3  }
0x49d: {  	v19 =	vand.u32 $0x7, v19;
	v20 =	vand.u32 $0xFFFFFFC0, v20  }
0x49e: {  	v19 =	vor.u32 v19, v20  }
0x49f: {  	v20 =	vperm.xlane v19, v16;
	_ =	sdelay $0x1  }
0x4a0: {  	v20 =	vadd.s32 v17, v20;
	_ =	sdelay $0x4  }
0x4a1: {  	[tilespmem:s18], [sflag:$0x2] =	stream.indirect_vreg.gather [hbm4b:s1+s3], $0x80, v20, vm0, $0xb8;
	[tilespmem:$0x18480] =	vst v63  }
0x4a2: {  	s21 =	simm.s32 $0x8C80;
	v19 =	vperm.xlane v19, v18  }
0x4a3: {  	[tilespmem:s21], [sflag:$0x2] =	stream.indirect_vreg.gather [hbm4b:s6+s3], $0x80, v20, vm0, $0xb8;
	[tilespmem:$0x18480] =	vst v63  }
0x4a4: {  	s20 =	simm.s32 $0x9480;
	v19 =	vadd.s32 v17, v19  }
0x4a5: {  	[tilespmem:s20], [sflag:$0x2] =	stream.indirect_vreg.gather [hbm4b:s8+s3], $0x80, v20, vm0, $0xb8;
	[tilespmem:$0x18480] =	vst v63  }
0x4a6: {  	s12 =	simm.s32 $0x9C80  }
0x4a7: {  	[tilespmem:s12], [sflag:$0x2] =	stream.indirect_vreg.gather [hbm4b:s9+s3], $0x80, v20, vm0, $0xb8;
	[tilespmem:$0x18480] =	vst v63  }
0x4a8: {  	s13 =	simm.s32 $0xA480  }
0x4a9: {  	[tilespmem:s13], [sflag:$0x2] =	stream.indirect_vreg.gather [hbm4b:s1+s3], $0x80, v19, vm0, $0xb8;
	[tilespmem:$0x18480] =	vst v63  }
0x4aa: {  	s15 =	simm.s32 $0xAC80  }
0x4ab: {  	[tilespmem:s15], [sflag:$0x2] =	stream.indirect_vreg.gather [hbm4b:s6+s3], $0x80, v19, vm0, $0xb8;
	[tilespmem:$0x18480] =	vst v63  }
0x4ac: {  	s28 =	simm.s32 $0xB480  }
0x4ad: {  	[tilespmem:s28], [sflag:$0x2] =	stream.indirect_vreg.gather [hbm4b:s8+s3], $0x80, v19, vm0, $0xb8;
	[tilespmem:$0x18480] =	vst v63  }
0x4ae: {  	_ = 	snop  }
0x4af: {  	[tilespmem:s5], [sflag:$0x2] =	stream.indirect_vreg.gather [hbm4b:s9+s3], $0x80, v19, vm0, $0xb8;
	[tilespmem:$0x18480] =	vst v63  }
0x4b0: {  	v19 =	vld [tilespmem:$0x350];
	_ =	sdelay $0x4  }
0x4b1: {  	v20 =	vshll.u32 v19, $0x3  }
0x4b2: {  	v19 =	vand.u32 $0x7, v19;
	v20 =	vand.u32 $0xFFFFFFC0, v20  }
0x4b3: {  	v19 =	vor.u32 v19, v20  }
0x4b4: {  	v20 =	vperm.xlane v19, v16;
	_ =	sdelay $0x1  }
0x4b5: {  	v20 =	vadd.s32 v17, v20;
	_ =	sdelay $0x4  }
0x4b6: {  	[tilespmem:s23], [sflag:$0x2] =	stream.indirect_vreg.gather [hbm4b:s1+s3], $0x80, v20, vm0, $0xb8;
	[tilespmem:$0x18480] =	vst v63  }
0x4b7: {  	v19 =	vperm.xlane v19, v18  }
0x4b8: {  	[tilespmem:s19], [sflag:$0x2] =	stream.indirect_vreg.gather [hbm4b:s6+s3], $0x80, v20, vm0, $0xb8;
	[tilespmem:$0x18480] =	vst v63  }
0x4b9: {  	v19 =	vadd.s32 v17, v19;
	s23 =	simm.s32 $0xD480  }
0x4ba: {  	[tilespmem:s23], [sflag:$0x2] =	stream.indirect_vreg.gather [hbm4b:s8+s3], $0x80, v20, vm0, $0xb8;
	[tilespmem:$0x18480] =	vst v63  }
0x4bb: {  	s17 =	simm.s32 $0xDC80  }
0x4bc: {  	[tilespmem:s17], [sflag:$0x2] =	stream.indirect_vreg.gather [hbm4b:s9+s3], $0x80, v20, vm0, $0xb8;
	[tilespmem:$0x18480] =	vst v63  }
0x4bd: {  	s18 =	simm.s32 $0xE480  }
0x4be: {  	[tilespmem:s18], [sflag:$0x2] =	stream.indirect_vreg.gather [hbm4b:s1+s3], $0x80, v19, vm0, $0xb8;
	[tilespmem:$0x18480] =	vst v63  }
0x4bf: {  	s19 =	simm.s32 $0xEC80  }
0x4c0: {  	[tilespmem:s19], [sflag:$0x2] =	stream.indirect_vreg.gather [hbm4b:s6+s3], $0x80, v19, vm0, $0xb8;
	[tilespmem:$0x18480] =	vst v63  }
0x4c1: {  	s20 =	simm.s32 $0xF480  }
0x4c2: {  	[tilespmem:s20], [sflag:$0x2] =	stream.indirect_vreg.gather [hbm4b:s8+s3], $0x80, v19, vm0, $0xb8;
	[tilespmem:$0x18480] =	vst v63  }
0x4c3: {  	_ = 	snop  }
0x4c4: {  	[tilespmem:s4], [sflag:$0x2] =	stream.indirect_vreg.gather [hbm4b:s9+s3], $0x80, v19, vm0, $0xb8;
	[tilespmem:$0x18480] =	vst v63  }
0x4c5: {  	_ =	swait.ge [sflag:s14], $0x8000  }
0x4c6: {  	[sflag:s14] =	ssyncset.done $0x0  }
0x4c7: {  	s5 =	simm.s32 $0x10480;
	s4 =	rddreg [dreg:$0x1b];
	[sflag:s14] =	ssyncadd.s32 $0xFFFF8000  }
0x4c8: {  	[hbm4b:s4+s3] =	stream.linear.scatter [tilespmem:s5], [sflag:$0x6], $0x8000, $0x38;
	[tilespmem:$0x18480] =	vst v63  }
0x4c9: {  	_ =	swait.ge [sflag:s0], $0x8000  }
0x4ca: {  	[sflag:s0] =	ssyncset.done $0x0  }
0x4cb: {  	[sflag:s0] =	ssyncadd.s32 $0xFFFF8000  }
0x4cc: {  	v19 =	vld [tilespmem:$0x360];
	_ =	sdelay $0x4  }
0x4cd: {  	v20 =	vshll.u32 v19, $0x3  }
0x4ce: {  	v19 =	vand.u32 $0x7, v19;
	v20 =	vand.u32 $0xFFFFFFC0, v20  }
0x4cf: {  	v19 =	vor.u32 v19, v20  }
0x4d0: {  	v20 =	vperm.xlane v19, v16;
	_ =	sdelay $0x1  }
0x4d1: {  	v20 =	vadd.s32 v17, v20;
	_ =	sdelay $0x4  }
0x4d2: {  	[tilespmem:s5], [sflag:$0x3] =	stream.indirect_vreg.gather [hbm4b:s1+s3], $0x80, v20, vm0, $0xb8;
	[tilespmem:$0x18480] =	vst v63  }
0x4d3: {  	s7 =	simm.s32 $0x10C80;
	v19 =	vperm.xlane v19, v18  }
0x4d4: {  	[tilespmem:s7], [sflag:$0x3] =	stream.indirect_vreg.gather [hbm4b:s6+s3], $0x80, v20, vm0, $0xb8;
	[tilespmem:$0x18480] =	vst v63  }
0x4d5: {  	v19 =	vadd.s32 v17, v19  }
0x4d6: {  	[tilespmem:s24], [sflag:$0x3] =	stream.indirect_vreg.gather [hbm4b:s8+s3], $0x80, v20, vm0, $0xb8;
	[tilespmem:$0x18480] =	vst v63  }
0x4d7: {  	s24 =	simm.s32 $0x11C80  }
0x4d8: {  	[tilespmem:s24], [sflag:$0x3] =	stream.indirect_vreg.gather [hbm4b:s9+s3], $0x80, v20, vm0, $0xb8;
	[tilespmem:$0x18480] =	vst v63  }
0x4d9: {  	s10 =	simm.s32 $0x12480  }
0x4da: {  	[tilespmem:s10], [sflag:$0x3] =	stream.indirect_vreg.gather [hbm4b:s1+s3], $0x80, v19, vm0, $0xb8;
	[tilespmem:$0x18480] =	vst v63  }
0x4db: {  	s23 =	simm.s32 $0x12C80  }
0x4dc: {  	[tilespmem:s23], [sflag:$0x3] =	stream.indirect_vreg.gather [hbm4b:s6+s3], $0x80, v19, vm0, $0xb8;
	[tilespmem:$0x18480] =	vst v63  }
0x4dd: {  	s11 =	simm.s32 $0x13480  }
0x4de: {  	[tilespmem:s11], [sflag:$0x3] =	stream.indirect_vreg.gather [hbm4b:s8+s3], $0x80, v19, vm0, $0xb8;
	[tilespmem:$0x18480] =	vst v63  }
0x4df: {  	s25 =	simm.s32 $0x13C80  }
0x4e0: {  	[tilespmem:s25], [sflag:$0x3] =	stream.indirect_vreg.gather [hbm4b:s9+s3], $0x80, v19, vm0, $0xb8;
	[tilespmem:$0x18480] =	vst v63  }
0x4e1: {  	v19 =	vld [tilespmem:$0x370];
	_ =	sdelay $0x4  }
0x4e2: {  	v20 =	vshll.u32 v19, $0x3  }
0x4e3: {  	v19 =	vand.u32 $0x7, v19;
	v20 =	vand.u32 $0xFFFFFFC0, v20  }
0x4e4: {  	v19 =	vor.u32 v19, v20  }
0x4e5: {  	v20 =	vperm.xlane v19, v16;
	_ =	sdelay $0x1  }
0x4e6: {  	v20 =	vadd.s32 v17, v20;
	_ =	sdelay $0x3  }
0x4e7: {  	s26 =	simm.s32 $0x14480  }
0x4e8: {  	[tilespmem:s26], [sflag:$0x3] =	stream.indirect_vreg.gather [hbm4b:s1+s3], $0x80, v20, vm0, $0xb8;
	[tilespmem:$0x18480] =	vst v63  }
0x4e9: {  	s22 =	simm.s32 $0x14C80;
	v19 =	vperm.xlane v19, v18  }
0x4ea: {  	[tilespmem:s22], [sflag:$0x3] =	stream.indirect_vreg.gather [hbm4b:s6+s3], $0x80, v20, vm0, $0xb8;
	[tilespmem:$0x18480] =	vst v63  }
0x4eb: {  	v19 =	vadd.s32 v17, v19;
	s22 =	simm.s32 $0x15480  }
0x4ec: {  	[tilespmem:s22], [sflag:$0x3] =	stream.indirect_vreg.gather [hbm4b:s8+s3], $0x80, v20, vm0, $0xb8;
	[tilespmem:$0x18480] =	vst v63  }
0x4ed: {  	s25 =	simm.s32 $0x15C80  }
0x4ee: {  	[tilespmem:s25], [sflag:$0x3] =	stream.indirect_vreg.gather [hbm4b:s9+s3], $0x80, v20, vm0, $0xb8;
	[tilespmem:$0x18480] =	vst v63  }
0x4ef: {  	s26 =	simm.s32 $0x16480  }
0x4f0: {  	[tilespmem:s26], [sflag:$0x3] =	stream.indirect_vreg.gather [hbm4b:s1+s3], $0x80, v19, vm0, $0xb8;
	[tilespmem:$0x18480] =	vst v63  }
0x4f1: {  	s4 =	simm.s32 $0x16C80  }
0x4f2: {  	[tilespmem:s4], [sflag:$0x3] =	stream.indirect_vreg.gather [hbm4b:s6+s3], $0x80, v19, vm0, $0xb8;
	[tilespmem:$0x18480] =	vst v63  }
0x4f3: {  	s7 =	simm.s32 $0x17480  }
0x4f4: {  	[tilespmem:s7], [sflag:$0x3] =	stream.indirect_vreg.gather [hbm4b:s8+s3], $0x80, v19, vm0, $0xb8;
	[tilespmem:$0x18480] =	vst v63  }
0x4f5: {  	s11 =	simm.s32 $0x17C80  }
0x4f6: {  	[tilespmem:s11], [sflag:$0x3] =	stream.indirect_vreg.gather [hbm4b:s9+s3], $0x80, v19, vm0, $0xb8;
	[tilespmem:$0x18480] =	vst v63  }
0x4f7: {  	_ =	swait.ge [sflag:s16], $0x8000  }
0x4f8: {  	[sflag:s16] =	ssyncset.done $0x0  }
0x4f9: {  	s7 =	simm.s32 $0x480;
	s4 =	rddreg [dreg:$0x1c];
	[sflag:s16] =	ssyncadd.s32 $0xFFFF8000  }
0x4fa: {  	[hbm4b:s4+s3] =	stream.linear.scatter [tilespmem:s7], [sflag:$0x4], $0x8000, $0x38;
	[tilespmem:$0x18480] =	vst v63  }
0x4fb: {  	_ =	swait.ge [sflag:s29], $0x8000  }
0x4fc: {  	[sflag:s29] =	ssyncset.done $0x0  }
0x4fd: {  	[sflag:s29] =	ssyncadd.s32 $0xFFFF8000  }
0x4fe: {  	v19 =	vld [tilespmem:$0x380];
	_ =	sdelay $0x4  }
0x4ff: {  	v20 =	vshll.u32 v19, $0x3  }
0x500: {  	v19 =	vand.u32 $0x7, v19;
	v20 =	vand.u32 $0xFFFFFFC0, v20  }
0x501: {  	v19 =	vor.u32 v19, v20  }
0x502: {  	v20 =	vperm.xlane v19, v16;
	_ =	sdelay $0x1  }
0x503: {  	v20 =	vadd.s32 v17, v20;
	_ =	sdelay $0x4  }
0x504: {  	[tilespmem:s7], [sflag:$0x1] =	stream.indirect_vreg.gather [hbm4b:s1+s3], $0x80, v20, vm0, $0xb8;
	[tilespmem:$0x18480] =	vst v63  }
0x505: {  	s11 =	simm.s32 $0xC80;
	v19 =	vperm.xlane v19, v18  }
0x506: {  	[tilespmem:s11], [sflag:$0x1] =	stream.indirect_vreg.gather [hbm4b:s6+s3], $0x80, v20, vm0, $0xb8;
	[tilespmem:$0x18480] =	vst v63  }
0x507: {  	v19 =	vadd.s32 v17, v19  }
0x508: {  	[tilespmem:s2], [sflag:$0x1] =	stream.indirect_vreg.gather [hbm4b:s8+s3], $0x80, v20, vm0, $0xb8;
	[tilespmem:$0x18480] =	vst v63  }
0x509: {  	s4 =	simm.s32 $0x1C80  }
0x50a: {  	[tilespmem:s4], [sflag:$0x1] =	stream.indirect_vreg.gather [hbm4b:s9+s3], $0x80, v20, vm0, $0xb8;
	[tilespmem:$0x18480] =	vst v63  }
0x50b: {  	s10 =	simm.s32 $0x2480  }
0x50c: {  	[tilespmem:s10], [sflag:$0x1] =	stream.indirect_vreg.gather [hbm4b:s1+s3], $0x80, v19, vm0, $0xb8;
	[tilespmem:$0x18480] =	vst v63  }
0x50d: {  	s11 =	simm.s32 $0x2C80  }
0x50e: {  	[tilespmem:s11], [sflag:$0x1] =	stream.indirect_vreg.gather [hbm4b:s6+s3], $0x80, v19, vm0, $0xb8;
	[tilespmem:$0x18480] =	vst v63  }
0x50f: {  	s10 =	simm.s32 $0x3480  }
0x510: {  	[tilespmem:s10], [sflag:$0x1] =	stream.indirect_vreg.gather [hbm4b:s8+s3], $0x80, v19, vm0, $0xb8;
	[tilespmem:$0x18480] =	vst v63  }
0x511: {  	s11 =	simm.s32 $0x3C80  }
0x512: {  	[tilespmem:s11], [sflag:$0x1] =	stream.indirect_vreg.gather [hbm4b:s9+s3], $0x80, v19, vm0, $0xb8;
	[tilespmem:$0x18480] =	vst v63  }
0x513: {  	v19 =	vld [tilespmem:$0x390];
	_ =	sdelay $0x4  }
0x514: {  	v20 =	vshll.u32 v19, $0x3  }
0x515: {  	v19 =	vand.u32 $0x7, v19;
	v20 =	vand.u32 $0xFFFFFFC0, v20  }
0x516: {  	v19 =	vor.u32 v19, v20  }
0x517: {  	v20 =	vperm.xlane v19, v16;
	_ =	sdelay $0x1  }
0x518: {  	v20 =	vadd.s32 v17, v20;
	_ =	sdelay $0x3  }
0x519: {  	s10 =	simm.s32 $0x4480  }
0x51a: {  	[tilespmem:s10], [sflag:$0x1] =	stream.indirect_vreg.gather [hbm4b:s1+s3], $0x80, v20, vm0, $0xb8;
	[tilespmem:$0x18480] =	vst v63  }
0x51b: {  	s11 =	simm.s32 $0x4C80;
	v19 =	vperm.xlane v19, v18  }
0x51c: {  	[tilespmem:s11], [sflag:$0x1] =	stream.indirect_vreg.gather [hbm4b:s6+s3], $0x80, v20, vm0, $0xb8;
	[tilespmem:$0x18480] =	vst v63  }
0x51d: {  	v19 =	vadd.s32 v17, v19;
	s10 =	simm.s32 $0x5480  }
0x51e: {  	[tilespmem:s10], [sflag:$0x1] =	stream.indirect_vreg.gather [hbm4b:s8+s3], $0x80, v20, vm0, $0xb8;
	[tilespmem:$0x18480] =	vst v63  }
0x51f: {  	s11 =	simm.s32 $0x5C80  }
0x520: {  	[tilespmem:s11], [sflag:$0x1] =	stream.indirect_vreg.gather [hbm4b:s9+s3], $0x80, v20, vm0, $0xb8;
	[tilespmem:$0x18480] =	vst v63  }
0x521: {  	s10 =	simm.s32 $0x6480  }
0x522: {  	[tilespmem:s10], [sflag:$0x1] =	stream.indirect_vreg.gather [hbm4b:s1+s3], $0x80, v19, vm0, $0xb8;
	[tilespmem:$0x18480] =	vst v63  }
0x523: {  	s11 =	simm.s32 $0x6C80  }
0x524: {  	[tilespmem:s11], [sflag:$0x1] =	stream.indirect_vreg.gather [hbm4b:s6+s3], $0x80, v19, vm0, $0xb8;
	[tilespmem:$0x18480] =	vst v63  }
0x525: {  	s10 =	simm.s32 $0x7480  }
0x526: {  	[tilespmem:s10], [sflag:$0x1] =	stream.indirect_vreg.gather [hbm4b:s8+s3], $0x80, v19, vm0, $0xb8;
	[tilespmem:$0x18480] =	vst v63  }
0x527: {  	s11 =	simm.s32 $0x7C80  }
0x528: {  	[tilespmem:s11], [sflag:$0x1] =	stream.indirect_vreg.gather [hbm4b:s9+s3], $0x80, v19, vm0, $0xb8;
	[tilespmem:$0x18480] =	vst v63  }
0x529: {  	_ =	swait.ge [sflag:s30], $0x8000  }
0x52a: {  	[sflag:s30] =	ssyncset.done $0x0  }
0x52b: {  	s11 =	simm.s32 $0x8480;
	s2 =	rddreg [dreg:$0x1d];
	[sflag:s30] =	ssyncadd.s32 $0xFFFF8000  }
0x52c: {  	[hbm4b:s2+s3] =	stream.linear.scatter [tilespmem:s11], [sflag:$0x5], $0x8000, $0x38;
	[tilespmem:$0x18480] =	vst v63  }
0x52d: {  	_ =	swait.ge [sflag:s31], $0x8000  }
0x52e: {  	[sflag:s31] =	ssyncset.done $0x0  }
0x52f: {  	[sflag:s31] =	ssyncadd.s32 $0xFFFF8000  }
0x530: {  	v19 =	vld [tilespmem:$0x3A0];
	_ =	sdelay $0x4  }
0x531: {  	v20 =	vshll.u32 v19, $0x3  }
0x532: {  	v19 =	vand.u32 $0x7, v19;
	v20 =	vand.u32 $0xFFFFFFC0, v20  }
0x533: {  	v19 =	vor.u32 v19, v20  }
0x534: {  	v20 =	vperm.xlane v19, v16;
	_ =	sdelay $0x1  }
0x535: {  	v20 =	vadd.s32 v17, v20;
	_ =	sdelay $0x4  }
0x536: {  	[tilespmem:s11], [sflag:$0x2] =	stream.indirect_vreg.gather [hbm4b:s1+s3], $0x80, v20, vm0, $0xb8;
	[tilespmem:$0x18480] =	vst v63  }
0x537: {  	v19 =	vperm.xlane v19, v18  }
0x538: {  	[tilespmem:s21], [sflag:$0x2] =	stream.indirect_vreg.gather [hbm4b:s6+s3], $0x80, v20, vm0, $0xb8;
	[tilespmem:$0x18480] =	vst v63  }
0x539: {  	v19 =	vadd.s32 v17, v19;
	s11 =	simm.s32 $0x9480  }
0x53a: {  	[tilespmem:s11], [sflag:$0x2] =	stream.indirect_vreg.gather [hbm4b:s8+s3], $0x80, v20, vm0, $0xb8;
	[tilespmem:$0x18480] =	vst v63  }
0x53b: {  	_ = 	snop  }
0x53c: {  	[tilespmem:s12], [sflag:$0x2] =	stream.indirect_vreg.gather [hbm4b:s9+s3], $0x80, v20, vm0, $0xb8;
	[tilespmem:$0x18480] =	vst v63  }
0x53d: {  	_ = 	snop  }
0x53e: {  	[tilespmem:s13], [sflag:$0x2] =	stream.indirect_vreg.gather [hbm4b:s1+s3], $0x80, v19, vm0, $0xb8;
	[tilespmem:$0x18480] =	vst v63  }
0x53f: {  	_ = 	snop  }
0x540: {  	[tilespmem:s15], [sflag:$0x2] =	stream.indirect_vreg.gather [hbm4b:s6+s3], $0x80, v19, vm0, $0xb8;
	[tilespmem:$0x18480] =	vst v63  }
0x541: {  	_ = 	snop  }
0x542: {  	[tilespmem:s28], [sflag:$0x2] =	stream.indirect_vreg.gather [hbm4b:s8+s3], $0x80, v19, vm0, $0xb8;
	[tilespmem:$0x18480] =	vst v63  }
0x543: {  	s11 =	simm.s32 $0xBC80  }
0x544: {  	[tilespmem:s11], [sflag:$0x2] =	stream.indirect_vreg.gather [hbm4b:s9+s3], $0x80, v19, vm0, $0xb8;
	[tilespmem:$0x18480] =	vst v63  }
0x545: {  	v19 =	vld [tilespmem:$0x3B0];
	_ =	sdelay $0x4  }
0x546: {  	v20 =	vshll.u32 v19, $0x3  }
0x547: {  	v19 =	vand.u32 $0x7, v19;
	v20 =	vand.u32 $0xFFFFFFC0, v20  }
0x548: {  	v19 =	vor.u32 v19, v20  }
0x549: {  	v20 =	vperm.xlane v19, v16;
	_ =	sdelay $0x1  }
0x54a: {  	v20 =	vadd.s32 v17, v20;
	_ =	sdelay $0x3  }
0x54b: {  	s13 =	simm.s32 $0xC480  }
0x54c: {  	[tilespmem:s13], [sflag:$0x2] =	stream.indirect_vreg.gather [hbm4b:s1+s3], $0x80, v20, vm0, $0xb8;
	[tilespmem:$0x18480] =	vst v63  }
0x54d: {  	s12 =	simm.s32 $0xCC80;
	v19 =	vperm.xlane v19, v18  }
0x54e: {  	[tilespmem:s12], [sflag:$0x2] =	stream.indirect_vreg.gather [hbm4b:s6+s3], $0x80, v20, vm0, $0xb8;
	[tilespmem:$0x18480] =	vst v63  }
0x54f: {  	s15 =	simm.s32 $0xD480;
	v19 =	vadd.s32 v17, v19  }
0x550: {  	[tilespmem:s15], [sflag:$0x2] =	stream.indirect_vreg.gather [hbm4b:s8+s3], $0x80, v20, vm0, $0xb8;
	[tilespmem:$0x18480] =	vst v63  }
0x551: {  	_ = 	snop  }
0x552: {  	[tilespmem:s17], [sflag:$0x2] =	stream.indirect_vreg.gather [hbm4b:s9+s3], $0x80, v20, vm0, $0xb8;
	[tilespmem:$0x18480] =	vst v63  }
0x553: {  	_ = 	snop  }
0x554: {  	[tilespmem:s18], [sflag:$0x2] =	stream.indirect_vreg.gather [hbm4b:s1+s3], $0x80, v19, vm0, $0xb8;
	[tilespmem:$0x18480] =	vst v63  }
0x555: {  	_ = 	snop  }
0x556: {  	[tilespmem:s19], [sflag:$0x2] =	stream.indirect_vreg.gather [hbm4b:s6+s3], $0x80, v19, vm0, $0xb8;
	[tilespmem:$0x18480] =	vst v63  }
0x557: {  	_ = 	snop  }
0x558: {  	[tilespmem:s20], [sflag:$0x2] =	stream.indirect_vreg.gather [hbm4b:s8+s3], $0x80, v19, vm0, $0xb8;
	[tilespmem:$0x18480] =	vst v63  }
0x559: {  	s2 =	simm.s32 $0xFC80  }
0x55a: {  	[tilespmem:s2], [sflag:$0x2] =	stream.indirect_vreg.gather [hbm4b:s9+s3], $0x80, v19, vm0, $0xb8;
	[tilespmem:$0x18480] =	vst v63  }
0x55b: {  	_ =	swait.ge [sflag:s14], $0x8000  }
0x55c: {  	[sflag:s14] =	ssyncset.done $0x0  }
0x55d: {  	s5 =	simm.s32 $0x10480;
	s20 =	rddreg [dreg:$0x1e];
	[sflag:s14] =	ssyncadd.s32 $0xFFFF8000  }
0x55e: {  	[hbm4b:s20+s3] =	stream.linear.scatter [tilespmem:s5], [sflag:$0x6], $0x8000, $0x38;
	[tilespmem:$0x18480] =	vst v63  }
0x55f: {  	_ =	swait.ge [sflag:s0], $0x8000  }
0x560: {  	[sflag:s0] =	ssyncset.done $0x0  }
0x561: {  	[sflag:s0] =	ssyncadd.s32 $0xFFFF8000  }
0x562: {  	v19 =	vld [tilespmem:$0x3C0];
	_ =	sdelay $0x4  }
0x563: {  	v20 =	vshll.u32 v19, $0x3  }
0x564: {  	v19 =	vand.u32 $0x7, v19;
	v20 =	vand.u32 $0xFFFFFFC0, v20  }
0x565: {  	v19 =	vor.u32 v19, v20  }
0x566: {  	v20 =	vperm.xlane v19, v16;
	_ =	sdelay $0x1  }
0x567: {  	v20 =	vadd.s32 v17, v20;
	_ =	sdelay $0x4  }
0x568: {  	[tilespmem:s5], [sflag:$0x3] =	stream.indirect_vreg.gather [hbm4b:s1+s3], $0x80, v20, vm0, $0xb8;
	[tilespmem:$0x18480] =	vst v63  }
0x569: {  	s21 =	simm.s32 $0x10C80;
	v19 =	vperm.xlane v19, v18  }
0x56a: {  	[tilespmem:s21], [sflag:$0x3] =	stream.indirect_vreg.gather [hbm4b:s6+s3], $0x80, v20, vm0, $0xb8;
	[tilespmem:$0x18480] =	vst v63  }
0x56b: {  	s28 =	simm.s32 $0x11480;
	v19 =	vadd.s32 v17, v19  }
0x56c: {  	[tilespmem:s28], [sflag:$0x3] =	stream.indirect_vreg.gather [hbm4b:s8+s3], $0x80, v20, vm0, $0xb8;
	[tilespmem:$0x18480] =	vst v63  }
0x56d: {  	_ = 	snop  }
0x56e: {  	[tilespmem:s24], [sflag:$0x3] =	stream.indirect_vreg.gather [hbm4b:s9+s3], $0x80, v20, vm0, $0xb8;
	[tilespmem:$0x18480] =	vst v63  }
0x56f: {  	s10 =	simm.s32 $0x12480  }
0x570: {  	[tilespmem:s10], [sflag:$0x3] =	stream.indirect_vreg.gather [hbm4b:s1+s3], $0x80, v19, vm0, $0xb8;
	[tilespmem:$0x18480] =	vst v63  }
0x571: {  	_ = 	snop  }
0x572: {  	[tilespmem:s23], [sflag:$0x3] =	stream.indirect_vreg.gather [hbm4b:s6+s3], $0x80, v19, vm0, $0xb8;
	[tilespmem:$0x18480] =	vst v63  }
0x573: {  	s17 =	simm.s32 $0x13480  }
0x574: {  	[tilespmem:s17], [sflag:$0x3] =	stream.indirect_vreg.gather [hbm4b:s8+s3], $0x80, v19, vm0, $0xb8;
	[tilespmem:$0x18480] =	vst v63  }
0x575: {  	s18 =	simm.s32 $0x13C80  }
0x576: {  	[tilespmem:s18], [sflag:$0x3] =	stream.indirect_vreg.gather [hbm4b:s9+s3], $0x80, v19, vm0, $0xb8;
	[tilespmem:$0x18480] =	vst v63  }
0x577: {  	v19 =	vld [tilespmem:$0x3D0];
	_ =	sdelay $0x4  }
0x578: {  	v20 =	vshll.u32 v19, $0x3  }
0x579: {  	v19 =	vand.u32 $0x7, v19;
	v20 =	vand.u32 $0xFFFFFFC0, v20  }
0x57a: {  	v19 =	vor.u32 v19, v20  }
0x57b: {  	v20 =	vperm.xlane v19, v16;
	_ =	sdelay $0x1  }
0x57c: {  	v20 =	vadd.s32 v17, v20;
	_ =	sdelay $0x3  }
0x57d: {  	s21 =	simm.s32 $0x14480  }
0x57e: {  	[tilespmem:s21], [sflag:$0x3] =	stream.indirect_vreg.gather [hbm4b:s1+s3], $0x80, v20, vm0, $0xb8;
	[tilespmem:$0x18480] =	vst v63  }
0x57f: {  	s23 =	simm.s32 $0x14C80;
	v19 =	vperm.xlane v19, v18  }
0x580: {  	[tilespmem:s23], [sflag:$0x3] =	stream.indirect_vreg.gather [hbm4b:s6+s3], $0x80, v20, vm0, $0xb8;
	[tilespmem:$0x18480] =	vst v63  }
0x581: {  	v19 =	vadd.s32 v17, v19  }
0x582: {  	[tilespmem:s22], [sflag:$0x3] =	stream.indirect_vreg.gather [hbm4b:s8+s3], $0x80, v20, vm0, $0xb8;
	[tilespmem:$0x18480] =	vst v63  }
0x583: {  	_ = 	snop  }
0x584: {  	[tilespmem:s25], [sflag:$0x3] =	stream.indirect_vreg.gather [hbm4b:s9+s3], $0x80, v20, vm0, $0xb8;
	[tilespmem:$0x18480] =	vst v63  }
0x585: {  	_ = 	snop  }
0x586: {  	[tilespmem:s26], [sflag:$0x3] =	stream.indirect_vreg.gather [hbm4b:s1+s3], $0x80, v19, vm0, $0xb8;
	[tilespmem:$0x18480] =	vst v63  }
0x587: {  	s28 =	simm.s32 $0x16C80  }
0x588: {  	[tilespmem:s28], [sflag:$0x3] =	stream.indirect_vreg.gather [hbm4b:s6+s3], $0x80, v19, vm0, $0xb8;
	[tilespmem:$0x18480] =	vst v63  }
0x589: {  	s5 =	simm.s32 $0x17480  }
0x58a: {  	[tilespmem:s5], [sflag:$0x3] =	stream.indirect_vreg.gather [hbm4b:s8+s3], $0x80, v19, vm0, $0xb8;
	[tilespmem:$0x18480] =	vst v63  }
0x58b: {  	s17 =	simm.s32 $0x17C80  }
0x58c: {  	[tilespmem:s17], [sflag:$0x3] =	stream.indirect_vreg.gather [hbm4b:s9+s3], $0x80, v19, vm0, $0xb8;
	[tilespmem:$0x18480] =	vst v63  }
0x58d: {  	_ =	swait.ge [sflag:s16], $0x8000  }
0x58e: {  	[sflag:s16] =	ssyncset.done $0x0  }
0x58f: {  	s7 =	simm.s32 $0x480;
	s18 =	rddreg [dreg:$0x1f];
	[sflag:s16] =	ssyncadd.s32 $0xFFFF8000  }
0x590: {  	[hbm4b:s18+s3] =	stream.linear.scatter [tilespmem:s7], [sflag:$0x4], $0x8000, $0x38;
	[tilespmem:$0x18480] =	vst v63  }
0x591: {  	_ =	swait.ge [sflag:s29], $0x8000  }
0x592: {  	[sflag:s29] =	ssyncset.done $0x0  }
0x593: {  	[sflag:s29] =	ssyncadd.s32 $0xFFFF8000  }
0x594: {  	v19 =	vld [tilespmem:$0x3E0];
	_ =	sdelay $0x4  }
0x595: {  	v20 =	vshll.u32 v19, $0x3  }
0x596: {  	v19 =	vand.u32 $0x7, v19;
	v20 =	vand.u32 $0xFFFFFFC0, v20  }
0x597: {  	v19 =	vor.u32 v19, v20  }
0x598: {  	v20 =	vperm.xlane v19, v16;
	_ =	sdelay $0x1  }
0x599: {  	v20 =	vadd.s32 v17, v20;
	_ =	sdelay $0x4  }
0x59a: {  	[tilespmem:s7], [sflag:$0x1] =	stream.indirect_vreg.gather [hbm4b:s1+s3], $0x80, v20, vm0, $0xb8;
	[tilespmem:$0x18480] =	vst v63  }
0x59b: {  	s21 =	simm.s32 $0xC80;
	v19 =	vperm.xlane v19, v18  }
0x59c: {  	[tilespmem:s21], [sflag:$0x1] =	stream.indirect_vreg.gather [hbm4b:s6+s3], $0x80, v20, vm0, $0xb8;
	[tilespmem:$0x18480] =	vst v63  }
0x59d: {  	s10 =	simm.s32 $0x1480;
	v19 =	vadd.s32 v17, v19  }
0x59e: {  	[tilespmem:s10], [sflag:$0x1] =	stream.indirect_vreg.gather [hbm4b:s8+s3], $0x80, v20, vm0, $0xb8;
	[tilespmem:$0x18480] =	vst v63  }
0x59f: {  	_ = 	snop  }
0x5a0: {  	[tilespmem:s4], [sflag:$0x1] =	stream.indirect_vreg.gather [hbm4b:s9+s3], $0x80, v20, vm0, $0xb8;
	[tilespmem:$0x18480] =	vst v63  }
0x5a1: {  	s17 =	simm.s32 $0x2480  }
0x5a2: {  	[tilespmem:s17], [sflag:$0x1] =	stream.indirect_vreg.gather [hbm4b:s1+s3], $0x80, v19, vm0, $0xb8;
	[tilespmem:$0x18480] =	vst v63  }
0x5a3: {  	s18 =	simm.s32 $0x2C80  }
0x5a4: {  	[tilespmem:s18], [sflag:$0x1] =	stream.indirect_vreg.gather [hbm4b:s6+s3], $0x80, v19, vm0, $0xb8;
	[tilespmem:$0x18480] =	vst v63  }
0x5a5: {  	s4 =	simm.s32 $0x3480  }
0x5a6: {  	[tilespmem:s4], [sflag:$0x1] =	stream.indirect_vreg.gather [hbm4b:s8+s3], $0x80, v19, vm0, $0xb8;
	[tilespmem:$0x18480] =	vst v63  }
0x5a7: {  	s10 =	simm.s32 $0x3C80  }
0x5a8: {  	[tilespmem:s10], [sflag:$0x1] =	stream.indirect_vreg.gather [hbm4b:s9+s3], $0x80, v19, vm0, $0xb8;
	[tilespmem:$0x18480] =	vst v63  }
0x5a9: {  	v19 =	vld [tilespmem:$0x3F0];
	_ =	sdelay $0x4  }
0x5aa: {  	v20 =	vshll.u32 v19, $0x3  }
0x5ab: {  	v19 =	vand.u32 $0x7, v19;
	v20 =	vand.u32 $0xFFFFFFC0, v20  }
0x5ac: {  	v19 =	vor.u32 v19, v20  }
0x5ad: {  	v20 =	vperm.xlane v19, v16;
	_ =	sdelay $0x1  }
0x5ae: {  	v20 =	vadd.s32 v17, v20;
	_ =	sdelay $0x3  }
0x5af: {  	s17 =	simm.s32 $0x4480  }
0x5b0: {  	[tilespmem:s17], [sflag:$0x1] =	stream.indirect_vreg.gather [hbm4b:s1+s3], $0x80, v20, vm0, $0xb8;
	[tilespmem:$0x18480] =	vst v63  }
0x5b1: {  	s18 =	simm.s32 $0x4C80;
	v19 =	vperm.xlane v19, v18  }
0x5b2: {  	[tilespmem:s18], [sflag:$0x1] =	stream.indirect_vreg.gather [hbm4b:s6+s3], $0x80, v20, vm0, $0xb8;
	[tilespmem:$0x18480] =	vst v63  }
0x5b3: {  	s4 =	simm.s32 $0x5480;
	v19 =	vadd.s32 v17, v19  }
0x5b4: {  	[tilespmem:s4], [sflag:$0x1] =	stream.indirect_vreg.gather [hbm4b:s8+s3], $0x80, v20, vm0, $0xb8;
	[tilespmem:$0x18480] =	vst v63  }
0x5b5: {  	s4 =	simm.s32 $0x5C80  }
0x5b6: {  	[tilespmem:s4], [sflag:$0x1] =	stream.indirect_vreg.gather [hbm4b:s9+s3], $0x80, v20, vm0, $0xb8;
	[tilespmem:$0x18480] =	vst v63  }
0x5b7: {  	s4 =	simm.s32 $0x6480  }
0x5b8: {  	[tilespmem:s4], [sflag:$0x1] =	stream.indirect_vreg.gather [hbm4b:s1+s3], $0x80, v19, vm0, $0xb8;
	[tilespmem:$0x18480] =	vst v63  }
0x5b9: {  	s4 =	simm.s32 $0x6C80  }
0x5ba: {  	[tilespmem:s4], [sflag:$0x1] =	stream.indirect_vreg.gather [hbm4b:s6+s3], $0x80, v19, vm0, $0xb8;
	[tilespmem:$0x18480] =	vst v63  }
0x5bb: {  	s4 =	simm.s32 $0x7480  }
0x5bc: {  	[tilespmem:s4], [sflag:$0x1] =	stream.indirect_vreg.gather [hbm4b:s8+s3], $0x80, v19, vm0, $0xb8;
	[tilespmem:$0x18480] =	vst v63  }
0x5bd: {  	s4 =	simm.s32 $0x7C80  }
0x5be: {  	[tilespmem:s4], [sflag:$0x1] =	stream.indirect_vreg.gather [hbm4b:s9+s3], $0x80, v19, vm0, $0xb8;
	[tilespmem:$0x18480] =	vst v63  }
0x5bf: {  	_ =	swait.ge [sflag:s30], $0x8000  }
0x5c0: {  	s10 =	sld [smem:$0x7F7]  }
0x5c1: {  	[sflag:s30] =	ssyncset.done $0x0  }
0x5c2: {  	s4 =	simm.s32 $0x8480;
	[sflag:s30] =	ssyncadd.s32 $0xFFFF8000  }
0x5c3: {  	[hbm4b:s10+s3] =	stream.linear.scatter [tilespmem:s4], [sflag:$0x5], $0x8000, $0x38;
	[tilespmem:$0x18480] =	vst v63  }
0x5c4: {  	_ =	swait.ge [sflag:s31], $0x8000  }
0x5c5: {  	[sflag:s31] =	ssyncset.done $0x0  }
0x5c6: {  	[sflag:s31] =	ssyncadd.s32 $0xFFFF8000  }
0x5c7: {  	v19 =	vld [tilespmem:$0x400];
	_ =	sdelay $0x4  }
0x5c8: {  	v20 =	vshll.u32 v19, $0x3  }
0x5c9: {  	v19 =	vand.u32 $0x7, v19;
	v20 =	vand.u32 $0xFFFFFFC0, v20  }
0x5ca: {  	v19 =	vor.u32 v19, v20  }
0x5cb: {  	v20 =	vperm.xlane v19, v16;
	_ =	sdelay $0x1  }
0x5cc: {  	v20 =	vadd.s32 v17, v20;
	_ =	sdelay $0x4  }
0x5cd: {  	[tilespmem:s4], [sflag:$0x2] =	stream.indirect_vreg.gather [hbm4b:s1+s3], $0x80, v20, vm0, $0xb8;
	[tilespmem:$0x18480] =	vst v63  }
0x5ce: {  	s10 =	simm.s32 $0x8C80;
	v19 =	vperm.xlane v19, v18  }
0x5cf: {  	[tilespmem:s10], [sflag:$0x2] =	stream.indirect_vreg.gather [hbm4b:s6+s3], $0x80, v20, vm0, $0xb8;
	[tilespmem:$0x18480] =	vst v63  }
0x5d0: {  	v19 =	vadd.s32 v17, v19;
	s10 =	simm.s32 $0x9480  }
0x5d1: {  	[tilespmem:s10], [sflag:$0x2] =	stream.indirect_vreg.gather [hbm4b:s8+s3], $0x80, v20, vm0, $0xb8;
	[tilespmem:$0x18480] =	vst v63  }
0x5d2: {  	s10 =	simm.s32 $0x9C80  }
0x5d3: {  	[tilespmem:s10], [sflag:$0x2] =	stream.indirect_vreg.gather [hbm4b:s9+s3], $0x80, v20, vm0, $0xb8;
	[tilespmem:$0x18480] =	vst v63  }
0x5d4: {  	s10 =	simm.s32 $0xA480  }
0x5d5: {  	[tilespmem:s10], [sflag:$0x2] =	stream.indirect_vreg.gather [hbm4b:s1+s3], $0x80, v19, vm0, $0xb8;
	[tilespmem:$0x18480] =	vst v63  }
0x5d6: {  	s10 =	simm.s32 $0xAC80  }
0x5d7: {  	[tilespmem:s10], [sflag:$0x2] =	stream.indirect_vreg.gather [hbm4b:s6+s3], $0x80, v19, vm0, $0xb8;
	[tilespmem:$0x18480] =	vst v63  }
0x5d8: {  	s10 =	simm.s32 $0xB480  }
0x5d9: {  	[tilespmem:s10], [sflag:$0x2] =	stream.indirect_vreg.gather [hbm4b:s8+s3], $0x80, v19, vm0, $0xb8;
	[tilespmem:$0x18480] =	vst v63  }
0x5da: {  	_ = 	snop  }
0x5db: {  	[tilespmem:s11], [sflag:$0x2] =	stream.indirect_vreg.gather [hbm4b:s9+s3], $0x80, v19, vm0, $0xb8;
	[tilespmem:$0x18480] =	vst v63  }
0x5dc: {  	v19 =	vld [tilespmem:$0x410];
	_ =	sdelay $0x4  }
0x5dd: {  	v20 =	vshll.u32 v19, $0x3  }
0x5de: {  	v19 =	vand.u32 $0x7, v19;
	v20 =	vand.u32 $0xFFFFFFC0, v20  }
0x5df: {  	v19 =	vor.u32 v19, v20  }
0x5e0: {  	v20 =	vperm.xlane v19, v16;
	_ =	sdelay $0x1  }
0x5e1: {  	v20 =	vadd.s32 v17, v20;
	_ =	sdelay $0x4  }
0x5e2: {  	[tilespmem:s13], [sflag:$0x2] =	stream.indirect_vreg.gather [hbm4b:s1+s3], $0x80, v20, vm0, $0xb8;
	[tilespmem:$0x18480] =	vst v63  }
0x5e3: {  	v19 =	vperm.xlane v19, v18  }
0x5e4: {  	[tilespmem:s12], [sflag:$0x2] =	stream.indirect_vreg.gather [hbm4b:s6+s3], $0x80, v20, vm0, $0xb8;
	[tilespmem:$0x18480] =	vst v63  }
0x5e5: {  	s10 =	simm.s32 $0xD480;
	v19 =	vadd.s32 v17, v19  }
0x5e6: {  	[tilespmem:s10], [sflag:$0x2] =	stream.indirect_vreg.gather [hbm4b:s8+s3], $0x80, v20, vm0, $0xb8;
	[tilespmem:$0x18480] =	vst v63  }
0x5e7: {  	s10 =	simm.s32 $0xDC80  }
0x5e8: {  	[tilespmem:s10], [sflag:$0x2] =	stream.indirect_vreg.gather [hbm4b:s9+s3], $0x80, v20, vm0, $0xb8;
	[tilespmem:$0x18480] =	vst v63  }
0x5e9: {  	s10 =	simm.s32 $0xE480  }
0x5ea: {  	[tilespmem:s10], [sflag:$0x2] =	stream.indirect_vreg.gather [hbm4b:s1+s3], $0x80, v19, vm0, $0xb8;
	[tilespmem:$0x18480] =	vst v63  }
0x5eb: {  	s10 =	simm.s32 $0xEC80  }
0x5ec: {  	[tilespmem:s10], [sflag:$0x2] =	stream.indirect_vreg.gather [hbm4b:s6+s3], $0x80, v19, vm0, $0xb8;
	[tilespmem:$0x18480] =	vst v63  }
0x5ed: {  	s10 =	simm.s32 $0xF480  }
0x5ee: {  	[tilespmem:s10], [sflag:$0x2] =	stream.indirect_vreg.gather [hbm4b:s8+s3], $0x80, v19, vm0, $0xb8;
	[tilespmem:$0x18480] =	vst v63  }
0x5ef: {  	_ = 	snop  }
0x5f0: {  	[tilespmem:s2], [sflag:$0x2] =	stream.indirect_vreg.gather [hbm4b:s9+s3], $0x80, v19, vm0, $0xb8;
	[tilespmem:$0x18480] =	vst v63  }
0x5f1: {  	_ =	swait.ge [sflag:s14], $0x8000  }
0x5f2: {  	s10 =	sld [smem:$0x7F8]  }
0x5f3: {  	[sflag:s14] =	ssyncset.done $0x0  }
0x5f4: {  	s2 =	simm.s32 $0x10480;
	[sflag:s14] =	ssyncadd.s32 $0xFFFF8000  }
0x5f5: {  	[hbm4b:s10+s3] =	stream.linear.scatter [tilespmem:s2], [sflag:$0x6], $0x8000, $0x38;
	[tilespmem:$0x18480] =	vst v63  }
0x5f6: {  	_ =	swait.ge [sflag:s0], $0x8000  }
0x5f7: {  	[sflag:s0] =	ssyncset.done $0x0  }
0x5f8: {  	[sflag:s0] =	ssyncadd.s32 $0xFFFF8000  }
0x5f9: {  	v19 =	vld [tilespmem:$0x420];
	_ =	sdelay $0x4  }
0x5fa: {  	v20 =	vshll.u32 v19, $0x3  }
0x5fb: {  	v19 =	vand.u32 $0x7, v19;
	v20 =	vand.u32 $0xFFFFFFC0, v20  }
0x5fc: {  	v19 =	vor.u32 v19, v20  }
0x5fd: {  	v20 =	vperm.xlane v19, v16;
	_ =	sdelay $0x1  }
0x5fe: {  	v20 =	vadd.s32 v17, v20;
	_ =	sdelay $0x4  }
0x5ff: {  	[tilespmem:s2], [sflag:$0x3] =	stream.indirect_vreg.gather [hbm4b:s1+s3], $0x80, v20, vm0, $0xb8;
	[tilespmem:$0x18480] =	vst v63  }
0x600: {  	s15 =	simm.s32 $0x10C80;
	v19 =	vperm.xlane v19, v18  }
0x601: {  	[tilespmem:s15], [sflag:$0x3] =	stream.indirect_vreg.gather [hbm4b:s6+s3], $0x80, v20, vm0, $0xb8;
	[tilespmem:$0x18480] =	vst v63  }
0x602: {  	v19 =	vadd.s32 v17, v19;
	s15 =	simm.s32 $0x11480  }
0x603: {  	[tilespmem:s15], [sflag:$0x3] =	stream.indirect_vreg.gather [hbm4b:s8+s3], $0x80, v20, vm0, $0xb8;
	[tilespmem:$0x18480] =	vst v63  }
0x604: {  	s24 =	simm.s32 $0x11C80  }
0x605: {  	[tilespmem:s24], [sflag:$0x3] =	stream.indirect_vreg.gather [hbm4b:s9+s3], $0x80, v20, vm0, $0xb8;
	[tilespmem:$0x18480] =	vst v63  }
0x606: {  	s24 =	simm.s32 $0x12480  }
0x607: {  	[tilespmem:s24], [sflag:$0x3] =	stream.indirect_vreg.gather [hbm4b:s1+s3], $0x80, v19, vm0, $0xb8;
	[tilespmem:$0x18480] =	vst v63  }
0x608: {  	s20 =	simm.s32 $0x12C80  }
0x609: {  	[tilespmem:s20], [sflag:$0x3] =	stream.indirect_vreg.gather [hbm4b:s6+s3], $0x80, v19, vm0, $0xb8;
	[tilespmem:$0x18480] =	vst v63  }
0x60a: {  	s19 =	simm.s32 $0x13480  }
0x60b: {  	[tilespmem:s19], [sflag:$0x3] =	stream.indirect_vreg.gather [hbm4b:s8+s3], $0x80, v19, vm0, $0xb8;
	[tilespmem:$0x18480] =	vst v63  }
0x60c: {  	s15 =	simm.s32 $0x13C80  }
0x60d: {  	[tilespmem:s15], [sflag:$0x3] =	stream.indirect_vreg.gather [hbm4b:s9+s3], $0x80, v19, vm0, $0xb8;
	[tilespmem:$0x18480] =	vst v63  }
0x60e: {  	v19 =	vld [tilespmem:$0x430];
	_ =	sdelay $0x4  }
0x60f: {  	v20 =	vshll.u32 v19, $0x3  }
0x610: {  	v19 =	vand.u32 $0x7, v19;
	v20 =	vand.u32 $0xFFFFFFC0, v20  }
0x611: {  	v19 =	vor.u32 v19, v20  }
0x612: {  	v20 =	vperm.xlane v19, v16;
	_ =	sdelay $0x1  }
0x613: {  	v20 =	vadd.s32 v17, v20;
	_ =	sdelay $0x3  }
0x614: {  	s19 =	simm.s32 $0x14480  }
0x615: {  	[tilespmem:s19], [sflag:$0x3] =	stream.indirect_vreg.gather [hbm4b:s1+s3], $0x80, v20, vm0, $0xb8;
	[tilespmem:$0x18480] =	vst v63  }
0x616: {  	s20 =	simm.s32 $0x14C80;
	v19 =	vperm.xlane v19, v18  }
0x617: {  	[tilespmem:s20], [sflag:$0x3] =	stream.indirect_vreg.gather [hbm4b:s6+s3], $0x80, v20, vm0, $0xb8;
	[tilespmem:$0x18480] =	vst v63  }
0x618: {  	s22 =	simm.s32 $0x15480;
	v19 =	vadd.s32 v17, v19  }
0x619: {  	[tilespmem:s22], [sflag:$0x3] =	stream.indirect_vreg.gather [hbm4b:s8+s3], $0x80, v20, vm0, $0xb8;
	[tilespmem:$0x18480] =	vst v63  }
0x61a: {  	s23 =	simm.s32 $0x15C80  }
0x61b: {  	[tilespmem:s23], [sflag:$0x3] =	stream.indirect_vreg.gather [hbm4b:s9+s3], $0x80, v20, vm0, $0xb8;
	[tilespmem:$0x18480] =	vst v63  }
0x61c: {  	s25 =	simm.s32 $0x16480  }
0x61d: {  	[tilespmem:s25], [sflag:$0x3] =	stream.indirect_vreg.gather [hbm4b:s1+s3], $0x80, v19, vm0, $0xb8;
	[tilespmem:$0x18480] =	vst v63  }
0x61e: {  	s26 =	simm.s32 $0x16C80  }
0x61f: {  	[tilespmem:s26], [sflag:$0x3] =	stream.indirect_vreg.gather [hbm4b:s6+s3], $0x80, v19, vm0, $0xb8;
	[tilespmem:$0x18480] =	vst v63  }
0x620: {  	s28 =	simm.s32 $0x17480  }
0x621: {  	[tilespmem:s28], [sflag:$0x3] =	stream.indirect_vreg.gather [hbm4b:s8+s3], $0x80, v19, vm0, $0xb8;
	[tilespmem:$0x18480] =	vst v63  }
0x622: {  	s5 =	simm.s32 $0x17C80  }
0x623: {  	[tilespmem:s5], [sflag:$0x3] =	stream.indirect_vreg.gather [hbm4b:s9+s3], $0x80, v19, vm0, $0xb8;
	[tilespmem:$0x18480] =	vst v63  }
0x624: {  	_ =	swait.ge [sflag:s16], $0x8000  }
0x625: {  	s22 =	sld [smem:$0x7F9]  }
0x626: {  	[sflag:s16] =	ssyncset.done $0x0  }
0x627: {  	s23 =	simm.s32 $0x480;
	[sflag:s16] =	ssyncadd.s32 $0xFFFF8000  }
0x628: {  	[hbm4b:s22+s3] =	stream.linear.scatter [tilespmem:s23], [sflag:$0x4], $0x8000, $0x38;
	[tilespmem:$0x18480] =	vst v63  }
0x629: {  	_ =	swait.ge [sflag:s29], $0x8000  }
0x62a: {  	[sflag:s29] =	ssyncset.done $0x0  }
0x62b: {  	[sflag:s29] =	ssyncadd.s32 $0xFFFF8000  }
0x62c: {  	v19 =	vld [tilespmem:$0x440];
	_ =	sdelay $0x4  }
0x62d: {  	v20 =	vshll.u32 v19, $0x3  }
0x62e: {  	v19 =	vand.u32 $0x7, v19;
	v20 =	vand.u32 $0xFFFFFFC0, v20  }
0x62f: {  	v19 =	vor.u32 v19, v20  }
0x630: {  	v20 =	vperm.xlane v19, v16;
	_ =	sdelay $0x1  }
0x631: {  	v20 =	vadd.s32 v17, v20;
	_ =	sdelay $0x4  }
0x632: {  	[tilespmem:s23], [sflag:$0x1] =	stream.indirect_vreg.gather [hbm4b:s1+s3], $0x80, v20, vm0, $0xb8;
	[tilespmem:$0x18480] =	vst v63  }
0x633: {  	s24 =	simm.s32 $0xC80;
	v19 =	vperm.xlane v19, v18  }
0x634: {  	[tilespmem:s24], [sflag:$0x1] =	stream.indirect_vreg.gather [hbm4b:s6+s3], $0x80, v20, vm0, $0xb8;
	[tilespmem:$0x18480] =	vst v63  }
0x635: {  	s25 =	simm.s32 $0x1480;
	v19 =	vadd.s32 v17, v19  }
0x636: {  	[tilespmem:s25], [sflag:$0x1] =	stream.indirect_vreg.gather [hbm4b:s8+s3], $0x80, v20, vm0, $0xb8;
	[tilespmem:$0x18480] =	vst v63  }
0x637: {  	s26 =	simm.s32 $0x1C80  }
0x638: {  	[tilespmem:s26], [sflag:$0x1] =	stream.indirect_vreg.gather [hbm4b:s9+s3], $0x80, v20, vm0, $0xb8;
	[tilespmem:$0x18480] =	vst v63  }
0x639: {  	s21 =	simm.s32 $0x2480  }
0x63a: {  	[tilespmem:s21], [sflag:$0x1] =	stream.indirect_vreg.gather [hbm4b:s1+s3], $0x80, v19, vm0, $0xb8;
	[tilespmem:$0x18480] =	vst v63  }
0x63b: {  	s28 =	simm.s32 $0x2C80  }
0x63c: {  	[tilespmem:s28], [sflag:$0x1] =	stream.indirect_vreg.gather [hbm4b:s6+s3], $0x80, v19, vm0, $0xb8;
	[tilespmem:$0x18480] =	vst v63  }
0x63d: {  	s15 =	simm.s32 $0x3480  }
0x63e: {  	[tilespmem:s15], [sflag:$0x1] =	stream.indirect_vreg.gather [hbm4b:s8+s3], $0x80, v19, vm0, $0xb8;
	[tilespmem:$0x18480] =	vst v63  }
0x63f: {  	s7 =	simm.s32 $0x3C80  }
0x640: {  	[tilespmem:s7], [sflag:$0x1] =	stream.indirect_vreg.gather [hbm4b:s9+s3], $0x80, v19, vm0, $0xb8;
	[tilespmem:$0x18480] =	vst v63  }
0x641: {  	v19 =	vld [tilespmem:$0x450];
	_ =	sdelay $0x4  }
0x642: {  	v20 =	vshll.u32 v19, $0x3  }
0x643: {  	v19 =	vand.u32 $0x7, v19;
	v20 =	vand.u32 $0xFFFFFFC0, v20  }
0x644: {  	v19 =	vor.u32 v19, v20  }
0x645: {  	v20 =	vperm.xlane v19, v16;
	_ =	sdelay $0x1  }
0x646: {  	v20 =	vadd.s32 v17, v20;
	_ =	sdelay $0x3  }
0x647: {  	s17 =	simm.s32 $0x4480  }
0x648: {  	[tilespmem:s17], [sflag:$0x1] =	stream.indirect_vreg.gather [hbm4b:s1+s3], $0x80, v20, vm0, $0xb8;
	[tilespmem:$0x18480] =	vst v63  }
0x649: {  	s18 =	simm.s32 $0x4C80;
	v19 =	vperm.xlane v19, v18  }
0x64a: {  	[tilespmem:s18], [sflag:$0x1] =	stream.indirect_vreg.gather [hbm4b:s6+s3], $0x80, v20, vm0, $0xb8;
	[tilespmem:$0x18480] =	vst v63  }
0x64b: {  	v19 =	vadd.s32 v17, v19;
	s17 =	simm.s32 $0x5480  }
0x64c: {  	[tilespmem:s17], [sflag:$0x1] =	stream.indirect_vreg.gather [hbm4b:s8+s3], $0x80, v20, vm0, $0xb8;
	[tilespmem:$0x18480] =	vst v63  }
0x64d: {  	s18 =	simm.s32 $0x5C80  }
0x64e: {  	[tilespmem:s18], [sflag:$0x1] =	stream.indirect_vreg.gather [hbm4b:s9+s3], $0x80, v20, vm0, $0xb8;
	[tilespmem:$0x18480] =	vst v63  }
0x64f: {  	s19 =	simm.s32 $0x6480  }
0x650: {  	[tilespmem:s19], [sflag:$0x1] =	stream.indirect_vreg.gather [hbm4b:s1+s3], $0x80, v19, vm0, $0xb8;
	[tilespmem:$0x18480] =	vst v63  }
0x651: {  	s20 =	simm.s32 $0x6C80  }
0x652: {  	[tilespmem:s20], [sflag:$0x1] =	stream.indirect_vreg.gather [hbm4b:s6+s3], $0x80, v19, vm0, $0xb8;
	[tilespmem:$0x18480] =	vst v63  }
0x653: {  	s21 =	simm.s32 $0x7480  }
0x654: {  	[tilespmem:s21], [sflag:$0x1] =	stream.indirect_vreg.gather [hbm4b:s8+s3], $0x80, v19, vm0, $0xb8;
	[tilespmem:$0x18480] =	vst v63  }
0x655: {  	s22 =	simm.s32 $0x7C80  }
0x656: {  	[tilespmem:s22], [sflag:$0x1] =	stream.indirect_vreg.gather [hbm4b:s9+s3], $0x80, v19, vm0, $0xb8;
	[tilespmem:$0x18480] =	vst v63  }
0x657: {  	_ =	swait.ge [sflag:s30], $0x8000  }
0x658: {  	s23 =	sld [smem:$0x7FA]  }
0x659: {  	[sflag:s30] =	ssyncset.done $0x0  }
0x65a: {  	s4 =	simm.s32 $0x8480;
	[sflag:s30] =	ssyncadd.s32 $0xFFFF8000  }
0x65b: {  	[hbm4b:s23+s3] =	stream.linear.scatter [tilespmem:s4], [sflag:$0x5], $0x8000, $0x38;
	[tilespmem:$0x18480] =	vst v63  }
0x65c: {  	_ =	swait.ge [sflag:s31], $0x8000  }
0x65d: {  	[sflag:s31] =	ssyncset.done $0x0  }
0x65e: {  	[sflag:s31] =	ssyncadd.s32 $0xFFFF8000  }
0x65f: {  	v19 =	vld [tilespmem:$0x460];
	_ =	sdelay $0x4  }
0x660: {  	v20 =	vshll.u32 v19, $0x3  }
0x661: {  	v19 =	vand.u32 $0x7, v19;
	v20 =	vand.u32 $0xFFFFFFC0, v20  }
0x662: {  	v19 =	vor.u32 v19, v20  }
0x663: {  	v20 =	vperm.xlane v19, v16;
	_ =	sdelay $0x1  }
0x664: {  	v20 =	vadd.s32 v17, v20;
	_ =	sdelay $0x4  }
0x665: {  	[tilespmem:s4], [sflag:$0x2] =	stream.indirect_vreg.gather [hbm4b:s1+s3], $0x80, v20, vm0, $0xb8;
	[tilespmem:$0x18480] =	vst v63  }
0x666: {  	s24 =	simm.s32 $0x8C80;
	v19 =	vperm.xlane v19, v18  }
0x667: {  	[tilespmem:s24], [sflag:$0x2] =	stream.indirect_vreg.gather [hbm4b:s6+s3], $0x80, v20, vm0, $0xb8;
	[tilespmem:$0x18480] =	vst v63  }
0x668: {  	s25 =	simm.s32 $0x9480;
	v19 =	vadd.s32 v17, v19  }
0x669: {  	[tilespmem:s25], [sflag:$0x2] =	stream.indirect_vreg.gather [hbm4b:s8+s3], $0x80, v20, vm0, $0xb8;
	[tilespmem:$0x18480] =	vst v63  }
0x66a: {  	s26 =	simm.s32 $0x9C80  }
0x66b: {  	[tilespmem:s26], [sflag:$0x2] =	stream.indirect_vreg.gather [hbm4b:s9+s3], $0x80, v20, vm0, $0xb8;
	[tilespmem:$0x18480] =	vst v63  }
0x66c: {  	s28 =	simm.s32 $0xA480  }
0x66d: {  	[tilespmem:s28], [sflag:$0x2] =	stream.indirect_vreg.gather [hbm4b:s1+s3], $0x80, v19, vm0, $0xb8;
	[tilespmem:$0x18480] =	vst v63  }
0x66e: {  	s10 =	simm.s32 $0xAC80  }
0x66f: {  	[tilespmem:s10], [sflag:$0x2] =	stream.indirect_vreg.gather [hbm4b:s6+s3], $0x80, v19, vm0, $0xb8;
	[tilespmem:$0x18480] =	vst v63  }
0x670: {  	s15 =	simm.s32 $0xB480  }
0x671: {  	[tilespmem:s15], [sflag:$0x2] =	stream.indirect_vreg.gather [hbm4b:s8+s3], $0x80, v19, vm0, $0xb8;
	[tilespmem:$0x18480] =	vst v63  }
0x672: {  	s11 =	simm.s32 $0xBC80  }
0x673: {  	[tilespmem:s11], [sflag:$0x2] =	stream.indirect_vreg.gather [hbm4b:s9+s3], $0x80, v19, vm0, $0xb8;
	[tilespmem:$0x18480] =	vst v63  }
0x674: {  	v19 =	vld [tilespmem:$0x470];
	_ =	sdelay $0x4  }
0x675: {  	v20 =	vshll.u32 v19, $0x3  }
0x676: {  	v19 =	vand.u32 $0x7, v19;
	v20 =	vand.u32 $0xFFFFFFC0, v20  }
0x677: {  	v19 =	vor.u32 v19, v20  }
0x678: {  	v20 =	vperm.xlane v19, v16;
	_ =	sdelay $0x1  }
0x679: {  	v20 =	vadd.s32 v17, v20;
	_ =	sdelay $0x3  }
0x67a: {  	s13 =	simm.s32 $0xC480  }
0x67b: {  	[tilespmem:s13], [sflag:$0x2] =	stream.indirect_vreg.gather [hbm4b:s1+s3], $0x80, v20, vm0, $0xb8;
	[tilespmem:$0x18480] =	vst v63  }
0x67c: {  	s12 =	simm.s32 $0xCC80;
	v19 =	vperm.xlane v19, v18  }
0x67d: {  	[tilespmem:s12], [sflag:$0x2] =	stream.indirect_vreg.gather [hbm4b:s6+s3], $0x80, v20, vm0, $0xb8;
	[tilespmem:$0x18480] =	vst v63  }
0x67e: {  	s17 =	simm.s32 $0xD480;
	v19 =	vadd.s32 v17, v19  }
0x67f: {  	[tilespmem:s17], [sflag:$0x2] =	stream.indirect_vreg.gather [hbm4b:s8+s3], $0x80, v20, vm0, $0xb8;
	[tilespmem:$0x18480] =	vst v63  }
0x680: {  	s18 =	simm.s32 $0xDC80  }
0x681: {  	[tilespmem:s18], [sflag:$0x2] =	stream.indirect_vreg.gather [hbm4b:s9+s3], $0x80, v20, vm0, $0xb8;
	[tilespmem:$0x18480] =	vst v63  }
0x682: {  	s19 =	simm.s32 $0xE480  }
0x683: {  	[tilespmem:s19], [sflag:$0x2] =	stream.indirect_vreg.gather [hbm4b:s1+s3], $0x80, v19, vm0, $0xb8;
	[tilespmem:$0x18480] =	vst v63  }
0x684: {  	s20 =	simm.s32 $0xEC80  }
0x685: {  	[tilespmem:s20], [sflag:$0x2] =	stream.indirect_vreg.gather [hbm4b:s6+s3], $0x80, v19, vm0, $0xb8;
	[tilespmem:$0x18480] =	vst v63  }
0x686: {  	s21 =	simm.s32 $0xF480  }
0x687: {  	[tilespmem:s21], [sflag:$0x2] =	stream.indirect_vreg.gather [hbm4b:s8+s3], $0x80, v19, vm0, $0xb8;
	[tilespmem:$0x18480] =	vst v63  }
0x688: {  	s22 =	simm.s32 $0xFC80  }
0x689: {  	[tilespmem:s22], [sflag:$0x2] =	stream.indirect_vreg.gather [hbm4b:s9+s3], $0x80, v19, vm0, $0xb8;
	[tilespmem:$0x18480] =	vst v63  }
0x68a: {  	_ =	swait.ge [sflag:s14], $0x8000  }
0x68b: {  	s23 =	sld [smem:$0x7FB]  }
0x68c: {  	[sflag:s14] =	ssyncset.done $0x0  }
0x68d: {  	s2 =	simm.s32 $0x10480;
	[sflag:s14] =	ssyncadd.s32 $0xFFFF8000  }
0x68e: {  	[hbm4b:s23+s3] =	stream.linear.scatter [tilespmem:s2], [sflag:$0x6], $0x8000, $0x38;
	[tilespmem:$0x18480] =	vst v63  }
0x68f: {  	_ =	swait.ge [sflag:s16], $0x8000  }
0x690: {  	s24 =	sld [smem:$0x7FC]  }
0x691: {  	[sflag:s16] =	ssyncset.done $0x0  }
0x692: {  	s5 =	simm.s32 $0x480;
	[sflag:s16] =	ssyncadd.s32 $0xFFFF8000  }
0x693: {  	[hbm4b:s24+s3] =	stream.linear.scatter [tilespmem:s5], [sflag:$0x4], $0x8000, $0x38;
	[tilespmem:$0x18480] =	vst v63  }
0x694: {  	_ =	swait.ge [sflag:s30], $0x8000  }
0x695: {  	s25 =	sld [smem:$0x7FD]  }
0x696: {  	[sflag:s30] =	ssyncset.done $0x0  }
0x697: {  	[sflag:s30] =	ssyncadd.s32 $0xFFFF8000  }
0x698: {  	[hbm4b:s25+s3] =	stream.linear.scatter [tilespmem:s4], [sflag:$0x5], $0x8000, $0x38;
	[tilespmem:$0x18480] =	vst v63  }
0x699: {  	_ =	swait.ge [sflag:s0], $0x8000  }
0x69a: {  	[sflag:s0] =	ssyncset.done $0x0  }
0x69b: {  	[sflag:s0] =	ssyncadd.s32 $0xFFFF8000  }
0x69c: {  	_ =	swait.ge [sflag:s29], $0x8000  }
0x69d: {  	[sflag:s29] =	ssyncset.done $0x0  }
0x69e: {  	[sflag:s29] =	ssyncadd.s32 $0xFFFF8000  }
0x69f: {  	_ =	swait.ge [sflag:s31], $0x8000  }
0x6a0: {  	s26 =	sld [smem:$0x7F6];
	_ =	sdelay $0x2  }
0x6a1: {  	s28 =	rddreg [dreg:$0x16];
	s4 =	sadd.s32 $0x1, s26  }
0x6a2: {  	p0 =	sne.s32 s4, s28  }
.Ltmp1:
0x6a3: {  	_ = 	snop;
	(pc) =	sbr.rel @p0 .LBB2_1-.Ltmp1, $3  }
0x6a4: {  	_ =	sdelay $0x1  }
0x6a5: {  	[sflag:s31] =	ssyncset.done $0x0  }
0x6a6: {  	[sflag:s31] =	ssyncadd.s32 $0xFFFF8000  }
0x6a7: {  	_ =	sfence.sel $0x180000  }
0x6a8: {  	[bflag:$0x0] =	sbarrier.arrive $0xFFFF  }
0x6a9: {  	_ =	strace $0x90000047  }
0x6aa: {  	s0 =	stileid.u32;
	[bflag:$0x2] =	sbarrier.arrive $0xFFFF  }
0x6ab: {  	p0 =	sne.s32 s0, $0x0;
	s0 =	rddreg [dreg:$0x3]  }
0x6ac: {  	s0 =	sadd.s32 @!p0 $0x100000, s0  }
0x6ad: {  	[sflag:s0] =	ssyncadd.tile.s32 @!p0 $0x1;
	_ =	shalt  }
.Lfunc_end2:
_tile_overlayer_lowered:
.L_overlay_start_2:
0x6ae: {  	(tag) =	ssettag $0x2  }
0x6af: {  	s0 =	rddreg [dreg:$0x0];
	s2 =	stileid.u32  }
0x6b0: {  	s1 =	rddreg [dreg:$0x1];
	p0 =	sne.s32 s2, $0x0  }
0x6b1: {  	s3 =	rddreg [dreg:$0x2];
	[bflag:$0x3] =	sbarrier.arrive $0xFFFF;
	s2 =	simm.s32 @!p0 $0x1C07  }
0x6b2: {  	[timem:s3], [sflag:s2] =	dma.local @!p0 [hbm:s0], s1  }
0x6b3: {  	s0 =	simm.s32 @!p0 $0x7  }
0x6b4: {  	_ =	swait.ge @!p0 [sflag:s0], s1  }
0x6b5: {  	s1 =	ssub.s32 @!p0 $0x0, s1;
	[sflag:s0] =	ssyncset.done @!p0 $0x0  }
0x6b6: {  	[sflag:s0] =	ssyncadd.s32 @!p0 s1  }
0x6b7: {  	[bflag:$0x3] =	sbarrier.arrive $0xFFFF  }
0x6b8: {  	_ =	shalt  }

</sc_bundles>
